<compile_context>
chip_gen: v7x
topology: tpu7x:2x2x1
jax: 0.10.2.dev20260603
libtpu: 0.0.44.dev20260713+nightly
codegen_flags: <defaults>
</compile_context>

<pallas_src>
import functools

import jax
import jax.numpy as jnp
from jax import lax
from jax.experimental import pallas as pl
from jax.experimental.pallas import tpu as pltpu
from jax.experimental.pallas import tpu_sc as plsc


def _make_sc_copy(N, H, rows_per_chunk, row0):
    info = plsc.get_sparse_core_info()
    NC, NS = info.num_cores, info.num_subcores
    NW = NC * NS
    b_per_w = N // NW
    nchunks = b_per_w // rows_per_chunk
    mesh = plsc.VectorSubcoreMesh(core_axis_name="c", subcore_axis_name="s")

    NBUF = 4
    R = rows_per_chunk

    @functools.partial(
        pl.kernel, mesh=mesh,
        out_type=jax.ShapeDtypeStruct((N, H), jnp.float32),
        scratch_types=[pltpu.VMEM((NBUF, R, H), jnp.float32)]
        + [pltpu.SemaphoreType.DMA] * (2 * NBUF),
    )
    def k(x_hbm, out_hbm, buf, *sems):
        gsem, ssem = sems[:NBUF], sems[NBUF:]
        wid = lax.axis_index("s") * NC + lax.axis_index("c")
        base = wid * b_per_w
        gh = [None] * NBUF
        sh = [None] * NBUF
        for b in range(min(NBUF, nchunks)):
            off = base + b * R
            gh[b] = pltpu.async_copy(
                x_hbm.at[pl.ds(row0 + off, R)], buf.at[b], gsem[b])
        for c in range(nchunks):
            b = c % NBUF
            off = base + c * R
            gh[b].wait()
            sh[b] = pltpu.async_copy(
                buf.at[b], out_hbm.at[pl.ds(off, R)], ssem[b])
            nc = c + NBUF
            if nc < nchunks:
                sh[b].wait()
                noff = base + nc * R
                gh[b] = pltpu.async_copy(
                    x_hbm.at[pl.ds(row0 + noff, R)], buf.at[b], gsem[b])
            else:
                sh[b].wait()

    return k


def _tc_copy_body(x_ref, o_ref):
    o_ref[...] = x_ref[...]


def _tc_copy(xf, n_out, T):
    N, h = xf.shape
    return pl.pallas_call(
        _tc_copy_body,
        grid=(n_out // T,),
        in_specs=[pl.BlockSpec((T, h), lambda i: (i, 0))],
        out_specs=pl.BlockSpec((T, h), lambda i: (i, 0)),
        out_shape=jax.ShapeDtypeStruct((n_out, h), xf.dtype),
        compiler_params=pltpu.CompilerParams(
            dimension_semantics=("parallel",)),
    )(xf)


def kernel(x, W_gate, W_model, b_model):
    b, l, h = x.shape
    N = b * l
    xf = x.reshape(N, h)
    N_TC = 9728
    N_SC = N - N_TC
    out_tc = _tc_copy(xf, N_TC, 512)
    out_sc = _make_sc_copy(N_SC, h, 8, N_TC)(xf)
    return (out_tc, out_sc)

# --- scband reference (transcript-rebuilt; emitter-appended) ---
"""Pipeline reference for scband-mo-f-72713796321645 (READ-ONLY COPY).

The authoritative reference and input builder live on the scoring server;
editing this copy changes nothing except your own understanding.
"""

import jax, jax.numpy as jnp
import numpy as np

B, L, H = 2, 8192, 2048
G_GROUPS, K = 16, 2
HPG = H // G_GROUPS  # 128
DK = K * HPG         # 256


def setup_inputs(seed: int = 0) -> dict:
    key = jax.random.key(seed)
    k1, k2, k3, k4 = jax.random.split(key, 4)
    x = jax.random.normal(k1, (B, L, H), dtype=jnp.float32)
    W_gate = jax.random.normal(k2, (G_GROUPS, H), dtype=jnp.float32) * 0.02
    W_model = jax.random.normal(k3, (DK, DK), dtype=jnp.float32) * 0.02
    b_model = jax.random.normal(k4, (DK,), dtype=jnp.float32) * 0.02
    return {"x": x, "W_gate": W_gate, "W_model": W_model, "b_model": b_model}


def reference(x, W_gate, W_model, b_model):
    b, l, h = x.shape
    g, k = G_GROUPS, K
    hpg = h // g
    # gate: Linear(hidden_dim, g, bias=False) then softmax
    S = jax.nn.softmax(jnp.einsum('blh,gh->blg', x, W_gate), axis=-1)
    Gv, I = jax.lax.top_k(S, k)            # [b, l, k]
    xr = x.reshape(b, l, g, hpg)
    # gather selected feature groups
    sel = jnp.take_along_axis(xr, I[..., None], axis=2)  # [b, l, k, hpg]
    sel = Gv[..., None] * sel
    flat = sel.reshape(b, l, k * hpg)
    # inner model: Linear(k*hpg, k*hpg)
    out = flat @ W_model.T + b_model
    out = out.reshape(b, l, k, hpg)
    # scatter processed groups back (top_k indices are distinct per token)
    bi = jnp.arange(b)[:, None, None]
    li = jnp.arange(l)[None, :, None]
    xr = xr.at[bi, li, I].set(out)
    return xr.reshape(b, l, h)

if __name__ == "__main__":
    import jax
    _d = setup_inputs()
    print(jax.jit(kernel)(*tuple(_d.values())))

</pallas_src>

<mosaic_0001>
#map = affine_map<(d0, d1) -> (0, 0)>
module attributes {stable_mosaic.version = 14 : i64} {
  func.func @k(%arg0: i32, %arg1: i32, %arg2: memref<16384x2048xf32, #tpu.memory_space<hbm>>, %arg3: memref<6656x2048xf32, #tpu.memory_space<hbm>>, %arg4: memref<4x8x2048xf32, #tpu.memory_space<vmem>>, %arg5: memref<!tpu.dma_semaphore, #tpu.memory_space<semaphore_mem>>, %arg6: memref<!tpu.dma_semaphore, #tpu.memory_space<semaphore_mem>>, %arg7: memref<!tpu.dma_semaphore, #tpu.memory_space<semaphore_mem>>, %arg8: memref<!tpu.dma_semaphore, #tpu.memory_space<semaphore_mem>>, %arg9: memref<!tpu.dma_semaphore, #tpu.memory_space<semaphore_mem>>, %arg10: memref<!tpu.dma_semaphore, #tpu.memory_space<semaphore_mem>>, %arg11: memref<!tpu.dma_semaphore, #tpu.memory_space<semaphore_mem>>, %arg12: memref<!tpu.dma_semaphore, #tpu.memory_space<semaphore_mem>>) attributes {dimension_semantics = [#tpu.dimension_semantics<core_parallel>, #tpu.dimension_semantics<subcore_parallel>], iteration_bounds = array<i64: 2, 16>, scalar_prefetch = 0 : i64, scratch_operands = 9 : i64, tpu.core_type = #tpu.core_type<sc_vector_subcore>, window_params = [{transform_indices = #map}, {transform_indices = #map}]} {
    %mul3A = arith.constant 2 : i32
    %mul3A_0 = arith.muli %arg1, %mul3A : i32
    %add3A = arith.addi %mul3A_0, %arg0 : i32
    %mul3A_1 = arith.constant 208 : i32
    %mul3A_2 = arith.muli %add3A, %mul3A_1 : i32
    %add3A_3 = arith.constant 0 : i32
    %add3A_4 = arith.addi %mul3A_2, %add3A_3 : i32
    %add3A_5 = arith.constant 9728 : i32
    %add3A_6 = arith.addi %add3A_5, %add3A_4 : i32
    %dma_start3A = arith.constant 0 : i32
    %dma_start3A_7 = arith.constant 0 : i32
    %dma_start3A_8 = arith.constant 0 : i32
    %dma_start3A_9 = tpu.memref_slice %arg4[%dma_start3A, %dma_start3A_7, %dma_start3A_8] : memref<4x8x2048xf32, #tpu.memory_space<vmem>> -> memref<1x8x2048xf32, #tpu.memory_space<vmem>>
    %dma_start3A_10 = tpu.memref_squeeze %dma_start3A_9 : memref<1x8x2048xf32, #tpu.memory_space<vmem>> -> memref<8x2048xf32, #tpu.memory_space<vmem>>
    %dma_start3A_11 = arith.constant 0 : i32
    %dma_start3A_12 = tpu.memref_slice %arg2[%add3A_6, %dma_start3A_11] : memref<16384x2048xf32, #tpu.memory_space<hbm>> -> memref<8x2048xf32, #tpu.memory_space<hbm>>
    %dma_start3A_13 = arith.constant 0 : i32
    %dma_start3A_14 = arith.constant 0 : i32
    %dma_start3A_15 = tpu.memref_slice %arg4[%dma_start3A, %dma_start3A_13, %dma_start3A_14] : memref<4x8x2048xf32, #tpu.memory_space<vmem>> -> memref<1x8x2048xf32, #tpu.memory_space<vmem>>
    %dma_start3A_16 = tpu.memref_squeeze %dma_start3A_15 : memref<1x8x2048xf32, #tpu.memory_space<vmem>> -> memref<8x2048xf32, #tpu.memory_space<vmem>>
    %dma_start3A_17 = arith.constant 0 : i32
    %dma_start3A_18 = tpu.memref_slice %arg2[%add3A_6, %dma_start3A_17] : memref<16384x2048xf32, #tpu.memory_space<hbm>> -> memref<8x2048xf32, #tpu.memory_space<hbm>>
    tpu.enqueue_dma source(%dma_start3A_18 : memref<8x2048xf32, #tpu.memory_space<hbm>>) target(%dma_start3A_16 : memref<8x2048xf32, #tpu.memory_space<vmem>>) target_semaphore(%arg5 : memref<!tpu.dma_semaphore, #tpu.memory_space<semaphore_mem>>)
    %add3A_19 = arith.constant 8 : i32
    %add3A_20 = arith.addi %mul3A_2, %add3A_19 : i32
    %add3A_21 = arith.constant 9728 : i32
    %add3A_22 = arith.addi %add3A_21, %add3A_20 : i32
    %dma_start3A_23 = arith.constant 1 : i32
    %dma_start3A_24 = arith.constant 0 : i32
    %dma_start3A_25 = arith.constant 0 : i32
    %dma_start3A_26 = tpu.memref_slice %arg4[%dma_start3A_23, %dma_start3A_24, %dma_start3A_25] : memref<4x8x2048xf32, #tpu.memory_space<vmem>> -> memref<1x8x2048xf32, #tpu.memory_space<vmem>>
    %dma_start3A_27 = tpu.memref_squeeze %dma_start3A_26 : memref<1x8x2048xf32, #tpu.memory_space<vmem>> -> memref<8x2048xf32, #tpu.memory_space<vmem>>
    %dma_start3A_28 = arith.constant 0 : i32
    %dma_start3A_29 = tpu.memref_slice %arg2[%add3A_22, %dma_start3A_28] : memref<16384x2048xf32, #tpu.memory_space<hbm>> -> memref<8x2048xf32, #tpu.memory_space<hbm>>
    %dma_start3A_30 = arith.constant 0 : i32
    %dma_start3A_31 = arith.constant 0 : i32
    %dma_start3A_32 = tpu.memref_slice %arg4[%dma_start3A_23, %dma_start3A_30, %dma_start3A_31] : memref<4x8x2048xf32, #tpu.memory_space<vmem>> -> memref<1x8x2048xf32, #tpu.memory_space<vmem>>
    %dma_start3A_33 = tpu.memref_squeeze %dma_start3A_32 : memref<1x8x2048xf32, #tpu.memory_space<vmem>> -> memref<8x2048xf32, #tpu.memory_space<vmem>>
    %dma_start3A_34 = arith.constant 0 : i32
    %dma_start3A_35 = tpu.memref_slice %arg2[%add3A_22, %dma_start3A_34] : memref<16384x2048xf32, #tpu.memory_space<hbm>> -> memref<8x2048xf32, #tpu.memory_space<hbm>>
    tpu.enqueue_dma source(%dma_start3A_35 : memref<8x2048xf32, #tpu.memory_space<hbm>>) target(%dma_start3A_33 : memref<8x2048xf32, #tpu.memory_space<vmem>>) target_semaphore(%arg6 : memref<!tpu.dma_semaphore, #tpu.memory_space<semaphore_mem>>)
    %add3A_36 = arith.constant 16 : i32
    %add3A_37 = arith.addi %mul3A_2, %add3A_36 : i32
    %add3A_38 = arith.constant 9728 : i32
    %add3A_39 = arith.addi %add3A_38, %add3A_37 : i32
    %dma_start3A_40 = arith.constant 2 : i32
    %dma_start3A_41 = arith.constant 0 : i32
    %dma_start3A_42 = arith.constant 0 : i32
    %dma_start3A_43 = tpu.memref_slice %arg4[%dma_start3A_40, %dma_start3A_41, %dma_start3A_42] : memref<4x8x2048xf32, #tpu.memory_space<vmem>> -> memref<1x8x2048xf32, #tpu.memory_space<vmem>>
    %dma_start3A_44 = tpu.memref_squeeze %dma_start3A_43 : memref<1x8x2048xf32, #tpu.memory_space<vmem>> -> memref<8x2048xf32, #tpu.memory_space<vmem>>
    %dma_start3A_45 = arith.constant 0 : i32
    %dma_start3A_46 = tpu.memref_slice %arg2[%add3A_39, %dma_start3A_45] : memref<16384x2048xf32, #tpu.memory_space<hbm>> -> memref<8x2048xf32, #tpu.memory_space<hbm>>
    %dma_start3A_47 = arith.constant 0 : i32
    %dma_start3A_48 = arith.constant 0 : i32
    %dma_start3A_49 = tpu.memref_slice %arg4[%dma_start3A_40, %dma_start3A_47, %dma_start3A_48] : memref<4x8x2048xf32, #tpu.memory_space<vmem>> -> memref<1x8x2048xf32, #tpu.memory_space<vmem>>
    %dma_start3A_50 = tpu.memref_squeeze %dma_start3A_49 : memref<1x8x2048xf32, #tpu.memory_space<vmem>> -> memref<8x2048xf32, #tpu.memory_space<vmem>>
    %dma_start3A_51 = arith.constant 0 : i32
    %dma_start3A_52 = tpu.memref_slice %arg2[%add3A_39, %dma_start3A_51] : memref<16384x2048xf32, #tpu.memory_space<hbm>> -> memref<8x2048xf32, #tpu.memory_space<hbm>>
    tpu.enqueue_dma source(%dma_start3A_52 : memref<8x2048xf32, #tpu.memory_space<hbm>>) target(%dma_start3A_50 : memref<8x2048xf32, #tpu.memory_space<vmem>>) target_semaphore(%arg7 : memref<!tpu.dma_semaphore, #tpu.memory_space<semaphore_mem>>)
    %add3A_53 = arith.constant 24 : i32
    %add3A_54 = arith.addi %mul3A_2, %add3A_53 : i32
    %add3A_55 = arith.constant 9728 : i32
    %add3A_56 = arith.addi %add3A_55, %add3A_54 : i32
    %dma_start3A_57 = arith.constant 3 : i32
    %dma_start3A_58 = arith.constant 0 : i32
    %dma_start3A_59 = arith.constant 0 : i32
    %dma_start3A_60 = tpu.memref_slice %arg4[%dma_start3A_57, %dma_start3A_58, %dma_start3A_59] : memref<4x8x2048xf32, #tpu.memory_space<vmem>> -> memref<1x8x2048xf32, #tpu.memory_space<vmem>>
    %dma_start3A_61 = tpu.memref_squeeze %dma_start3A_60 : memref<1x8x2048xf32, #tpu.memory_space<vmem>> -> memref<8x2048xf32, #tpu.memory_space<vmem>>
    %dma_start3A_62 = arith.constant 0 : i32
    %dma_start3A_63 = tpu.memref_slice %arg2[%add3A_56, %dma_start3A_62] : memref<16384x2048xf32, #tpu.memory_space<hbm>> -> memref<8x2048xf32, #tpu.memory_space<hbm>>
    %dma_start3A_64 = arith.constant 0 : i32
    %dma_start3A_65 = arith.constant 0 : i32
    %dma_start3A_66 = tpu.memref_slice %arg4[%dma_start3A_57, %dma_start3A_64, %dma_start3A_65] : memref<4x8x2048xf32, #tpu.memory_space<vmem>> -> memref<1x8x2048xf32, #tpu.memory_space<vmem>>
    %dma_start3A_67 = tpu.memref_squeeze %dma_start3A_66 : memref<1x8x2048xf32, #tpu.memory_space<vmem>> -> memref<8x2048xf32, #tpu.memory_space<vmem>>
    %dma_start3A_68 = arith.constant 0 : i32
    %dma_start3A_69 = tpu.memref_slice %arg2[%add3A_56, %dma_start3A_68] : memref<16384x2048xf32, #tpu.memory_space<hbm>> -> memref<8x2048xf32, #tpu.memory_space<hbm>>
    tpu.enqueue_dma source(%dma_start3A_69 : memref<8x2048xf32, #tpu.memory_space<hbm>>) target(%dma_start3A_67 : memref<8x2048xf32, #tpu.memory_space<vmem>>) target_semaphore(%arg8 : memref<!tpu.dma_semaphore, #tpu.memory_space<semaphore_mem>>)
    %add3A_70 = arith.constant 0 : i32
    %add3A_71 = arith.addi %mul3A_2, %add3A_70 : i32
    %dma_wait3A = arith.constant 0 : i32
    %dma_wait3A_72 = arith.constant 0 : i32
    %dma_wait3A_73 = arith.constant 0 : i32
    %dma_wait3A_74 = tpu.memref_slice %arg4[%dma_wait3A, %dma_wait3A_72, %dma_wait3A_73] : memref<4x8x2048xf32, #tpu.memory_space<vmem>> -> memref<1x8x2048xf32, #tpu.memory_space<vmem>>
    %dma_wait3A_75 = tpu.memref_squeeze %dma_wait3A_74 : memref<1x8x2048xf32, #tpu.memory_space<vmem>> -> memref<8x2048xf32, #tpu.memory_space<vmem>>
    %dma_wait3A_76 = arith.constant 0 : i32
    %dma_wait3A_77 = tpu.memref_slice %arg2[%add3A_6, %dma_wait3A_76] : memref<16384x2048xf32, #tpu.memory_space<hbm>> -> memref<8x2048xf32, #tpu.memory_space<hbm>>
    %dma_wait3A_78 = arith.constant 0 : i32
    %dma_wait3A_79 = arith.constant 0 : i32
    %dma_wait3A_80 = tpu.memref_slice %arg4[%dma_wait3A, %dma_wait3A_78, %dma_wait3A_79] : memref<4x8x2048xf32, #tpu.memory_space<vmem>> -> memref<1x8x2048xf32, #tpu.memory_space<vmem>>
    %dma_wait3A_81 = tpu.memref_squeeze %dma_wait3A_80 : memref<1x8x2048xf32, #tpu.memory_space<vmem>> -> memref<8x2048xf32, #tpu.memory_space<vmem>>
    %dma_wait3A_82 = arith.constant 0 : i32
    %dma_wait3A_83 = tpu.memref_slice %arg2[%add3A_6, %dma_wait3A_82] : memref<16384x2048xf32, #tpu.memory_space<hbm>> -> memref<8x2048xf32, #tpu.memory_space<hbm>>
    tpu.wait_dma2 semaphore(%arg5 : memref<!tpu.dma_semaphore, #tpu.memory_space<semaphore_mem>>) src(%dma_wait3A_83 : memref<8x2048xf32, #tpu.memory_space<hbm>>) dst(%dma_wait3A_81 : memref<8x2048xf32, #tpu.memory_space<vmem>>)
    %dma_start3A_84 = arith.constant 0 : i32
    %dma_start3A_85 = arith.constant 0 : i32
    %dma_start3A_86 = arith.constant 0 : i32
    %dma_start3A_87 = tpu.memref_slice %arg4[%dma_start3A_84, %dma_start3A_85, %dma_start3A_86] : memref<4x8x2048xf32, #tpu.memory_space<vmem>> -> memref<1x8x2048xf32, #tpu.memory_space<vmem>>
    %dma_start3A_88 = tpu.memref_squeeze %dma_start3A_87 : memref<1x8x2048xf32, #tpu.memory_space<vmem>> -> memref<8x2048xf32, #tpu.memory_space<vmem>>
    %dma_start3A_89 = arith.constant 0 : i32
    %dma_start3A_90 = tpu.memref_slice %arg3[%add3A_71, %dma_start3A_89] : memref<6656x2048xf32, #tpu.memory_space<hbm>> -> memref<8x2048xf32, #tpu.memory_space<hbm>>
    %dma_start3A_91 = arith.constant 0 : i32
    %dma_start3A_92 = tpu.memref_slice %arg3[%add3A_71, %dma_start3A_91] : memref<6656x2048xf32, #tpu.memory_space<hbm>> -> memref<8x2048xf32, #tpu.memory_space<hbm>>
    %dma_start3A_93 = arith.constant 0 : i32
    %dma_start3A_94 = arith.constant 0 : i32
    %dma_start3A_95 = tpu.memref_slice %arg4[%dma_start3A_84, %dma_start3A_93, %dma_start3A_94] : memref<4x8x2048xf32, #tpu.memory_space<vmem>> -> memref<1x8x2048xf32, #tpu.memory_space<vmem>>
    %dma_start3A_96 = tpu.memref_squeeze %dma_start3A_95 : memref<1x8x2048xf32, #tpu.memory_space<vmem>> -> memref<8x2048xf32, #tpu.memory_space<vmem>>
    tpu.enqueue_dma source(%dma_start3A_96 : memref<8x2048xf32, #tpu.memory_space<vmem>>) target(%dma_start3A_92 : memref<8x2048xf32, #tpu.memory_space<hbm>>) target_semaphore(%arg9 : memref<!tpu.dma_semaphore, #tpu.memory_space<semaphore_mem>>)
    %dma_wait3A_97 = arith.constant 0 : i32
    %dma_wait3A_98 = arith.constant 0 : i32
    %dma_wait3A_99 = arith.constant 0 : i32
    %dma_wait3A_100 = tpu.memref_slice %arg4[%dma_wait3A_97, %dma_wait3A_98, %dma_wait3A_99] : memref<4x8x2048xf32, #tpu.memory_space<vmem>> -> memref<1x8x2048xf32, #tpu.memory_space<vmem>>
    %dma_wait3A_101 = tpu.memref_squeeze %dma_wait3A_100 : memref<1x8x2048xf32, #tpu.memory_space<vmem>> -> memref<8x2048xf32, #tpu.memory_space<vmem>>
    %dma_wait3A_102 = arith.constant 0 : i32
    %dma_wait3A_103 = tpu.memref_slice %arg3[%add3A_71, %dma_wait3A_102] : memref<6656x2048xf32, #tpu.memory_space<hbm>> -> memref<8x2048xf32, #tpu.memory_space<hbm>>
    %dma_wait3A_104 = arith.constant 0 : i32
    %dma_wait3A_105 = tpu.memref_slice %arg3[%add3A_71, %dma_wait3A_104] : memref<6656x2048xf32, #tpu.memory_space<hbm>> -> memref<8x2048xf32, #tpu.memory_space<hbm>>
    %dma_wait3A_106 = arith.constant 0 : i32
    %dma_wait3A_107 = arith.constant 0 : i32
    %dma_wait3A_108 = tpu.memref_slice %arg4[%dma_wait3A_97, %dma_wait3A_106, %dma_wait3A_107] : memref<4x8x2048xf32, #tpu.memory_space<vmem>> -> memref<1x8x2048xf32, #tpu.memory_space<vmem>>
    %dma_wait3A_109 = tpu.memref_squeeze %dma_wait3A_108 : memref<1x8x2048xf32, #tpu.memory_space<vmem>> -> memref<8x2048xf32, #tpu.memory_space<vmem>>
    tpu.wait_dma2 semaphore(%arg9 : memref<!tpu.dma_semaphore, #tpu.memory_space<semaphore_mem>>) src(%dma_wait3A_109 : memref<8x2048xf32, #tpu.memory_space<vmem>>) dst(%dma_wait3A_105 : memref<8x2048xf32, #tpu.memory_space<hbm>>)
    %add3A_110 = arith.constant 32 : i32
    %add3A_111 = arith.addi %mul3A_2, %add3A_110 : i32
    %add3A_112 = arith.constant 9728 : i32
    %add3A_113 = arith.addi %add3A_112, %add3A_111 : i32
    %dma_start3A_114 = arith.constant 0 : i32
    %dma_start3A_115 = arith.constant 0 : i32
    %dma_start3A_116 = arith.constant 0 : i32
    %dma_start3A_117 = tpu.memref_slice %arg4[%dma_start3A_114, %dma_start3A_115, %dma_start3A_116] : memref<4x8x2048xf32, #tpu.memory_space<vmem>> -> memref<1x8x2048xf32, #tpu.memory_space<vmem>>
    %dma_start3A_118 = tpu.memref_squeeze %dma_start3A_117 : memref<1x8x2048xf32, #tpu.memory_space<vmem>> -> memref<8x2048xf32, #tpu.memory_space<vmem>>
    %dma_start3A_119 = arith.constant 0 : i32
    %dma_start3A_120 = tpu.memref_slice %arg2[%add3A_113, %dma_start3A_119] : memref<16384x2048xf32, #tpu.memory_space<hbm>> -> memref<8x2048xf32, #tpu.memory_space<hbm>>
    %dma_start3A_121 = arith.constant 0 : i32
    %dma_start3A_122 = arith.constant 0 : i32
    %dma_start3A_123 = tpu.memref_slice %arg4[%dma_start3A_114, %dma_start3A_121, %dma_start3A_122] : memref<4x8x2048xf32, #tpu.memory_space<vmem>> -> memref<1x8x2048xf32, #tpu.memory_space<vmem>>
    %dma_start3A_124 = tpu.memref_squeeze %dma_start3A_123 : memref<1x8x2048xf32, #tpu.memory_space<vmem>> -> memref<8x2048xf32, #tpu.memory_space<vmem>>
    %dma_start3A_125 = arith.constant 0 : i32
    %dma_start3A_126 = tpu.memref_slice %arg2[%add3A_113, %dma_start3A_125] : memref<16384x2048xf32, #tpu.memory_space<hbm>> -> memref<8x2048xf32, #tpu.memory_space<hbm>>
    tpu.enqueue_dma source(%dma_start3A_126 : memref<8x2048xf32, #tpu.memory_space<hbm>>) target(%dma_start3A_124 : memref<8x2048xf32, #tpu.memory_space<vmem>>) target_semaphore(%arg5 : memref<!tpu.dma_semaphore, #tpu.memory_space<semaphore_mem>>)
    %add3A_127 = arith.constant 8 : i32
    %add3A_128 = arith.addi %mul3A_2, %add3A_127 : i32
    %dma_wait3A_129 = arith.constant 1 : i32
    %dma_wait3A_130 = arith.constant 0 : i32
    %dma_wait3A_131 = arith.constant 0 : i32
    %dma_wait3A_132 = tpu.memref_slice %arg4[%dma_wait3A_129, %dma_wait3A_130, %dma_wait3A_131] : memref<4x8x2048xf32, #tpu.memory_space<vmem>> -> memref<1x8x2048xf32, #tpu.memory_space<vmem>>
    %dma_wait3A_133 = tpu.memref_squeeze %dma_wait3A_132 : memref<1x8x2048xf32, #tpu.memory_space<vmem>> -> memref<8x2048xf32, #tpu.memory_space<vmem>>
    %dma_wait3A_134 = arith.constant 0 : i32
    %dma_wait3A_135 = tpu.memref_slice %arg2[%add3A_22, %dma_wait3A_134] : memref<16384x2048xf32, #tpu.memory_space<hbm>> -> memref<8x2048xf32, #tpu.memory_space<hbm>>
    %dma_wait3A_136 = arith.constant 0 : i32
    %dma_wait3A_137 = arith.constant 0 : i32
    %dma_wait3A_138 = tpu.memref_slice %arg4[%dma_wait3A_129, %dma_wait3A_136, %dma_wait3A_137] : memref<4x8x2048xf32, #tpu.memory_space<vmem>> -> memref<1x8x2048xf32, #tpu.memory_space<vmem>>
    %dma_wait3A_139 = tpu.memref_squeeze %dma_wait3A_138 : memref<1x8x2048xf32, #tpu.memory_space<vmem>> -> memref<8x2048xf32, #tpu.memory_space<vmem>>
    %dma_wait3A_140 = arith.constant 0 : i32
    %dma_wait3A_141 = tpu.memref_slice %arg2[%add3A_22, %dma_wait3A_140] : memref<16384x2048xf32, #tpu.memory_space<hbm>> -> memref<8x2048xf32, #tpu.memory_space<hbm>>
    tpu.wait_dma2 semaphore(%arg6 : memref<!tpu.dma_semaphore, #tpu.memory_space<semaphore_mem>>) src(%dma_wait3A_141 : memref<8x2048xf32, #tpu.memory_space<hbm>>) dst(%dma_wait3A_139 : memref<8x2048xf32, #tpu.memory_space<vmem>>)
    %dma_start3A_142 = arith.constant 1 : i32
    %dma_start3A_143 = arith.constant 0 : i32
    %dma_start3A_144 = arith.constant 0 : i32
    %dma_start3A_145 = tpu.memref_slice %arg4[%dma_start3A_142, %dma_start3A_143, %dma_start3A_144] : memref<4x8x2048xf32, #tpu.memory_space<vmem>> -> memref<1x8x2048xf32, #tpu.memory_space<vmem>>
    %dma_start3A_146 = tpu.memref_squeeze %dma_start3A_145 : memref<1x8x2048xf32, #tpu.memory_space<vmem>> -> memref<8x2048xf32, #tpu.memory_space<vmem>>
    %dma_start3A_147 = arith.constant 0 : i32
    %dma_start3A_148 = tpu.memref_slice %arg3[%add3A_128, %dma_start3A_147] : memref<6656x2048xf32, #tpu.memory_space<hbm>> -> memref<8x2048xf32, #tpu.memory_space<hbm>>
    %dma_start3A_149 = arith.constant 0 : i32
    %dma_start3A_150 = tpu.memref_slice %arg3[%add3A_128, %dma_start3A_149] : memref<6656x2048xf32, #tpu.memory_space<hbm>> -> memref<8x2048xf32, #tpu.memory_space<hbm>>
    %dma_start3A_151 = arith.constant 0 : i32
    %dma_start3A_152 = arith.constant 0 : i32
    %dma_start3A_153 = tpu.memref_slice %arg4[%dma_start3A_142, %dma_start3A_151, %dma_start3A_152] : memref<4x8x2048xf32, #tpu.memory_space<vmem>> -> memref<1x8x2048xf32, #tpu.memory_space<vmem>>
    %dma_start3A_154 = tpu.memref_squeeze %dma_start3A_153 : memref<1x8x2048xf32, #tpu.memory_space<vmem>> -> memref<8x2048xf32, #tpu.memory_space<vmem>>
    tpu.enqueue_dma source(%dma_start3A_154 : memref<8x2048xf32, #tpu.memory_space<vmem>>) target(%dma_start3A_150 : memref<8x2048xf32, #tpu.memory_space<hbm>>) target_semaphore(%arg10 : memref<!tpu.dma_semaphore, #tpu.memory_space<semaphore_mem>>)
    %dma_wait3A_155 = arith.constant 1 : i32
    %dma_wait3A_156 = arith.constant 0 : i32
    %dma_wait3A_157 = arith.constant 0 : i32
    %dma_wait3A_158 = tpu.memref_slice %arg4[%dma_wait3A_155, %dma_wait3A_156, %dma_wait3A_157] : memref<4x8x2048xf32, #tpu.memory_space<vmem>> -> memref<1x8x2048xf32, #tpu.memory_space<vmem>>
    %dma_wait3A_159 = tpu.memref_squeeze %dma_wait3A_158 : memref<1x8x2048xf32, #tpu.memory_space<vmem>> -> memref<8x2048xf32, #tpu.memory_space<vmem>>
    %dma_wait3A_160 = arith.constant 0 : i32
    %dma_wait3A_161 = tpu.memref_slice %arg3[%add3A_128, %dma_wait3A_160] : memref<6656x2048xf32, #tpu.memory_space<hbm>> -> memref<8x2048xf32, #tpu.memory_space<hbm>>
    %dma_wait3A_162 = arith.constant 0 : i32
    %dma_wait3A_163 = tpu.memref_slice %arg3[%add3A_128, %dma_wait3A_162] : memref<6656x2048xf32, #tpu.memory_space<hbm>> -> memref<8x2048xf32, #tpu.memory_space<hbm>>
    %dma_wait3A_164 = arith.constant 0 : i32
    %dma_wait3A_165 = arith.constant 0 : i32
    %dma_wait3A_166 = tpu.memref_slice %arg4[%dma_wait3A_155, %dma_wait3A_164, %dma_wait3A_165] : memref<4x8x2048xf32, #tpu.memory_space<vmem>> -> memref<1x8x2048xf32, #tpu.memory_space<vmem>>
    %dma_wait3A_167 = tpu.memref_squeeze %dma_wait3A_166 : memref<1x8x2048xf32, #tpu.memory_space<vmem>> -> memref<8x2048xf32, #tpu.memory_space<vmem>>
    tpu.wait_dma2 semaphore(%arg10 : memref<!tpu.dma_semaphore, #tpu.memory_space<semaphore_mem>>) src(%dma_wait3A_167 : memref<8x2048xf32, #tpu.memory_space<vmem>>) dst(%dma_wait3A_163 : memref<8x2048xf32, #tpu.memory_space<hbm>>)
    %add3A_168 = arith.constant 40 : i32
    %add3A_169 = arith.addi %mul3A_2, %add3A_168 : i32
    %add3A_170 = arith.constant 9728 : i32
    %add3A_171 = arith.addi %add3A_170, %add3A_169 : i32
    %dma_start3A_172 = arith.constant 1 : i32
    %dma_start3A_173 = arith.constant 0 : i32
    %dma_start3A_174 = arith.constant 0 : i32
    %dma_start3A_175 = tpu.memref_slice %arg4[%dma_start3A_172, %dma_start3A_173, %dma_start3A_174] : memref<4x8x2048xf32, #tpu.memory_space<vmem>> -> memref<1x8x2048xf32, #tpu.memory_space<vmem>>
    %dma_start3A_176 = tpu.memref_squeeze %dma_start3A_175 : memref<1x8x2048xf32, #tpu.memory_space<vmem>> -> memref<8x2048xf32, #tpu.memory_space<vmem>>
    %dma_start3A_177 = arith.constant 0 : i32
    %dma_start3A_178 = tpu.memref_slice %arg2[%add3A_171, %dma_start3A_177] : memref<16384x2048xf32, #tpu.memory_space<hbm>> -> memref<8x2048xf32, #tpu.memory_space<hbm>>
    %dma_start3A_179 = arith.constant 0 : i32
    %dma_start3A_180 = arith.constant 0 : i32
    %dma_start3A_181 = tpu.memref_slice %arg4[%dma_start3A_172, %dma_start3A_179, %dma_start3A_180] : memref<4x8x2048xf32, #tpu.memory_space<vmem>> -> memref<1x8x2048xf32, #tpu.memory_space<vmem>>
    %dma_start3A_182 = tpu.memref_squeeze %dma_start3A_181 : memref<1x8x2048xf32, #tpu.memory_space<vmem>> -> memref<8x2048xf32, #tpu.memory_space<vmem>>
    %dma_start3A_183 = arith.constant 0 : i32
    %dma_start3A_184 = tpu.memref_slice %arg2[%add3A_171, %dma_start3A_183] : memref<16384x2048xf32, #tpu.memory_space<hbm>> -> memref<8x2048xf32, #tpu.memory_space<hbm>>
    tpu.enqueue_dma source(%dma_start3A_184 : memref<8x2048xf32, #tpu.memory_space<hbm>>) target(%dma_start3A_182 : memref<8x2048xf32, #tpu.memory_space<vmem>>) target_semaphore(%arg6 : memref<!tpu.dma_semaphore, #tpu.memory_space<semaphore_mem>>)
    %add3A_185 = arith.constant 16 : i32
    %add3A_186 = arith.addi %mul3A_2, %add3A_185 : i32
    %dma_wait3A_187 = arith.constant 2 : i32
    %dma_wait3A_188 = arith.constant 0 : i32
    %dma_wait3A_189 = arith.constant 0 : i32
    %dma_wait3A_190 = tpu.memref_slice %arg4[%dma_wait3A_187, %dma_wait3A_188, %dma_wait3A_189] : memref<4x8x2048xf32, #tpu.memory_space<vmem>> -> memref<1x8x2048xf32, #tpu.memory_space<vmem>>
    %dma_wait3A_191 = tpu.memref_squeeze %dma_wait3A_190 : memref<1x8x2048xf32, #tpu.memory_space<vmem>> -> memref<8x2048xf32, #tpu.memory_space<vmem>>
    %dma_wait3A_192 = arith.constant 0 : i32
    %dma_wait3A_193 = tpu.memref_slice %arg2[%add3A_39, %dma_wait3A_192] : memref<16384x2048xf32, #tpu.memory_space<hbm>> -> memref<8x2048xf32, #tpu.memory_space<hbm>>
    %dma_wait3A_194 = arith.constant 0 : i32
    %dma_wait3A_195 = arith.constant 0 : i32
    %dma_wait3A_196 = tpu.memref_slice %arg4[%dma_wait3A_187, %dma_wait3A_194, %dma_wait3A_195] : memref<4x8x2048xf32, #tpu.memory_space<vmem>> -> memref<1x8x2048xf32, #tpu.memory_space<vmem>>
    %dma_wait3A_197 = tpu.memref_squeeze %dma_wait3A_196 : memref<1x8x2048xf32, #tpu.memory_space<vmem>> -> memref<8x2048xf32, #tpu.memory_space<vmem>>
    %dma_wait3A_198 = arith.constant 0 : i32
    %dma_wait3A_199 = tpu.memref_slice %arg2[%add3A_39, %dma_wait3A_198] : memref<16384x2048xf32, #tpu.memory_space<hbm>> -> memref<8x2048xf32, #tpu.memory_space<hbm>>
    tpu.wait_dma2 semaphore(%arg7 : memref<!tpu.dma_semaphore, #tpu.memory_space<semaphore_mem>>) src(%dma_wait3A_199 : memref<8x2048xf32, #tpu.memory_space<hbm>>) dst(%dma_wait3A_197 : memref<8x2048xf32, #tpu.memory_space<vmem>>)
    %dma_start3A_200 = arith.constant 2 : i32
    %dma_start3A_201 = arith.constant 0 : i32
    %dma_start3A_202 = arith.constant 0 : i32
    %dma_start3A_203 = tpu.memref_slice %arg4[%dma_start3A_200, %dma_start3A_201, %dma_start3A_202] : memref<4x8x2048xf32, #tpu.memory_space<vmem>> -> memref<1x8x2048xf32, #tpu.memory_space<vmem>>
    %dma_start3A_204 = tpu.memref_squeeze %dma_start3A_203 : memref<1x8x2048xf32, #tpu.memory_space<vmem>> -> memref<8x2048xf32, #tpu.memory_space<vmem>>
    %dma_start3A_205 = arith.constant 0 : i32
    %dma_start3A_206 = tpu.memref_slice %arg3[%add3A_186, %dma_start3A_205] : memref<6656x2048xf32, #tpu.memory_space<hbm>> -> memref<8x2048xf32, #tpu.memory_space<hbm>>
    %dma_start3A_207 = arith.constant 0 : i32
    %dma_start3A_208 = tpu.memref_slice %arg3[%add3A_186, %dma_start3A_207] : memref<6656x2048xf32, #tpu.memory_space<hbm>> -> memref<8x2048xf32, #tpu.memory_space<hbm>>
    %dma_start3A_209 = arith.constant 0 : i32
    %dma_start3A_210 = arith.constant 0 : i32
    %dma_start3A_211 = tpu.memref_slice %arg4[%dma_start3A_200, %dma_start3A_209, %dma_start3A_210] : memref<4x8x2048xf32, #tpu.memory_space<vmem>> -> memref<1x8x2048xf32, #tpu.memory_space<vmem>>
    %dma_start3A_212 = tpu.memref_squeeze %dma_start3A_211 : memref<1x8x2048xf32, #tpu.memory_space<vmem>> -> memref<8x2048xf32, #tpu.memory_space<vmem>>
    tpu.enqueue_dma source(%dma_start3A_212 : memref<8x2048xf32, #tpu.memory_space<vmem>>) target(%dma_start3A_208 : memref<8x2048xf32, #tpu.memory_space<hbm>>) target_semaphore(%arg11 : memref<!tpu.dma_semaphore, #tpu.memory_space<semaphore_mem>>)
    %dma_wait3A_213 = arith.constant 2 : i32
    %dma_wait3A_214 = arith.constant 0 : i32
    %dma_wait3A_215 = arith.constant 0 : i32
    %dma_wait3A_216 = tpu.memref_slice %arg4[%dma_wait3A_213, %dma_wait3A_214, %dma_wait3A_215] : memref<4x8x2048xf32, #tpu.memory_space<vmem>> -> memref<1x8x2048xf32, #tpu.memory_space<vmem>>
    %dma_wait3A_217 = tpu.memref_squeeze %dma_wait3A_216 : memref<1x8x2048xf32, #tpu.memory_space<vmem>> -> memref<8x2048xf32, #tpu.memory_space<vmem>>
    %dma_wait3A_218 = arith.constant 0 : i32
    %dma_wait3A_219 = tpu.memref_slice %arg3[%add3A_186, %dma_wait3A_218] : memref<6656x2048xf32, #tpu.memory_space<hbm>> -> memref<8x2048xf32, #tpu.memory_space<hbm>>
    %dma_wait3A_220 = arith.constant 0 : i32
    %dma_wait3A_221 = tpu.memref_slice %arg3[%add3A_186, %dma_wait3A_220] : memref<6656x2048xf32, #tpu.memory_space<hbm>> -> memref<8x2048xf32, #tpu.memory_space<hbm>>
    %dma_wait3A_222 = arith.constant 0 : i32
    %dma_wait3A_223 = arith.constant 0 : i32
    %dma_wait3A_224 = tpu.memref_slice %arg4[%dma_wait3A_213, %dma_wait3A_222, %dma_wait3A_223] : memref<4x8x2048xf32, #tpu.memory_space<vmem>> -> memref<1x8x2048xf32, #tpu.memory_space<vmem>>
    %dma_wait3A_225 = tpu.memref_squeeze %dma_wait3A_224 : memref<1x8x2048xf32, #tpu.memory_space<vmem>> -> memref<8x2048xf32, #tpu.memory_space<vmem>>
    tpu.wait_dma2 semaphore(%arg11 : memref<!tpu.dma_semaphore, #tpu.memory_space<semaphore_mem>>) src(%dma_wait3A_225 : memref<8x2048xf32, #tpu.memory_space<vmem>>) dst(%dma_wait3A_221 : memref<8x2048xf32, #tpu.memory_space<hbm>>)
    %add3A_226 = arith.constant 48 : i32
    %add3A_227 = arith.addi %mul3A_2, %add3A_226 : i32
    %add3A_228 = arith.constant 9728 : i32
    %add3A_229 = arith.addi %add3A_228, %add3A_227 : i32
    %dma_start3A_230 = arith.constant 2 : i32
    %dma_start3A_231 = arith.constant 0 : i32
    %dma_start3A_232 = arith.constant 0 : i32
    %dma_start3A_233 = tpu.memref_slice %arg4[%dma_start3A_230, %dma_start3A_231, %dma_start3A_232] : memref<4x8x2048xf32, #tpu.memory_space<vmem>> -> memref<1x8x2048xf32, #tpu.memory_space<vmem>>
    %dma_start3A_234 = tpu.memref_squeeze %dma_start3A_233 : memref<1x8x2048xf32, #tpu.memory_space<vmem>> -> memref<8x2048xf32, #tpu.memory_space<vmem>>
    %dma_start3A_235 = arith.constant 0 : i32
    %dma_start3A_236 = tpu.memref_slice %arg2[%add3A_229, %dma_start3A_235] : memref<16384x2048xf32, #tpu.memory_space<hbm>> -> memref<8x2048xf32, #tpu.memory_space<hbm>>
    %dma_start3A_237 = arith.constant 0 : i32
    %dma_start3A_238 = arith.constant 0 : i32
    %dma_start3A_239 = tpu.memref_slice %arg4[%dma_start3A_230, %dma_start3A_237, %dma_start3A_238] : memref<4x8x2048xf32, #tpu.memory_space<vmem>> -> memref<1x8x2048xf32, #tpu.memory_space<vmem>>
    %dma_start3A_240 = tpu.memref_squeeze %dma_start3A_239 : memref<1x8x2048xf32, #tpu.memory_space<vmem>> -> memref<8x2048xf32, #tpu.memory_space<vmem>>
    %dma_start3A_241 = arith.constant 0 : i32
    %dma_start3A_242 = tpu.memref_slice %arg2[%add3A_229, %dma_start3A_241] : memref<16384x2048xf32, #tpu.memory_space<hbm>> -> memref<8x2048xf32, #tpu.memory_space<hbm>>
    tpu.enqueue_dma source(%dma_start3A_242 : memref<8x2048xf32, #tpu.memory_space<hbm>>) target(%dma_start3A_240 : memref<8x2048xf32, #tpu.memory_space<vmem>>) target_semaphore(%arg7 : memref<!tpu.dma_semaphore, #tpu.memory_space<semaphore_mem>>)
    %add3A_243 = arith.constant 24 : i32
    %add3A_244 = arith.addi %mul3A_2, %add3A_243 : i32
    %dma_wait3A_245 = arith.constant 3 : i32
    %dma_wait3A_246 = arith.constant 0 : i32
    %dma_wait3A_247 = arith.constant 0 : i32
    %dma_wait3A_248 = tpu.memref_slice %arg4[%dma_wait3A_245, %dma_wait3A_246, %dma_wait3A_247] : memref<4x8x2048xf32, #tpu.memory_space<vmem>> -> memref<1x8x2048xf32, #tpu.memory_space<vmem>>
    %dma_wait3A_249 = tpu.memref_squeeze %dma_wait3A_248 : memref<1x8x2048xf32, #tpu.memory_space<vmem>> -> memref<8x2048xf32, #tpu.memory_space<vmem>>
    %dma_wait3A_250 = arith.constant 0 : i32
    %dma_wait3A_251 = tpu.memref_slice %arg2[%add3A_56, %dma_wait3A_250] : memref<16384x2048xf32, #tpu.memory_space<hbm>> -> memref<8x2048xf32, #tpu.memory_space<hbm>>
    %dma_wait3A_252 = arith.constant 0 : i32
    %dma_wait3A_253 = arith.constant 0 : i32
    %dma_wait3A_254 = tpu.memref_slice %arg4[%dma_wait3A_245, %dma_wait3A_252, %dma_wait3A_253] : memref<4x8x2048xf32, #tpu.memory_space<vmem>> -> memref<1x8x2048xf32, #tpu.memory_space<vmem>>
    %dma_wait3A_255 = tpu.memref_squeeze %dma_wait3A_254 : memref<1x8x2048xf32, #tpu.memory_space<vmem>> -> memref<8x2048xf32, #tpu.memory_space<vmem>>
    %dma_wait3A_256 = arith.constant 0 : i32
    %dma_wait3A_257 = tpu.memref_slice %arg2[%add3A_56, %dma_wait3A_256] : memref<16384x2048xf32, #tpu.memory_space<hbm>> -> memref<8x2048xf32, #tpu.memory_space<hbm>>
    tpu.wait_dma2 semaphore(%arg8 : memref<!tpu.dma_semaphore, #tpu.memory_space<semaphore_mem>>) src(%dma_wait3A_257 : memref<8x2048xf32, #tpu.memory_space<hbm>>) dst(%dma_wait3A_255 : memref<8x2048xf32, #tpu.memory_space<vmem>>)
    %dma_start3A_258 = arith.constant 3 : i32
    %dma_start3A_259 = arith.constant 0 : i32
    %dma_start3A_260 = arith.constant 0 : i32
    %dma_start3A_261 = tpu.memref_slice %arg4[%dma_start3A_258, %dma_start3A_259, %dma_start3A_260] : memref<4x8x2048xf32, #tpu.memory_space<vmem>> -> memref<1x8x2048xf32, #tpu.memory_space<vmem>>
    %dma_start3A_262 = tpu.memref_squeeze %dma_start3A_261 : memref<1x8x2048xf32, #tpu.memory_space<vmem>> -> memref<8x2048xf32, #tpu.memory_space<vmem>>
    %dma_start3A_263 = arith.constant 0 : i32
    %dma_start3A_264 = tpu.memref_slice %arg3[%add3A_244, %dma_start3A_263] : memref<6656x2048xf32, #tpu.memory_space<hbm>> -> memref<8x2048xf32, #tpu.memory_space<hbm>>
    %dma_start3A_265 = arith.constant 0 : i32
    %dma_start3A_266 = tpu.memref_slice %arg3[%add3A_244, %dma_start3A_265] : memref<6656x2048xf32, #tpu.memory_space<hbm>> -> memref<8x2048xf32, #tpu.memory_space<hbm>>
    %dma_start3A_267 = arith.constant 0 : i32
    %dma_start3A_268 = arith.constant 0 : i32
    %dma_start3A_269 = tpu.memref_slice %arg4[%dma_start3A_258, %dma_start3A_267, %dma_start3A_268] : memref<4x8x2048xf32, #tpu.memory_space<vmem>> -> memref<1x8x2048xf32, #tpu.memory_space<vmem>>
    %dma_start3A_270 = tpu.memref_squeeze %dma_start3A_269 : memref<1x8x2048xf32, #tpu.memory_space<vmem>> -> memref<8x2048xf32, #tpu.memory_space<vmem>>
    tpu.enqueue_dma source(%dma_start3A_270 : memref<8x2048xf32, #tpu.memory_space<vmem>>) target(%dma_start3A_266 : memref<8x2048xf32, #tpu.memory_space<hbm>>) target_semaphore(%arg12 : memref<!tpu.dma_semaphore, #tpu.memory_space<semaphore_mem>>)
    %dma_wait3A_271 = arith.constant 3 : i32
    %dma_wait3A_272 = arith.constant 0 : i32
    %dma_wait3A_273 = arith.constant 0 : i32
    %dma_wait3A_274 = tpu.memref_slice %arg4[%dma_wait3A_271, %dma_wait3A_272, %dma_wait3A_273] : memref<4x8x2048xf32, #tpu.memory_space<vmem>> -> memref<1x8x2048xf32, #tpu.memory_space<vmem>>
    %dma_wait3A_275 = tpu.memref_squeeze %dma_wait3A_274 : memref<1x8x2048xf32, #tpu.memory_space<vmem>> -> memref<8x2048xf32, #tpu.memory_space<vmem>>
    %dma_wait3A_276 = arith.constant 0 : i32
    %dma_wait3A_277 = tpu.memref_slice %arg3[%add3A_244, %dma_wait3A_276] : memref<6656x2048xf32, #tpu.memory_space<hbm>> -> memref<8x2048xf32, #tpu.memory_space<hbm>>
    %dma_wait3A_278 = arith.constant 0 : i32
    %dma_wait3A_279 = tpu.memref_slice %arg3[%add3A_244, %dma_wait3A_278] : memref<6656x2048xf32, #tpu.memory_space<hbm>> -> memref<8x2048xf32, #tpu.memory_space<hbm>>
    %dma_wait3A_280 = arith.constant 0 : i32
    %dma_wait3A_281 = arith.constant 0 : i32
    %dma_wait3A_282 = tpu.memref_slice %arg4[%dma_wait3A_271, %dma_wait3A_280, %dma_wait3A_281] : memref<4x8x2048xf32, #tpu.memory_space<vmem>> -> memref<1x8x2048xf32, #tpu.memory_space<vmem>>
    %dma_wait3A_283 = tpu.memref_squeeze %dma_wait3A_282 : memref<1x8x2048xf32, #tpu.memory_space<vmem>> -> memref<8x2048xf32, #tpu.memory_space<vmem>>
    tpu.wait_dma2 semaphore(%arg12 : memref<!tpu.dma_semaphore, #tpu.memory_space<semaphore_mem>>) src(%dma_wait3A_283 : memref<8x2048xf32, #tpu.memory_space<vmem>>) dst(%dma_wait3A_279 : memref<8x2048xf32, #tpu.memory_space<hbm>>)
    %add3A_284 = arith.constant 56 : i32
    %add3A_285 = arith.addi %mul3A_2, %add3A_284 : i32
    %add3A_286 = arith.constant 9728 : i32
    %add3A_287 = arith.addi %add3A_286, %add3A_285 : i32
    %dma_start3A_288 = arith.constant 3 : i32
    %dma_start3A_289 = arith.constant 0 : i32
    %dma_start3A_290 = arith.constant 0 : i32
    %dma_start3A_291 = tpu.memref_slice %arg4[%dma_start3A_288, %dma_start3A_289, %dma_start3A_290] : memref<4x8x2048xf32, #tpu.memory_space<vmem>> -> memref<1x8x2048xf32, #tpu.memory_space<vmem>>
    %dma_start3A_292 = tpu.memref_squeeze %dma_start3A_291 : memref<1x8x2048xf32, #tpu.memory_space<vmem>> -> memref<8x2048xf32, #tpu.memory_space<vmem>>
    %dma_start3A_293 = arith.constant 0 : i32
    %dma_start3A_294 = tpu.memref_slice %arg2[%add3A_287, %dma_start3A_293] : memref<16384x2048xf32, #tpu.memory_space<hbm>> -> memref<8x2048xf32, #tpu.memory_space<hbm>>
    %dma_start3A_295 = arith.constant 0 : i32
    %dma_start3A_296 = arith.constant 0 : i32
    %dma_start3A_297 = tpu.memref_slice %arg4[%dma_start3A_288, %dma_start3A_295, %dma_start3A_296] : memref<4x8x2048xf32, #tpu.memory_space<vmem>> -> memref<1x8x2048xf32, #tpu.memory_space<vmem>>
    %dma_start3A_298 = tpu.memref_squeeze %dma_start3A_297 : memref<1x8x2048xf32, #tpu.memory_space<vmem>> -> memref<8x2048xf32, #tpu.memory_space<vmem>>
    %dma_start3A_299 = arith.constant 0 : i32
    %dma_start3A_300 = tpu.memref_slice %arg2[%add3A_287, %dma_start3A_299] : memref<16384x2048xf32, #tpu.memory_space<hbm>> -> memref<8x2048xf32, #tpu.memory_space<hbm>>
    tpu.enqueue_dma source(%dma_start3A_300 : memref<8x2048xf32, #tpu.memory_space<hbm>>) target(%dma_start3A_298 : memref<8x2048xf32, #tpu.memory_space<vmem>>) target_semaphore(%arg8 : memref<!tpu.dma_semaphore, #tpu.memory_space<semaphore_mem>>)
    %add3A_301 = arith.constant 32 : i32
    %add3A_302 = arith.addi %mul3A_2, %add3A_301 : i32
    %dma_wait3A_303 = arith.constant 0 : i32
    %dma_wait3A_304 = arith.constant 0 : i32
    %dma_wait3A_305 = arith.constant 0 : i32
    %dma_wait3A_306 = tpu.memref_slice %arg4[%dma_wait3A_303, %dma_wait3A_304, %dma_wait3A_305] : memref<4x8x2048xf32, #tpu.memory_space<vmem>> -> memref<1x8x2048xf32, #tpu.memory_space<vmem>>
    %dma_wait3A_307 = tpu.memref_squeeze %dma_wait3A_306 : memref<1x8x2048xf32, #tpu.memory_space<vmem>> -> memref<8x2048xf32, #tpu.memory_space<vmem>>
    %dma_wait3A_308 = arith.constant 0 : i32
    %dma_wait3A_309 = tpu.memref_slice %arg2[%add3A_113, %dma_wait3A_308] : memref<16384x2048xf32, #tpu.memory_space<hbm>> -> memref<8x2048xf32, #tpu.memory_space<hbm>>
    %dma_wait3A_310 = arith.constant 0 : i32
    %dma_wait3A_311 = arith.constant 0 : i32
    %dma_wait3A_312 = tpu.memref_slice %arg4[%dma_wait3A_303, %dma_wait3A_310, %dma_wait3A_311] : memref<4x8x2048xf32, #tpu.memory_space<vmem>> -> memref<1x8x2048xf32, #tpu.memory_space<vmem>>
    %dma_wait3A_313 = tpu.memref_squeeze %dma_wait3A_312 : memref<1x8x2048xf32, #tpu.memory_space<vmem>> -> memref<8x2048xf32, #tpu.memory_space<vmem>>
    %dma_wait3A_314 = arith.constant 0 : i32
    %dma_wait3A_315 = tpu.memref_slice %arg2[%add3A_113, %dma_wait3A_314] : memref<16384x2048xf32, #tpu.memory_space<hbm>> -> memref<8x2048xf32, #tpu.memory_space<hbm>>
    tpu.wait_dma2 semaphore(%arg5 : memref<!tpu.dma_semaphore, #tpu.memory_space<semaphore_mem>>) src(%dma_wait3A_315 : memref<8x2048xf32, #tpu.memory_space<hbm>>) dst(%dma_wait3A_313 : memref<8x2048xf32, #tpu.memory_space<vmem>>)
    %dma_start3A_316 = arith.constant 0 : i32
    %dma_start3A_317 = arith.constant 0 : i32
    %dma_start3A_318 = arith.constant 0 : i32
    %dma_start3A_319 = tpu.memref_slice %arg4[%dma_start3A_316, %dma_start3A_317, %dma_start3A_318] : memref<4x8x2048xf32, #tpu.memory_space<vmem>> -> memref<1x8x2048xf32, #tpu.memory_space<vmem>>
    %dma_start3A_320 = tpu.memref_squeeze %dma_start3A_319 : memref<1x8x2048xf32, #tpu.memory_space<vmem>> -> memref<8x2048xf32, #tpu.memory_space<vmem>>
    %dma_start3A_321 = arith.constant 0 : i32
    %dma_start3A_322 = tpu.memref_slice %arg3[%add3A_302, %dma_start3A_321] : memref<6656x2048xf32, #tpu.memory_space<hbm>> -> memref<8x2048xf32, #tpu.memory_space<hbm>>
    %dma_start3A_323 = arith.constant 0 : i32
    %dma_start3A_324 = tpu.memref_slice %arg3[%add3A_302, %dma_start3A_323] : memref<6656x2048xf32, #tpu.memory_space<hbm>> -> memref<8x2048xf32, #tpu.memory_space<hbm>>
    %dma_start3A_325 = arith.constant 0 : i32
    %dma_start3A_326 = arith.constant 0 : i32
    %dma_start3A_327 = tpu.memref_slice %arg4[%dma_start3A_316, %dma_start3A_325, %dma_start3A_326] : memref<4x8x2048xf32, #tpu.memory_space<vmem>> -> memref<1x8x2048xf32, #tpu.memory_space<vmem>>
    %dma_start3A_328 = tpu.memref_squeeze %dma_start3A_327 : memref<1x8x2048xf32, #tpu.memory_space<vmem>> -> memref<8x2048xf32, #tpu.memory_space<vmem>>
    tpu.enqueue_dma source(%dma_start3A_328 : memref<8x2048xf32, #tpu.memory_space<vmem>>) target(%dma_start3A_324 : memref<8x2048xf32, #tpu.memory_space<hbm>>) target_semaphore(%arg9 : memref<!tpu.dma_semaphore, #tpu.memory_space<semaphore_mem>>)
    %dma_wait3A_329 = arith.constant 0 : i32
    %dma_wait3A_330 = arith.constant 0 : i32
    %dma_wait3A_331 = arith.constant 0 : i32
    %dma_wait3A_332 = tpu.memref_slice %arg4[%dma_wait3A_329, %dma_wait3A_330, %dma_wait3A_331] : memref<4x8x2048xf32, #tpu.memory_space<vmem>> -> memref<1x8x2048xf32, #tpu.memory_space<vmem>>
    %dma_wait3A_333 = tpu.memref_squeeze %dma_wait3A_332 : memref<1x8x2048xf32, #tpu.memory_space<vmem>> -> memref<8x2048xf32, #tpu.memory_space<vmem>>
    %dma_wait3A_334 = arith.constant 0 : i32
    %dma_wait3A_335 = tpu.memref_slice %arg3[%add3A_302, %dma_wait3A_334] : memref<6656x2048xf32, #tpu.memory_space<hbm>> -> memref<8x2048xf32, #tpu.memory_space<hbm>>
    %dma_wait3A_336 = arith.constant 0 : i32
    %dma_wait3A_337 = tpu.memref_slice %arg3[%add3A_302, %dma_wait3A_336] : memref<6656x2048xf32, #tpu.memory_space<hbm>> -> memref<8x2048xf32, #tpu.memory_space<hbm>>
    %dma_wait3A_338 = arith.constant 0 : i32
    %dma_wait3A_339 = arith.constant 0 : i32
    %dma_wait3A_340 = tpu.memref_slice %arg4[%dma_wait3A_329, %dma_wait3A_338, %dma_wait3A_339] : memref<4x8x2048xf32, #tpu.memory_space<vmem>> -> memref<1x8x2048xf32, #tpu.memory_space<vmem>>
    %dma_wait3A_341 = tpu.memref_squeeze %dma_wait3A_340 : memref<1x8x2048xf32, #tpu.memory_space<vmem>> -> memref<8x2048xf32, #tpu.memory_space<vmem>>
    tpu.wait_dma2 semaphore(%arg9 : memref<!tpu.dma_semaphore, #tpu.memory_space<semaphore_mem>>) src(%dma_wait3A_341 : memref<8x2048xf32, #tpu.memory_space<vmem>>) dst(%dma_wait3A_337 : memref<8x2048xf32, #tpu.memory_space<hbm>>)
    %add3A_342 = arith.constant 64 : i32
    %add3A_343 = arith.addi %mul3A_2, %add3A_342 : i32
    %add3A_344 = arith.constant 9728 : i32
    %add3A_345 = arith.addi %add3A_344, %add3A_343 : i32
    %dma_start3A_346 = arith.constant 0 : i32
    %dma_start3A_347 = arith.constant 0 : i32
    %dma_start3A_348 = arith.constant 0 : i32
    %dma_start3A_349 = tpu.memref_slice %arg4[%dma_start3A_346, %dma_start3A_347, %dma_start3A_348] : memref<4x8x2048xf32, #tpu.memory_space<vmem>> -> memref<1x8x2048xf32, #tpu.memory_space<vmem>>
    %dma_start3A_350 = tpu.memref_squeeze %dma_start3A_349 : memref<1x8x2048xf32, #tpu.memory_space<vmem>> -> memref<8x2048xf32, #tpu.memory_space<vmem>>
    %dma_start3A_351 = arith.constant 0 : i32
    %dma_start3A_352 = tpu.memref_slice %arg2[%add3A_345, %dma_start3A_351] : memref<16384x2048xf32, #tpu.memory_space<hbm>> -> memref<8x2048xf32, #tpu.memory_space<hbm>>
    %dma_start3A_353 = arith.constant 0 : i32
    %dma_start3A_354 = arith.constant 0 : i32
    %dma_start3A_355 = tpu.memref_slice %arg4[%dma_start3A_346, %dma_start3A_353, %dma_start3A_354] : memref<4x8x2048xf32, #tpu.memory_space<vmem>> -> memref<1x8x2048xf32, #tpu.memory_space<vmem>>
    %dma_start3A_356 = tpu.memref_squeeze %dma_start3A_355 : memref<1x8x2048xf32, #tpu.memory_space<vmem>> -> memref<8x2048xf32, #tpu.memory_space<vmem>>
    %dma_start3A_357 = arith.constant 0 : i32
    %dma_start3A_358 = tpu.memref_slice %arg2[%add3A_345, %dma_start3A_357] : memref<16384x2048xf32, #tpu.memory_space<hbm>> -> memref<8x2048xf32, #tpu.memory_space<hbm>>
    tpu.enqueue_dma source(%dma_start3A_358 : memref<8x2048xf32, #tpu.memory_space<hbm>>) target(%dma_start3A_356 : memref<8x2048xf32, #tpu.memory_space<vmem>>) target_semaphore(%arg5 : memref<!tpu.dma_semaphore, #tpu.memory_space<semaphore_mem>>)
    %add3A_359 = arith.constant 40 : i32
    %add3A_360 = arith.addi %mul3A_2, %add3A_359 : i32
    %dma_wait3A_361 = arith.constant 1 : i32
    %dma_wait3A_362 = arith.constant 0 : i32
    %dma_wait3A_363 = arith.constant 0 : i32
    %dma_wait3A_364 = tpu.memref_slice %arg4[%dma_wait3A_361, %dma_wait3A_362, %dma_wait3A_363] : memref<4x8x2048xf32, #tpu.memory_space<vmem>> -> memref<1x8x2048xf32, #tpu.memory_space<vmem>>
    %dma_wait3A_365 = tpu.memref_squeeze %dma_wait3A_364 : memref<1x8x2048xf32, #tpu.memory_space<vmem>> -> memref<8x2048xf32, #tpu.memory_space<vmem>>
    %dma_wait3A_366 = arith.constant 0 : i32
    %dma_wait3A_367 = tpu.memref_slice %arg2[%add3A_171, %dma_wait3A_366] : memref<16384x2048xf32, #tpu.memory_space<hbm>> -> memref<8x2048xf32, #tpu.memory_space<hbm>>
    %dma_wait3A_368 = arith.constant 0 : i32
    %dma_wait3A_369 = arith.constant 0 : i32
    %dma_wait3A_370 = tpu.memref_slice %arg4[%dma_wait3A_361, %dma_wait3A_368, %dma_wait3A_369] : memref<4x8x2048xf32, #tpu.memory_space<vmem>> -> memref<1x8x2048xf32, #tpu.memory_space<vmem>>
    %dma_wait3A_371 = tpu.memref_squeeze %dma_wait3A_370 : memref<1x8x2048xf32, #tpu.memory_space<vmem>> -> memref<8x2048xf32, #tpu.memory_space<vmem>>
    %dma_wait3A_372 = arith.constant 0 : i32
    %dma_wait3A_373 = tpu.memref_slice %arg2[%add3A_171, %dma_wait3A_372] : memref<16384x2048xf32, #tpu.memory_space<hbm>> -> memref<8x2048xf32, #tpu.memory_space<hbm>>
    tpu.wait_dma2 semaphore(%arg6 : memref<!tpu.dma_semaphore, #tpu.memory_space<semaphore_mem>>) src(%dma_wait3A_373 : memref<8x2048xf32, #tpu.memory_space<hbm>>) dst(%dma_wait3A_371 : memref<8x2048xf32, #tpu.memory_space<vmem>>)
    %dma_start3A_374 = arith.constant 1 : i32
    %dma_start3A_375 = arith.constant 0 : i32
    %dma_start3A_376 = arith.constant 0 : i32
    %dma_start3A_377 = tpu.memref_slice %arg4[%dma_start3A_374, %dma_start3A_375, %dma_start3A_376] : memref<4x8x2048xf32, #tpu.memory_space<vmem>> -> memref<1x8x2048xf32, #tpu.memory_space<vmem>>
    %dma_start3A_378 = tpu.memref_squeeze %dma_start3A_377 : memref<1x8x2048xf32, #tpu.memory_space<vmem>> -> memref<8x2048xf32, #tpu.memory_space<vmem>>
    %dma_start3A_379 = arith.constant 0 : i32
    %dma_start3A_380 = tpu.memref_slice %arg3[%add3A_360, %dma_start3A_379] : memref<6656x2048xf32, #tpu.memory_space<hbm>> -> memref<8x2048xf32, #tpu.memory_space<hbm>>
    %dma_start3A_381 = arith.constant 0 : i32
    %dma_start3A_382 = tpu.memref_slice %arg3[%add3A_360, %dma_start3A_381] : memref<6656x2048xf32, #tpu.memory_space<hbm>> -> memref<8x2048xf32, #tpu.memory_space<hbm>>
    %dma_start3A_383 = arith.constant 0 : i32
    %dma_start3A_384 = arith.constant 0 : i32
    %dma_start3A_385 = tpu.memref_slice %arg4[%dma_start3A_374, %dma_start3A_383, %dma_start3A_384] : memref<4x8x2048xf32, #tpu.memory_space<vmem>> -> memref<1x8x2048xf32, #tpu.memory_space<vmem>>
    %dma_start3A_386 = tpu.memref_squeeze %dma_start3A_385 : memref<1x8x2048xf32, #tpu.memory_space<vmem>> -> memref<8x2048xf32, #tpu.memory_space<vmem>>
    tpu.enqueue_dma source(%dma_start3A_386 : memref<8x2048xf32, #tpu.memory_space<vmem>>) target(%dma_start3A_382 : memref<8x2048xf32, #tpu.memory_space<hbm>>) target_semaphore(%arg10 : memref<!tpu.dma_semaphore, #tpu.memory_space<semaphore_mem>>)
    %dma_wait3A_387 = arith.constant 1 : i32
    %dma_wait3A_388 = arith.constant 0 : i32
    %dma_wait3A_389 = arith.constant 0 : i32
    %dma_wait3A_390 = tpu.memref_slice %arg4[%dma_wait3A_387, %dma_wait3A_388, %dma_wait3A_389] : memref<4x8x2048xf32, #tpu.memory_space<vmem>> -> memref<1x8x2048xf32, #tpu.memory_space<vmem>>
    %dma_wait3A_391 = tpu.memref_squeeze %dma_wait3A_390 : memref<1x8x2048xf32, #tpu.memory_space<vmem>> -> memref<8x2048xf32, #tpu.memory_space<vmem>>
    %dma_wait3A_392 = arith.constant 0 : i32
    %dma_wait3A_393 = tpu.memref_slice %arg3[%add3A_360, %dma_wait3A_392] : memref<6656x2048xf32, #tpu.memory_space<hbm>> -> memref<8x2048xf32, #tpu.memory_space<hbm>>
    %dma_wait3A_394 = arith.constant 0 : i32
    %dma_wait3A_395 = tpu.memref_slice %arg3[%add3A_360, %dma_wait3A_394] : memref<6656x2048xf32, #tpu.memory_space<hbm>> -> memref<8x2048xf32, #tpu.memory_space<hbm>>
    %dma_wait3A_396 = arith.constant 0 : i32
    %dma_wait3A_397 = arith.constant 0 : i32
    %dma_wait3A_398 = tpu.memref_slice %arg4[%dma_wait3A_387, %dma_wait3A_396, %dma_wait3A_397] : memref<4x8x2048xf32, #tpu.memory_space<vmem>> -> memref<1x8x2048xf32, #tpu.memory_space<vmem>>
    %dma_wait3A_399 = tpu.memref_squeeze %dma_wait3A_398 : memref<1x8x2048xf32, #tpu.memory_space<vmem>> -> memref<8x2048xf32, #tpu.memory_space<vmem>>
    tpu.wait_dma2 semaphore(%arg10 : memref<!tpu.dma_semaphore, #tpu.memory_space<semaphore_mem>>) src(%dma_wait3A_399 : memref<8x2048xf32, #tpu.memory_space<vmem>>) dst(%dma_wait3A_395 : memref<8x2048xf32, #tpu.memory_space<hbm>>)
    %add3A_400 = arith.constant 72 : i32
    %add3A_401 = arith.addi %mul3A_2, %add3A_400 : i32
    %add3A_402 = arith.constant 9728 : i32
    %add3A_403 = arith.addi %add3A_402, %add3A_401 : i32
    %dma_start3A_404 = arith.constant 1 : i32
    %dma_start3A_405 = arith.constant 0 : i32
    %dma_start3A_406 = arith.constant 0 : i32
    %dma_start3A_407 = tpu.memref_slice %arg4[%dma_start3A_404, %dma_start3A_405, %dma_start3A_406] : memref<4x8x2048xf32, #tpu.memory_space<vmem>> -> memref<1x8x2048xf32, #tpu.memory_space<vmem>>
    %dma_start3A_408 = tpu.memref_squeeze %dma_start3A_407 : memref<1x8x2048xf32, #tpu.memory_space<vmem>> -> memref<8x2048xf32, #tpu.memory_space<vmem>>
    %dma_start3A_409 = arith.constant 0 : i32
    %dma_start3A_410 = tpu.memref_slice %arg2[%add3A_403, %dma_start3A_409] : memref<16384x2048xf32, #tpu.memory_space<hbm>> -> memref<8x2048xf32, #tpu.memory_space<hbm>>
    %dma_start3A_411 = arith.constant 0 : i32
    %dma_start3A_412 = arith.constant 0 : i32
    %dma_start3A_413 = tpu.memref_slice %arg4[%dma_start3A_404, %dma_start3A_411, %dma_start3A_412] : memref<4x8x2048xf32, #tpu.memory_space<vmem>> -> memref<1x8x2048xf32, #tpu.memory_space<vmem>>
    %dma_start3A_414 = tpu.memref_squeeze %dma_start3A_413 : memref<1x8x2048xf32, #tpu.memory_space<vmem>> -> memref<8x2048xf32, #tpu.memory_space<vmem>>
    %dma_start3A_415 = arith.constant 0 : i32
    %dma_start3A_416 = tpu.memref_slice %arg2[%add3A_403, %dma_start3A_415] : memref<16384x2048xf32, #tpu.memory_space<hbm>> -> memref<8x2048xf32, #tpu.memory_space<hbm>>
    tpu.enqueue_dma source(%dma_start3A_416 : memref<8x2048xf32, #tpu.memory_space<hbm>>) target(%dma_start3A_414 : memref<8x2048xf32, #tpu.memory_space<vmem>>) target_semaphore(%arg6 : memref<!tpu.dma_semaphore, #tpu.memory_space<semaphore_mem>>)
    %add3A_417 = arith.constant 48 : i32
    %add3A_418 = arith.addi %mul3A_2, %add3A_417 : i32
    %dma_wait3A_419 = arith.constant 2 : i32
    %dma_wait3A_420 = arith.constant 0 : i32
    %dma_wait3A_421 = arith.constant 0 : i32
    %dma_wait3A_422 = tpu.memref_slice %arg4[%dma_wait3A_419, %dma_wait3A_420, %dma_wait3A_421] : memref<4x8x2048xf32, #tpu.memory_space<vmem>> -> memref<1x8x2048xf32, #tpu.memory_space<vmem>>
    %dma_wait3A_423 = tpu.memref_squeeze %dma_wait3A_422 : memref<1x8x2048xf32, #tpu.memory_space<vmem>> -> memref<8x2048xf32, #tpu.memory_space<vmem>>
    %dma_wait3A_424 = arith.constant 0 : i32
    %dma_wait3A_425 = tpu.memref_slice %arg2[%add3A_229, %dma_wait3A_424] : memref<16384x2048xf32, #tpu.memory_space<hbm>> -> memref<8x2048xf32, #tpu.memory_space<hbm>>
    %dma_wait3A_426 = arith.constant 0 : i32
    %dma_wait3A_427 = arith.constant 0 : i32
    %dma_wait3A_428 = tpu.memref_slice %arg4[%dma_wait3A_419, %dma_wait3A_426, %dma_wait3A_427] : memref<4x8x2048xf32, #tpu.memory_space<vmem>> -> memref<1x8x2048xf32, #tpu.memory_space<vmem>>
    %dma_wait3A_429 = tpu.memref_squeeze %dma_wait3A_428 : memref<1x8x2048xf32, #tpu.memory_space<vmem>> -> memref<8x2048xf32, #tpu.memory_space<vmem>>
    %dma_wait3A_430 = arith.constant 0 : i32
    %dma_wait3A_431 = tpu.memref_slice %arg2[%add3A_229, %dma_wait3A_430] : memref<16384x2048xf32, #tpu.memory_space<hbm>> -> memref<8x2048xf32, #tpu.memory_space<hbm>>
    tpu.wait_dma2 semaphore(%arg7 : memref<!tpu.dma_semaphore, #tpu.memory_space<semaphore_mem>>) src(%dma_wait3A_431 : memref<8x2048xf32, #tpu.memory_space<hbm>>) dst(%dma_wait3A_429 : memref<8x2048xf32, #tpu.memory_space<vmem>>)
    %dma_start3A_432 = arith.constant 2 : i32
    %dma_start3A_433 = arith.constant 0 : i32
    %dma_start3A_434 = arith.constant 0 : i32
    %dma_start3A_435 = tpu.memref_slice %arg4[%dma_start3A_432, %dma_start3A_433, %dma_start3A_434] : memref<4x8x2048xf32, #tpu.memory_space<vmem>> -> memref<1x8x2048xf32, #tpu.memory_space<vmem>>
    %dma_start3A_436 = tpu.memref_squeeze %dma_start3A_435 : memref<1x8x2048xf32, #tpu.memory_space<vmem>> -> memref<8x2048xf32, #tpu.memory_space<vmem>>
    %dma_start3A_437 = arith.constant 0 : i32
    %dma_start3A_438 = tpu.memref_slice %arg3[%add3A_418, %dma_start3A_437] : memref<6656x2048xf32, #tpu.memory_space<hbm>> -> memref<8x2048xf32, #tpu.memory_space<hbm>>
    %dma_start3A_439 = arith.constant 0 : i32
    %dma_start3A_440 = tpu.memref_slice %arg3[%add3A_418, %dma_start3A_439] : memref<6656x2048xf32, #tpu.memory_space<hbm>> -> memref<8x2048xf32, #tpu.memory_space<hbm>>
    %dma_start3A_441 = arith.constant 0 : i32
    %dma_start3A_442 = arith.constant 0 : i32
    %dma_start3A_443 = tpu.memref_slice %arg4[%dma_start3A_432, %dma_start3A_441, %dma_start3A_442] : memref<4x8x2048xf32, #tpu.memory_space<vmem>> -> memref<1x8x2048xf32, #tpu.memory_space<vmem>>
    %dma_start3A_444 = tpu.memref_squeeze %dma_start3A_443 : memref<1x8x2048xf32, #tpu.memory_space<vmem>> -> memref<8x2048xf32, #tpu.memory_space<vmem>>
    tpu.enqueue_dma source(%dma_start3A_444 : memref<8x2048xf32, #tpu.memory_space<vmem>>) target(%dma_start3A_440 : memref<8x2048xf32, #tpu.memory_space<hbm>>) target_semaphore(%arg11 : memref<!tpu.dma_semaphore, #tpu.memory_space<semaphore_mem>>)
    %dma_wait3A_445 = arith.constant 2 : i32
    %dma_wait3A_446 = arith.constant 0 : i32
    %dma_wait3A_447 = arith.constant 0 : i32
    %dma_wait3A_448 = tpu.memref_slice %arg4[%dma_wait3A_445, %dma_wait3A_446, %dma_wait3A_447] : memref<4x8x2048xf32, #tpu.memory_space<vmem>> -> memref<1x8x2048xf32, #tpu.memory_space<vmem>>
    %dma_wait3A_449 = tpu.memref_squeeze %dma_wait3A_448 : memref<1x8x2048xf32, #tpu.memory_space<vmem>> -> memref<8x2048xf32, #tpu.memory_space<vmem>>
    %dma_wait3A_450 = arith.constant 0 : i32
    %dma_wait3A_451 = tpu.memref_slice %arg3[%add3A_418, %dma_wait3A_450] : memref<6656x2048xf32, #tpu.memory_space<hbm>> -> memref<8x2048xf32, #tpu.memory_space<hbm>>
    %dma_wait3A_452 = arith.constant 0 : i32
    %dma_wait3A_453 = tpu.memref_slice %arg3[%add3A_418, %dma_wait3A_452] : memref<6656x2048xf32, #tpu.memory_space<hbm>> -> memref<8x2048xf32, #tpu.memory_space<hbm>>
    %dma_wait3A_454 = arith.constant 0 : i32
    %dma_wait3A_455 = arith.constant 0 : i32
    %dma_wait3A_456 = tpu.memref_slice %arg4[%dma_wait3A_445, %dma_wait3A_454, %dma_wait3A_455] : memref<4x8x2048xf32, #tpu.memory_space<vmem>> -> memref<1x8x2048xf32, #tpu.memory_space<vmem>>
    %dma_wait3A_457 = tpu.memref_squeeze %dma_wait3A_456 : memref<1x8x2048xf32, #tpu.memory_space<vmem>> -> memref<8x2048xf32, #tpu.memory_space<vmem>>
    tpu.wait_dma2 semaphore(%arg11 : memref<!tpu.dma_semaphore, #tpu.memory_space<semaphore_mem>>) src(%dma_wait3A_457 : memref<8x2048xf32, #tpu.memory_space<vmem>>) dst(%dma_wait3A_453 : memref<8x2048xf32, #tpu.memory_space<hbm>>)
    %add3A_458 = arith.constant 80 : i32
    %add3A_459 = arith.addi %mul3A_2, %add3A_458 : i32
    %add3A_460 = arith.constant 9728 : i32
    %add3A_461 = arith.addi %add3A_460, %add3A_459 : i32
    %dma_start3A_462 = arith.constant 2 : i32
    %dma_start3A_463 = arith.constant 0 : i32
    %dma_start3A_464 = arith.constant 0 : i32
    %dma_start3A_465 = tpu.memref_slice %arg4[%dma_start3A_462, %dma_start3A_463, %dma_start3A_464] : memref<4x8x2048xf32, #tpu.memory_space<vmem>> -> memref<1x8x2048xf32, #tpu.memory_space<vmem>>
    %dma_start3A_466 = tpu.memref_squeeze %dma_start3A_465 : memref<1x8x2048xf32, #tpu.memory_space<vmem>> -> memref<8x2048xf32, #tpu.memory_space<vmem>>
    %dma_start3A_467 = arith.constant 0 : i32
    %dma_start3A_468 = tpu.memref_slice %arg2[%add3A_461, %dma_start3A_467] : memref<16384x2048xf32, #tpu.memory_space<hbm>> -> memref<8x2048xf32, #tpu.memory_space<hbm>>
    %dma_start3A_469 = arith.constant 0 : i32
    %dma_start3A_470 = arith.constant 0 : i32
    %dma_start3A_471 = tpu.memref_slice %arg4[%dma_start3A_462, %dma_start3A_469, %dma_start3A_470] : memref<4x8x2048xf32, #tpu.memory_space<vmem>> -> memref<1x8x2048xf32, #tpu.memory_space<vmem>>
    %dma_start3A_472 = tpu.memref_squeeze %dma_start3A_471 : memref<1x8x2048xf32, #tpu.memory_space<vmem>> -> memref<8x2048xf32, #tpu.memory_space<vmem>>
    %dma_start3A_473 = arith.constant 0 : i32
    %dma_start3A_474 = tpu.memref_slice %arg2[%add3A_461, %dma_start3A_473] : memref<16384x2048xf32, #tpu.memory_space<hbm>> -> memref<8x2048xf32, #tpu.memory_space<hbm>>
    tpu.enqueue_dma source(%dma_start3A_474 : memref<8x2048xf32, #tpu.memory_space<hbm>>) target(%dma_start3A_472 : memref<8x2048xf32, #tpu.memory_space<vmem>>) target_semaphore(%arg7 : memref<!tpu.dma_semaphore, #tpu.memory_space<semaphore_mem>>)
    %add3A_475 = arith.constant 56 : i32
    %add3A_476 = arith.addi %mul3A_2, %add3A_475 : i32
    %dma_wait3A_477 = arith.constant 3 : i32
    %dma_wait3A_478 = arith.constant 0 : i32
    %dma_wait3A_479 = arith.constant 0 : i32
    %dma_wait3A_480 = tpu.memref_slice %arg4[%dma_wait3A_477, %dma_wait3A_478, %dma_wait3A_479] : memref<4x8x2048xf32, #tpu.memory_space<vmem>> -> memref<1x8x2048xf32, #tpu.memory_space<vmem>>
    %dma_wait3A_481 = tpu.memref_squeeze %dma_wait3A_480 : memref<1x8x2048xf32, #tpu.memory_space<vmem>> -> memref<8x2048xf32, #tpu.memory_space<vmem>>
    %dma_wait3A_482 = arith.constant 0 : i32
    %dma_wait3A_483 = tpu.memref_slice %arg2[%add3A_287, %dma_wait3A_482] : memref<16384x2048xf32, #tpu.memory_space<hbm>> -> memref<8x2048xf32, #tpu.memory_space<hbm>>
    %dma_wait3A_484 = arith.constant 0 : i32
    %dma_wait3A_485 = arith.constant 0 : i32
    %dma_wait3A_486 = tpu.memref_slice %arg4[%dma_wait3A_477, %dma_wait3A_484, %dma_wait3A_485] : memref<4x8x2048xf32, #tpu.memory_space<vmem>> -> memref<1x8x2048xf32, #tpu.memory_space<vmem>>
    %dma_wait3A_487 = tpu.memref_squeeze %dma_wait3A_486 : memref<1x8x2048xf32, #tpu.memory_space<vmem>> -> memref<8x2048xf32, #tpu.memory_space<vmem>>
    %dma_wait3A_488 = arith.constant 0 : i32
    %dma_wait3A_489 = tpu.memref_slice %arg2[%add3A_287, %dma_wait3A_488] : memref<16384x2048xf32, #tpu.memory_space<hbm>> -> memref<8x2048xf32, #tpu.memory_space<hbm>>
    tpu.wait_dma2 semaphore(%arg8 : memref<!tpu.dma_semaphore, #tpu.memory_space<semaphore_mem>>) src(%dma_wait3A_489 : memref<8x2048xf32, #tpu.memory_space<hbm>>) dst(%dma_wait3A_487 : memref<8x2048xf32, #tpu.memory_space<vmem>>)
    %dma_start3A_490 = arith.constant 3 : i32
    %dma_start3A_491 = arith.constant 0 : i32
    %dma_start3A_492 = arith.constant 0 : i32
    %dma_start3A_493 = tpu.memref_slice %arg4[%dma_start3A_490, %dma_start3A_491, %dma_start3A_492] : memref<4x8x2048xf32, #tpu.memory_space<vmem>> -> memref<1x8x2048xf32, #tpu.memory_space<vmem>>
    %dma_start3A_494 = tpu.memref_squeeze %dma_start3A_493 : memref<1x8x2048xf32, #tpu.memory_space<vmem>> -> memref<8x2048xf32, #tpu.memory_space<vmem>>
    %dma_start3A_495 = arith.constant 0 : i32
    %dma_start3A_496 = tpu.memref_slice %arg3[%add3A_476, %dma_start3A_495] : memref<6656x2048xf32, #tpu.memory_space<hbm>> -> memref<8x2048xf32, #tpu.memory_space<hbm>>
    %dma_start3A_497 = arith.constant 0 : i32
    %dma_start3A_498 = tpu.memref_slice %arg3[%add3A_476, %dma_start3A_497] : memref<6656x2048xf32, #tpu.memory_space<hbm>> -> memref<8x2048xf32, #tpu.memory_space<hbm>>
    %dma_start3A_499 = arith.constant 0 : i32
    %dma_start3A_500 = arith.constant 0 : i32
    %dma_start3A_501 = tpu.memref_slice %arg4[%dma_start3A_490, %dma_start3A_499, %dma_start3A_500] : memref<4x8x2048xf32, #tpu.memory_space<vmem>> -> memref<1x8x2048xf32, #tpu.memory_space<vmem>>
    %dma_start3A_502 = tpu.memref_squeeze %dma_start3A_501 : memref<1x8x2048xf32, #tpu.memory_space<vmem>> -> memref<8x2048xf32, #tpu.memory_space<vmem>>
    tpu.enqueue_dma source(%dma_start3A_502 : memref<8x2048xf32, #tpu.memory_space<vmem>>) target(%dma_start3A_498 : memref<8x2048xf32, #tpu.memory_space<hbm>>) target_semaphore(%arg12 : memref<!tpu.dma_semaphore, #tpu.memory_space<semaphore_mem>>)
    %dma_wait3A_503 = arith.constant 3 : i32
    %dma_wait3A_504 = arith.constant 0 : i32
    %dma_wait3A_505 = arith.constant 0 : i32
    %dma_wait3A_506 = tpu.memref_slice %arg4[%dma_wait3A_503, %dma_wait3A_504, %dma_wait3A_505] : memref<4x8x2048xf32, #tpu.memory_space<vmem>> -> memref<1x8x2048xf32, #tpu.memory_space<vmem>>
    %dma_wait3A_507 = tpu.memref_squeeze %dma_wait3A_506 : memref<1x8x2048xf32, #tpu.memory_space<vmem>> -> memref<8x2048xf32, #tpu.memory_space<vmem>>
    %dma_wait3A_508 = arith.constant 0 : i32
    %dma_wait3A_509 = tpu.memref_slice %arg3[%add3A_476, %dma_wait3A_508] : memref<6656x2048xf32, #tpu.memory_space<hbm>> -> memref<8x2048xf32, #tpu.memory_space<hbm>>
    %dma_wait3A_510 = arith.constant 0 : i32
    %dma_wait3A_511 = tpu.memref_slice %arg3[%add3A_476, %dma_wait3A_510] : memref<6656x2048xf32, #tpu.memory_space<hbm>> -> memref<8x2048xf32, #tpu.memory_space<hbm>>
    %dma_wait3A_512 = arith.constant 0 : i32
    %dma_wait3A_513 = arith.constant 0 : i32
    %dma_wait3A_514 = tpu.memref_slice %arg4[%dma_wait3A_503, %dma_wait3A_512, %dma_wait3A_513] : memref<4x8x2048xf32, #tpu.memory_space<vmem>> -> memref<1x8x2048xf32, #tpu.memory_space<vmem>>
    %dma_wait3A_515 = tpu.memref_squeeze %dma_wait3A_514 : memref<1x8x2048xf32, #tpu.memory_space<vmem>> -> memref<8x2048xf32, #tpu.memory_space<vmem>>
    tpu.wait_dma2 semaphore(%arg12 : memref<!tpu.dma_semaphore, #tpu.memory_space<semaphore_mem>>) src(%dma_wait3A_515 : memref<8x2048xf32, #tpu.memory_space<vmem>>) dst(%dma_wait3A_511 : memref<8x2048xf32, #tpu.memory_space<hbm>>)
    %add3A_516 = arith.constant 88 : i32
    %add3A_517 = arith.addi %mul3A_2, %add3A_516 : i32
    %add3A_518 = arith.constant 9728 : i32
    %add3A_519 = arith.addi %add3A_518, %add3A_517 : i32
    %dma_start3A_520 = arith.constant 3 : i32
    %dma_start3A_521 = arith.constant 0 : i32
    %dma_start3A_522 = arith.constant 0 : i32
    %dma_start3A_523 = tpu.memref_slice %arg4[%dma_start3A_520, %dma_start3A_521, %dma_start3A_522] : memref<4x8x2048xf32, #tpu.memory_space<vmem>> -> memref<1x8x2048xf32, #tpu.memory_space<vmem>>
    %dma_start3A_524 = tpu.memref_squeeze %dma_start3A_523 : memref<1x8x2048xf32, #tpu.memory_space<vmem>> -> memref<8x2048xf32, #tpu.memory_space<vmem>>
    %dma_start3A_525 = arith.constant 0 : i32
    %dma_start3A_526 = tpu.memref_slice %arg2[%add3A_519, %dma_start3A_525] : memref<16384x2048xf32, #tpu.memory_space<hbm>> -> memref<8x2048xf32, #tpu.memory_space<hbm>>
    %dma_start3A_527 = arith.constant 0 : i32
    %dma_start3A_528 = arith.constant 0 : i32
    %dma_start3A_529 = tpu.memref_slice %arg4[%dma_start3A_520, %dma_start3A_527, %dma_start3A_528] : memref<4x8x2048xf32, #tpu.memory_space<vmem>> -> memref<1x8x2048xf32, #tpu.memory_space<vmem>>
    %dma_start3A_530 = tpu.memref_squeeze %dma_start3A_529 : memref<1x8x2048xf32, #tpu.memory_space<vmem>> -> memref<8x2048xf32, #tpu.memory_space<vmem>>
    %dma_start3A_531 = arith.constant 0 : i32
    %dma_start3A_532 = tpu.memref_slice %arg2[%add3A_519, %dma_start3A_531] : memref<16384x2048xf32, #tpu.memory_space<hbm>> -> memref<8x2048xf32, #tpu.memory_space<hbm>>
    tpu.enqueue_dma source(%dma_start3A_532 : memref<8x2048xf32, #tpu.memory_space<hbm>>) target(%dma_start3A_530 : memref<8x2048xf32, #tpu.memory_space<vmem>>) target_semaphore(%arg8 : memref<!tpu.dma_semaphore, #tpu.memory_space<semaphore_mem>>)
    %add3A_533 = arith.constant 64 : i32
    %add3A_534 = arith.addi %mul3A_2, %add3A_533 : i32
    %dma_wait3A_535 = arith.constant 0 : i32
    %dma_wait3A_536 = arith.constant 0 : i32
    %dma_wait3A_537 = arith.constant 0 : i32
    %dma_wait3A_538 = tpu.memref_slice %arg4[%dma_wait3A_535, %dma_wait3A_536, %dma_wait3A_537] : memref<4x8x2048xf32, #tpu.memory_space<vmem>> -> memref<1x8x2048xf32, #tpu.memory_space<vmem>>
    %dma_wait3A_539 = tpu.memref_squeeze %dma_wait3A_538 : memref<1x8x2048xf32, #tpu.memory_space<vmem>> -> memref<8x2048xf32, #tpu.memory_space<vmem>>
    %dma_wait3A_540 = arith.constant 0 : i32
    %dma_wait3A_541 = tpu.memref_slice %arg2[%add3A_345, %dma_wait3A_540] : memref<16384x2048xf32, #tpu.memory_space<hbm>> -> memref<8x2048xf32, #tpu.memory_space<hbm>>
    %dma_wait3A_542 = arith.constant 0 : i32
    %dma_wait3A_543 = arith.constant 0 : i32
    %dma_wait3A_544 = tpu.memref_slice %arg4[%dma_wait3A_535, %dma_wait3A_542, %dma_wait3A_543] : memref<4x8x2048xf32, #tpu.memory_space<vmem>> -> memref<1x8x2048xf32, #tpu.memory_space<vmem>>
    %dma_wait3A_545 = tpu.memref_squeeze %dma_wait3A_544 : memref<1x8x2048xf32, #tpu.memory_space<vmem>> -> memref<8x2048xf32, #tpu.memory_space<vmem>>
    %dma_wait3A_546 = arith.constant 0 : i32
    %dma_wait3A_547 = tpu.memref_slice %arg2[%add3A_345, %dma_wait3A_546] : memref<16384x2048xf32, #tpu.memory_space<hbm>> -> memref<8x2048xf32, #tpu.memory_space<hbm>>
    tpu.wait_dma2 semaphore(%arg5 : memref<!tpu.dma_semaphore, #tpu.memory_space<semaphore_mem>>) src(%dma_wait3A_547 : memref<8x2048xf32, #tpu.memory_space<hbm>>) dst(%dma_wait3A_545 : memref<8x2048xf32, #tpu.memory_space<vmem>>)
    %dma_start3A_548 = arith.constant 0 : i32
    %dma_start3A_549 = arith.constant 0 : i32
    %dma_start3A_550 = arith.constant 0 : i32
    %dma_start3A_551 = tpu.memref_slice %arg4[%dma_start3A_548, %dma_start3A_549, %dma_start3A_550] : memref<4x8x2048xf32, #tpu.memory_space<vmem>> -> memref<1x8x2048xf32, #tpu.memory_space<vmem>>
    %dma_start3A_552 = tpu.memref_squeeze %dma_start3A_551 : memref<1x8x2048xf32, #tpu.memory_space<vmem>> -> memref<8x2048xf32, #tpu.memory_space<vmem>>
    %dma_start3A_553 = arith.constant 0 : i32
    %dma_start3A_554 = tpu.memref_slice %arg3[%add3A_534, %dma_start3A_553] : memref<6656x2048xf32, #tpu.memory_space<hbm>> -> memref<8x2048xf32, #tpu.memory_space<hbm>>
    %dma_start3A_555 = arith.constant 0 : i32
    %dma_start3A_556 = tpu.memref_slice %arg3[%add3A_534, %dma_start3A_555] : memref<6656x2048xf32, #tpu.memory_space<hbm>> -> memref<8x2048xf32, #tpu.memory_space<hbm>>
    %dma_start3A_557 = arith.constant 0 : i32
    %dma_start3A_558 = arith.constant 0 : i32
    %dma_start3A_559 = tpu.memref_slice %arg4[%dma_start3A_548, %dma_start3A_557, %dma_start3A_558] : memref<4x8x2048xf32, #tpu.memory_space<vmem>> -> memref<1x8x2048xf32, #tpu.memory_space<vmem>>
    %dma_start3A_560 = tpu.memref_squeeze %dma_start3A_559 : memref<1x8x2048xf32, #tpu.memory_space<vmem>> -> memref<8x2048xf32, #tpu.memory_space<vmem>>
    tpu.enqueue_dma source(%dma_start3A_560 : memref<8x2048xf32, #tpu.memory_space<vmem>>) target(%dma_start3A_556 : memref<8x2048xf32, #tpu.memory_space<hbm>>) target_semaphore(%arg9 : memref<!tpu.dma_semaphore, #tpu.memory_space<semaphore_mem>>)
    %dma_wait3A_561 = arith.constant 0 : i32
    %dma_wait3A_562 = arith.constant 0 : i32
    %dma_wait3A_563 = arith.constant 0 : i32
    %dma_wait3A_564 = tpu.memref_slice %arg4[%dma_wait3A_561, %dma_wait3A_562, %dma_wait3A_563] : memref<4x8x2048xf32, #tpu.memory_space<vmem>> -> memref<1x8x2048xf32, #tpu.memory_space<vmem>>
    %dma_wait3A_565 = tpu.memref_squeeze %dma_wait3A_564 : memref<1x8x2048xf32, #tpu.memory_space<vmem>> -> memref<8x2048xf32, #tpu.memory_space<vmem>>
    %dma_wait3A_566 = arith.constant 0 : i32
    %dma_wait3A_567 = tpu.memref_slice %arg3[%add3A_534, %dma_wait3A_566] : memref<6656x2048xf32, #tpu.memory_space<hbm>> -> memref<8x2048xf32, #tpu.memory_space<hbm>>
    %dma_wait3A_568 = arith.constant 0 : i32
    %dma_wait3A_569 = tpu.memref_slice %arg3[%add3A_534, %dma_wait3A_568] : memref<6656x2048xf32, #tpu.memory_space<hbm>> -> memref<8x2048xf32, #tpu.memory_space<hbm>>
    %dma_wait3A_570 = arith.constant 0 : i32
    %dma_wait3A_571 = arith.constant 0 : i32
    %dma_wait3A_572 = tpu.memref_slice %arg4[%dma_wait3A_561, %dma_wait3A_570, %dma_wait3A_571] : memref<4x8x2048xf32, #tpu.memory_space<vmem>> -> memref<1x8x2048xf32, #tpu.memory_space<vmem>>
    %dma_wait3A_573 = tpu.memref_squeeze %dma_wait3A_572 : memref<1x8x2048xf32, #tpu.memory_space<vmem>> -> memref<8x2048xf32, #tpu.memory_space<vmem>>
    tpu.wait_dma2 semaphore(%arg9 : memref<!tpu.dma_semaphore, #tpu.memory_space<semaphore_mem>>) src(%dma_wait3A_573 : memref<8x2048xf32, #tpu.memory_space<vmem>>) dst(%dma_wait3A_569 : memref<8x2048xf32, #tpu.memory_space<hbm>>)
    %add3A_574 = arith.constant 96 : i32
    %add3A_575 = arith.addi %mul3A_2, %add3A_574 : i32
    %add3A_576 = arith.constant 9728 : i32
    %add3A_577 = arith.addi %add3A_576, %add3A_575 : i32
    %dma_start3A_578 = arith.constant 0 : i32
    %dma_start3A_579 = arith.constant 0 : i32
    %dma_start3A_580 = arith.constant 0 : i32
    %dma_start3A_581 = tpu.memref_slice %arg4[%dma_start3A_578, %dma_start3A_579, %dma_start3A_580] : memref<4x8x2048xf32, #tpu.memory_space<vmem>> -> memref<1x8x2048xf32, #tpu.memory_space<vmem>>
    %dma_start3A_582 = tpu.memref_squeeze %dma_start3A_581 : memref<1x8x2048xf32, #tpu.memory_space<vmem>> -> memref<8x2048xf32, #tpu.memory_space<vmem>>
    %dma_start3A_583 = arith.constant 0 : i32
    %dma_start3A_584 = tpu.memref_slice %arg2[%add3A_577, %dma_start3A_583] : memref<16384x2048xf32, #tpu.memory_space<hbm>> -> memref<8x2048xf32, #tpu.memory_space<hbm>>
    %dma_start3A_585 = arith.constant 0 : i32
    %dma_start3A_586 = arith.constant 0 : i32
    %dma_start3A_587 = tpu.memref_slice %arg4[%dma_start3A_578, %dma_start3A_585, %dma_start3A_586] : memref<4x8x2048xf32, #tpu.memory_space<vmem>> -> memref<1x8x2048xf32, #tpu.memory_space<vmem>>
    %dma_start3A_588 = tpu.memref_squeeze %dma_start3A_587 : memref<1x8x2048xf32, #tpu.memory_space<vmem>> -> memref<8x2048xf32, #tpu.memory_space<vmem>>
    %dma_start3A_589 = arith.constant 0 : i32
    %dma_start3A_590 = tpu.memref_slice %arg2[%add3A_577, %dma_start3A_589] : memref<16384x2048xf32, #tpu.memory_space<hbm>> -> memref<8x2048xf32, #tpu.memory_space<hbm>>
    tpu.enqueue_dma source(%dma_start3A_590 : memref<8x2048xf32, #tpu.memory_space<hbm>>) target(%dma_start3A_588 : memref<8x2048xf32, #tpu.memory_space<vmem>>) target_semaphore(%arg5 : memref<!tpu.dma_semaphore, #tpu.memory_space<semaphore_mem>>)
    %add3A_591 = arith.constant 72 : i32
    %add3A_592 = arith.addi %mul3A_2, %add3A_591 : i32
    %dma_wait3A_593 = arith.constant 1 : i32
    %dma_wait3A_594 = arith.constant 0 : i32
    %dma_wait3A_595 = arith.constant 0 : i32
    %dma_wait3A_596 = tpu.memref_slice %arg4[%dma_wait3A_593, %dma_wait3A_594, %dma_wait3A_595] : memref<4x8x2048xf32, #tpu.memory_space<vmem>> -> memref<1x8x2048xf32, #tpu.memory_space<vmem>>
    %dma_wait3A_597 = tpu.memref_squeeze %dma_wait3A_596 : memref<1x8x2048xf32, #tpu.memory_space<vmem>> -> memref<8x2048xf32, #tpu.memory_space<vmem>>
    %dma_wait3A_598 = arith.constant 0 : i32
    %dma_wait3A_599 = tpu.memref_slice %arg2[%add3A_403, %dma_wait3A_598] : memref<16384x2048xf32, #tpu.memory_space<hbm>> -> memref<8x2048xf32, #tpu.memory_space<hbm>>
    %dma_wait3A_600 = arith.constant 0 : i32
    %dma_wait3A_601 = arith.constant 0 : i32
    %dma_wait3A_602 = tpu.memref_slice %arg4[%dma_wait3A_593, %dma_wait3A_600, %dma_wait3A_601] : memref<4x8x2048xf32, #tpu.memory_space<vmem>> -> memref<1x8x2048xf32, #tpu.memory_space<vmem>>
    %dma_wait3A_603 = tpu.memref_squeeze %dma_wait3A_602 : memref<1x8x2048xf32, #tpu.memory_space<vmem>> -> memref<8x2048xf32, #tpu.memory_space<vmem>>
    %dma_wait3A_604 = arith.constant 0 : i32
    %dma_wait3A_605 = tpu.memref_slice %arg2[%add3A_403, %dma_wait3A_604] : memref<16384x2048xf32, #tpu.memory_space<hbm>> -> memref<8x2048xf32, #tpu.memory_space<hbm>>
    tpu.wait_dma2 semaphore(%arg6 : memref<!tpu.dma_semaphore, #tpu.memory_space<semaphore_mem>>) src(%dma_wait3A_605 : memref<8x2048xf32, #tpu.memory_space<hbm>>) dst(%dma_wait3A_603 : memref<8x2048xf32, #tpu.memory_space<vmem>>)
    %dma_start3A_606 = arith.constant 1 : i32
    %dma_start3A_607 = arith.constant 0 : i32
    %dma_start3A_608 = arith.constant 0 : i32
    %dma_start3A_609 = tpu.memref_slice %arg4[%dma_start3A_606, %dma_start3A_607, %dma_start3A_608] : memref<4x8x2048xf32, #tpu.memory_space<vmem>> -> memref<1x8x2048xf32, #tpu.memory_space<vmem>>
    %dma_start3A_610 = tpu.memref_squeeze %dma_start3A_609 : memref<1x8x2048xf32, #tpu.memory_space<vmem>> -> memref<8x2048xf32, #tpu.memory_space<vmem>>
    %dma_start3A_611 = arith.constant 0 : i32
    %dma_start3A_612 = tpu.memref_slice %arg3[%add3A_592, %dma_start3A_611] : memref<6656x2048xf32, #tpu.memory_space<hbm>> -> memref<8x2048xf32, #tpu.memory_space<hbm>>
    %dma_start3A_613 = arith.constant 0 : i32
    %dma_start3A_614 = tpu.memref_slice %arg3[%add3A_592, %dma_start3A_613] : memref<6656x2048xf32, #tpu.memory_space<hbm>> -> memref<8x2048xf32, #tpu.memory_space<hbm>>
    %dma_start3A_615 = arith.constant 0 : i32
    %dma_start3A_616 = arith.constant 0 : i32
    %dma_start3A_617 = tpu.memref_slice %arg4[%dma_start3A_606, %dma_start3A_615, %dma_start3A_616] : memref<4x8x2048xf32, #tpu.memory_space<vmem>> -> memref<1x8x2048xf32, #tpu.memory_space<vmem>>
    %dma_start3A_618 = tpu.memref_squeeze %dma_start3A_617 : memref<1x8x2048xf32, #tpu.memory_space<vmem>> -> memref<8x2048xf32, #tpu.memory_space<vmem>>
    tpu.enqueue_dma source(%dma_start3A_618 : memref<8x2048xf32, #tpu.memory_space<vmem>>) target(%dma_start3A_614 : memref<8x2048xf32, #tpu.memory_space<hbm>>) target_semaphore(%arg10 : memref<!tpu.dma_semaphore, #tpu.memory_space<semaphore_mem>>)
    %dma_wait3A_619 = arith.constant 1 : i32
    %dma_wait3A_620 = arith.constant 0 : i32
    %dma_wait3A_621 = arith.constant 0 : i32
    %dma_wait3A_622 = tpu.memref_slice %arg4[%dma_wait3A_619, %dma_wait3A_620, %dma_wait3A_621] : memref<4x8x2048xf32, #tpu.memory_space<vmem>> -> memref<1x8x2048xf32, #tpu.memory_space<vmem>>
    %dma_wait3A_623 = tpu.memref_squeeze %dma_wait3A_622 : memref<1x8x2048xf32, #tpu.memory_space<vmem>> -> memref<8x2048xf32, #tpu.memory_space<vmem>>
    %dma_wait3A_624 = arith.constant 0 : i32
    %dma_wait3A_625 = tpu.memref_slice %arg3[%add3A_592, %dma_wait3A_624] : memref<6656x2048xf32, #tpu.memory_space<hbm>> -> memref<8x2048xf32, #tpu.memory_space<hbm>>
    %dma_wait3A_626 = arith.constant 0 : i32
    %dma_wait3A_627 = tpu.memref_slice %arg3[%add3A_592, %dma_wait3A_626] : memref<6656x2048xf32, #tpu.memory_space<hbm>> -> memref<8x2048xf32, #tpu.memory_space<hbm>>
    %dma_wait3A_628 = arith.constant 0 : i32
    %dma_wait3A_629 = arith.constant 0 : i32
    %dma_wait3A_630 = tpu.memref_slice %arg4[%dma_wait3A_619, %dma_wait3A_628, %dma_wait3A_629] : memref<4x8x2048xf32, #tpu.memory_space<vmem>> -> memref<1x8x2048xf32, #tpu.memory_space<vmem>>
    %dma_wait3A_631 = tpu.memref_squeeze %dma_wait3A_630 : memref<1x8x2048xf32, #tpu.memory_space<vmem>> -> memref<8x2048xf32, #tpu.memory_space<vmem>>
    tpu.wait_dma2 semaphore(%arg10 : memref<!tpu.dma_semaphore, #tpu.memory_space<semaphore_mem>>) src(%dma_wait3A_631 : memref<8x2048xf32, #tpu.memory_space<vmem>>) dst(%dma_wait3A_627 : memref<8x2048xf32, #tpu.memory_space<hbm>>)
    %add3A_632 = arith.constant 104 : i32
    %add3A_633 = arith.addi %mul3A_2, %add3A_632 : i32
    %add3A_634 = arith.constant 9728 : i32
    %add3A_635 = arith.addi %add3A_634, %add3A_633 : i32
    %dma_start3A_636 = arith.constant 1 : i32
    %dma_start3A_637 = arith.constant 0 : i32
    %dma_start3A_638 = arith.constant 0 : i32
    %dma_start3A_639 = tpu.memref_slice %arg4[%dma_start3A_636, %dma_start3A_637, %dma_start3A_638] : memref<4x8x2048xf32, #tpu.memory_space<vmem>> -> memref<1x8x2048xf32, #tpu.memory_space<vmem>>
    %dma_start3A_640 = tpu.memref_squeeze %dma_start3A_639 : memref<1x8x2048xf32, #tpu.memory_space<vmem>> -> memref<8x2048xf32, #tpu.memory_space<vmem>>
    %dma_start3A_641 = arith.constant 0 : i32
    %dma_start3A_642 = tpu.memref_slice %arg2[%add3A_635, %dma_start3A_641] : memref<16384x2048xf32, #tpu.memory_space<hbm>> -> memref<8x2048xf32, #tpu.memory_space<hbm>>
    %dma_start3A_643 = arith.constant 0 : i32
    %dma_start3A_644 = arith.constant 0 : i32
    %dma_start3A_645 = tpu.memref_slice %arg4[%dma_start3A_636, %dma_start3A_643, %dma_start3A_644] : memref<4x8x2048xf32, #tpu.memory_space<vmem>> -> memref<1x8x2048xf32, #tpu.memory_space<vmem>>
    %dma_start3A_646 = tpu.memref_squeeze %dma_start3A_645 : memref<1x8x2048xf32, #tpu.memory_space<vmem>> -> memref<8x2048xf32, #tpu.memory_space<vmem>>
    %dma_start3A_647 = arith.constant 0 : i32
    %dma_start3A_648 = tpu.memref_slice %arg2[%add3A_635, %dma_start3A_647] : memref<16384x2048xf32, #tpu.memory_space<hbm>> -> memref<8x2048xf32, #tpu.memory_space<hbm>>
    tpu.enqueue_dma source(%dma_start3A_648 : memref<8x2048xf32, #tpu.memory_space<hbm>>) target(%dma_start3A_646 : memref<8x2048xf32, #tpu.memory_space<vmem>>) target_semaphore(%arg6 : memref<!tpu.dma_semaphore, #tpu.memory_space<semaphore_mem>>)
    %add3A_649 = arith.constant 80 : i32
    %add3A_650 = arith.addi %mul3A_2, %add3A_649 : i32
    %dma_wait3A_651 = arith.constant 2 : i32
    %dma_wait3A_652 = arith.constant 0 : i32
    %dma_wait3A_653 = arith.constant 0 : i32
    %dma_wait3A_654 = tpu.memref_slice %arg4[%dma_wait3A_651, %dma_wait3A_652, %dma_wait3A_653] : memref<4x8x2048xf32, #tpu.memory_space<vmem>> -> memref<1x8x2048xf32, #tpu.memory_space<vmem>>
    %dma_wait3A_655 = tpu.memref_squeeze %dma_wait3A_654 : memref<1x8x2048xf32, #tpu.memory_space<vmem>> -> memref<8x2048xf32, #tpu.memory_space<vmem>>
    %dma_wait3A_656 = arith.constant 0 : i32
    %dma_wait3A_657 = tpu.memref_slice %arg2[%add3A_461, %dma_wait3A_656] : memref<16384x2048xf32, #tpu.memory_space<hbm>> -> memref<8x2048xf32, #tpu.memory_space<hbm>>
    %dma_wait3A_658 = arith.constant 0 : i32
    %dma_wait3A_659 = arith.constant 0 : i32
    %dma_wait3A_660 = tpu.memref_slice %arg4[%dma_wait3A_651, %dma_wait3A_658, %dma_wait3A_659] : memref<4x8x2048xf32, #tpu.memory_space<vmem>> -> memref<1x8x2048xf32, #tpu.memory_space<vmem>>
    %dma_wait3A_661 = tpu.memref_squeeze %dma_wait3A_660 : memref<1x8x2048xf32, #tpu.memory_space<vmem>> -> memref<8x2048xf32, #tpu.memory_space<vmem>>
    %dma_wait3A_662 = arith.constant 0 : i32
    %dma_wait3A_663 = tpu.memref_slice %arg2[%add3A_461, %dma_wait3A_662] : memref<16384x2048xf32, #tpu.memory_space<hbm>> -> memref<8x2048xf32, #tpu.memory_space<hbm>>
    tpu.wait_dma2 semaphore(%arg7 : memref<!tpu.dma_semaphore, #tpu.memory_space<semaphore_mem>>) src(%dma_wait3A_663 : memref<8x2048xf32, #tpu.memory_space<hbm>>) dst(%dma_wait3A_661 : memref<8x2048xf32, #tpu.memory_space<vmem>>)
    %dma_start3A_664 = arith.constant 2 : i32
    %dma_start3A_665 = arith.constant 0 : i32
    %dma_start3A_666 = arith.constant 0 : i32
    %dma_start3A_667 = tpu.memref_slice %arg4[%dma_start3A_664, %dma_start3A_665, %dma_start3A_666] : memref<4x8x2048xf32, #tpu.memory_space<vmem>> -> memref<1x8x2048xf32, #tpu.memory_space<vmem>>
    %dma_start3A_668 = tpu.memref_squeeze %dma_start3A_667 : memref<1x8x2048xf32, #tpu.memory_space<vmem>> -> memref<8x2048xf32, #tpu.memory_space<vmem>>
    %dma_start3A_669 = arith.constant 0 : i32
    %dma_start3A_670 = tpu.memref_slice %arg3[%add3A_650, %dma_start3A_669] : memref<6656x2048xf32, #tpu.memory_space<hbm>> -> memref<8x2048xf32, #tpu.memory_space<hbm>>
    %dma_start3A_671 = arith.constant 0 : i32
    %dma_start3A_672 = tpu.memref_slice %arg3[%add3A_650, %dma_start3A_671] : memref<6656x2048xf32, #tpu.memory_space<hbm>> -> memref<8x2048xf32, #tpu.memory_space<hbm>>
    %dma_start3A_673 = arith.constant 0 : i32
    %dma_start3A_674 = arith.constant 0 : i32
    %dma_start3A_675 = tpu.memref_slice %arg4[%dma_start3A_664, %dma_start3A_673, %dma_start3A_674] : memref<4x8x2048xf32, #tpu.memory_space<vmem>> -> memref<1x8x2048xf32, #tpu.memory_space<vmem>>
    %dma_start3A_676 = tpu.memref_squeeze %dma_start3A_675 : memref<1x8x2048xf32, #tpu.memory_space<vmem>> -> memref<8x2048xf32, #tpu.memory_space<vmem>>
    tpu.enqueue_dma source(%dma_start3A_676 : memref<8x2048xf32, #tpu.memory_space<vmem>>) target(%dma_start3A_672 : memref<8x2048xf32, #tpu.memory_space<hbm>>) target_semaphore(%arg11 : memref<!tpu.dma_semaphore, #tpu.memory_space<semaphore_mem>>)
    %dma_wait3A_677 = arith.constant 2 : i32
    %dma_wait3A_678 = arith.constant 0 : i32
    %dma_wait3A_679 = arith.constant 0 : i32
    %dma_wait3A_680 = tpu.memref_slice %arg4[%dma_wait3A_677, %dma_wait3A_678, %dma_wait3A_679] : memref<4x8x2048xf32, #tpu.memory_space<vmem>> -> memref<1x8x2048xf32, #tpu.memory_space<vmem>>
    %dma_wait3A_681 = tpu.memref_squeeze %dma_wait3A_680 : memref<1x8x2048xf32, #tpu.memory_space<vmem>> -> memref<8x2048xf32, #tpu.memory_space<vmem>>
    %dma_wait3A_682 = arith.constant 0 : i32
    %dma_wait3A_683 = tpu.memref_slice %arg3[%add3A_650, %dma_wait3A_682] : memref<6656x2048xf32, #tpu.memory_space<hbm>> -> memref<8x2048xf32, #tpu.memory_space<hbm>>
    %dma_wait3A_684 = arith.constant 0 : i32
    %dma_wait3A_685 = tpu.memref_slice %arg3[%add3A_650, %dma_wait3A_684] : memref<6656x2048xf32, #tpu.memory_space<hbm>> -> memref<8x2048xf32, #tpu.memory_space<hbm>>
    %dma_wait3A_686 = arith.constant 0 : i32
    %dma_wait3A_687 = arith.constant 0 : i32
    %dma_wait3A_688 = tpu.memref_slice %arg4[%dma_wait3A_677, %dma_wait3A_686, %dma_wait3A_687] : memref<4x8x2048xf32, #tpu.memory_space<vmem>> -> memref<1x8x2048xf32, #tpu.memory_space<vmem>>
    %dma_wait3A_689 = tpu.memref_squeeze %dma_wait3A_688 : memref<1x8x2048xf32, #tpu.memory_space<vmem>> -> memref<8x2048xf32, #tpu.memory_space<vmem>>
    tpu.wait_dma2 semaphore(%arg11 : memref<!tpu.dma_semaphore, #tpu.memory_space<semaphore_mem>>) src(%dma_wait3A_689 : memref<8x2048xf32, #tpu.memory_space<vmem>>) dst(%dma_wait3A_685 : memref<8x2048xf32, #tpu.memory_space<hbm>>)
    %add3A_690 = arith.constant 112 : i32
    %add3A_691 = arith.addi %mul3A_2, %add3A_690 : i32
    %add3A_692 = arith.constant 9728 : i32
    %add3A_693 = arith.addi %add3A_692, %add3A_691 : i32
    %dma_start3A_694 = arith.constant 2 : i32
    %dma_start3A_695 = arith.constant 0 : i32
    %dma_start3A_696 = arith.constant 0 : i32
    %dma_start3A_697 = tpu.memref_slice %arg4[%dma_start3A_694, %dma_start3A_695, %dma_start3A_696] : memref<4x8x2048xf32, #tpu.memory_space<vmem>> -> memref<1x8x2048xf32, #tpu.memory_space<vmem>>
    %dma_start3A_698 = tpu.memref_squeeze %dma_start3A_697 : memref<1x8x2048xf32, #tpu.memory_space<vmem>> -> memref<8x2048xf32, #tpu.memory_space<vmem>>
    %dma_start3A_699 = arith.constant 0 : i32
    %dma_start3A_700 = tpu.memref_slice %arg2[%add3A_693, %dma_start3A_699] : memref<16384x2048xf32, #tpu.memory_space<hbm>> -> memref<8x2048xf32, #tpu.memory_space<hbm>>
    %dma_start3A_701 = arith.constant 0 : i32
    %dma_start3A_702 = arith.constant 0 : i32
    %dma_start3A_703 = tpu.memref_slice %arg4[%dma_start3A_694, %dma_start3A_701, %dma_start3A_702] : memref<4x8x2048xf32, #tpu.memory_space<vmem>> -> memref<1x8x2048xf32, #tpu.memory_space<vmem>>
    %dma_start3A_704 = tpu.memref_squeeze %dma_start3A_703 : memref<1x8x2048xf32, #tpu.memory_space<vmem>> -> memref<8x2048xf32, #tpu.memory_space<vmem>>
    %dma_start3A_705 = arith.constant 0 : i32
    %dma_start3A_706 = tpu.memref_slice %arg2[%add3A_693, %dma_start3A_705] : memref<16384x2048xf32, #tpu.memory_space<hbm>> -> memref<8x2048xf32, #tpu.memory_space<hbm>>
    tpu.enqueue_dma source(%dma_start3A_706 : memref<8x2048xf32, #tpu.memory_space<hbm>>) target(%dma_start3A_704 : memref<8x2048xf32, #tpu.memory_space<vmem>>) target_semaphore(%arg7 : memref<!tpu.dma_semaphore, #tpu.memory_space<semaphore_mem>>)
    %add3A_707 = arith.constant 88 : i32
    %add3A_708 = arith.addi %mul3A_2, %add3A_707 : i32
    %dma_wait3A_709 = arith.constant 3 : i32
    %dma_wait3A_710 = arith.constant 0 : i32
    %dma_wait3A_711 = arith.constant 0 : i32
    %dma_wait3A_712 = tpu.memref_slice %arg4[%dma_wait3A_709, %dma_wait3A_710, %dma_wait3A_711] : memref<4x8x2048xf32, #tpu.memory_space<vmem>> -> memref<1x8x2048xf32, #tpu.memory_space<vmem>>
    %dma_wait3A_713 = tpu.memref_squeeze %dma_wait3A_712 : memref<1x8x2048xf32, #tpu.memory_space<vmem>> -> memref<8x2048xf32, #tpu.memory_space<vmem>>
    %dma_wait3A_714 = arith.constant 0 : i32
    %dma_wait3A_715 = tpu.memref_slice %arg2[%add3A_519, %dma_wait3A_714] : memref<16384x2048xf32, #tpu.memory_space<hbm>> -> memref<8x2048xf32, #tpu.memory_space<hbm>>
    %dma_wait3A_716 = arith.constant 0 : i32
    %dma_wait3A_717 = arith.constant 0 : i32
    %dma_wait3A_718 = tpu.memref_slice %arg4[%dma_wait3A_709, %dma_wait3A_716, %dma_wait3A_717] : memref<4x8x2048xf32, #tpu.memory_space<vmem>> -> memref<1x8x2048xf32, #tpu.memory_space<vmem>>
    %dma_wait3A_719 = tpu.memref_squeeze %dma_wait3A_718 : memref<1x8x2048xf32, #tpu.memory_space<vmem>> -> memref<8x2048xf32, #tpu.memory_space<vmem>>
    %dma_wait3A_720 = arith.constant 0 : i32
    %dma_wait3A_721 = tpu.memref_slice %arg2[%add3A_519, %dma_wait3A_720] : memref<16384x2048xf32, #tpu.memory_space<hbm>> -> memref<8x2048xf32, #tpu.memory_space<hbm>>
    tpu.wait_dma2 semaphore(%arg8 : memref<!tpu.dma_semaphore, #tpu.memory_space<semaphore_mem>>) src(%dma_wait3A_721 : memref<8x2048xf32, #tpu.memory_space<hbm>>) dst(%dma_wait3A_719 : memref<8x2048xf32, #tpu.memory_space<vmem>>)
    %dma_start3A_722 = arith.constant 3 : i32
    %dma_start3A_723 = arith.constant 0 : i32
    %dma_start3A_724 = arith.constant 0 : i32
    %dma_start3A_725 = tpu.memref_slice %arg4[%dma_start3A_722, %dma_start3A_723, %dma_start3A_724] : memref<4x8x2048xf32, #tpu.memory_space<vmem>> -> memref<1x8x2048xf32, #tpu.memory_space<vmem>>
    %dma_start3A_726 = tpu.memref_squeeze %dma_start3A_725 : memref<1x8x2048xf32, #tpu.memory_space<vmem>> -> memref<8x2048xf32, #tpu.memory_space<vmem>>
    %dma_start3A_727 = arith.constant 0 : i32
    %dma_start3A_728 = tpu.memref_slice %arg3[%add3A_708, %dma_start3A_727] : memref<6656x2048xf32, #tpu.memory_space<hbm>> -> memref<8x2048xf32, #tpu.memory_space<hbm>>
    %dma_start3A_729 = arith.constant 0 : i32
    %dma_start3A_730 = tpu.memref_slice %arg3[%add3A_708, %dma_start3A_729] : memref<6656x2048xf32, #tpu.memory_space<hbm>> -> memref<8x2048xf32, #tpu.memory_space<hbm>>
    %dma_start3A_731 = arith.constant 0 : i32
    %dma_start3A_732 = arith.constant 0 : i32
    %dma_start3A_733 = tpu.memref_slice %arg4[%dma_start3A_722, %dma_start3A_731, %dma_start3A_732] : memref<4x8x2048xf32, #tpu.memory_space<vmem>> -> memref<1x8x2048xf32, #tpu.memory_space<vmem>>
    %dma_start3A_734 = tpu.memref_squeeze %dma_start3A_733 : memref<1x8x2048xf32, #tpu.memory_space<vmem>> -> memref<8x2048xf32, #tpu.memory_space<vmem>>
    tpu.enqueue_dma source(%dma_start3A_734 : memref<8x2048xf32, #tpu.memory_space<vmem>>) target(%dma_start3A_730 : memref<8x2048xf32, #tpu.memory_space<hbm>>) target_semaphore(%arg12 : memref<!tpu.dma_semaphore, #tpu.memory_space<semaphore_mem>>)
    %dma_wait3A_735 = arith.constant 3 : i32
    %dma_wait3A_736 = arith.constant 0 : i32
    %dma_wait3A_737 = arith.constant 0 : i32
    %dma_wait3A_738 = tpu.memref_slice %arg4[%dma_wait3A_735, %dma_wait3A_736, %dma_wait3A_737] : memref<4x8x2048xf32, #tpu.memory_space<vmem>> -> memref<1x8x2048xf32, #tpu.memory_space<vmem>>
    %dma_wait3A_739 = tpu.memref_squeeze %dma_wait3A_738 : memref<1x8x2048xf32, #tpu.memory_space<vmem>> -> memref<8x2048xf32, #tpu.memory_space<vmem>>
    %dma_wait3A_740 = arith.constant 0 : i32
    %dma_wait3A_741 = tpu.memref_slice %arg3[%add3A_708, %dma_wait3A_740] : memref<6656x2048xf32, #tpu.memory_space<hbm>> -> memref<8x2048xf32, #tpu.memory_space<hbm>>
    %dma_wait3A_742 = arith.constant 0 : i32
    %dma_wait3A_743 = tpu.memref_slice %arg3[%add3A_708, %dma_wait3A_742] : memref<6656x2048xf32, #tpu.memory_space<hbm>> -> memref<8x2048xf32, #tpu.memory_space<hbm>>
    %dma_wait3A_744 = arith.constant 0 : i32
    %dma_wait3A_745 = arith.constant 0 : i32
    %dma_wait3A_746 = tpu.memref_slice %arg4[%dma_wait3A_735, %dma_wait3A_744, %dma_wait3A_745] : memref<4x8x2048xf32, #tpu.memory_space<vmem>> -> memref<1x8x2048xf32, #tpu.memory_space<vmem>>
    %dma_wait3A_747 = tpu.memref_squeeze %dma_wait3A_746 : memref<1x8x2048xf32, #tpu.memory_space<vmem>> -> memref<8x2048xf32, #tpu.memory_space<vmem>>
    tpu.wait_dma2 semaphore(%arg12 : memref<!tpu.dma_semaphore, #tpu.memory_space<semaphore_mem>>) src(%dma_wait3A_747 : memref<8x2048xf32, #tpu.memory_space<vmem>>) dst(%dma_wait3A_743 : memref<8x2048xf32, #tpu.memory_space<hbm>>)
    %add3A_748 = arith.constant 120 : i32
    %add3A_749 = arith.addi %mul3A_2, %add3A_748 : i32
    %add3A_750 = arith.constant 9728 : i32
    %add3A_751 = arith.addi %add3A_750, %add3A_749 : i32
    %dma_start3A_752 = arith.constant 3 : i32
    %dma_start3A_753 = arith.constant 0 : i32
    %dma_start3A_754 = arith.constant 0 : i32
    %dma_start3A_755 = tpu.memref_slice %arg4[%dma_start3A_752, %dma_start3A_753, %dma_start3A_754] : memref<4x8x2048xf32, #tpu.memory_space<vmem>> -> memref<1x8x2048xf32, #tpu.memory_space<vmem>>
    %dma_start3A_756 = tpu.memref_squeeze %dma_start3A_755 : memref<1x8x2048xf32, #tpu.memory_space<vmem>> -> memref<8x2048xf32, #tpu.memory_space<vmem>>
    %dma_start3A_757 = arith.constant 0 : i32
    %dma_start3A_758 = tpu.memref_slice %arg2[%add3A_751, %dma_start3A_757] : memref<16384x2048xf32, #tpu.memory_space<hbm>> -> memref<8x2048xf32, #tpu.memory_space<hbm>>
    %dma_start3A_759 = arith.constant 0 : i32
    %dma_start3A_760 = arith.constant 0 : i32
    %dma_start3A_761 = tpu.memref_slice %arg4[%dma_start3A_752, %dma_start3A_759, %dma_start3A_760] : memref<4x8x2048xf32, #tpu.memory_space<vmem>> -> memref<1x8x2048xf32, #tpu.memory_space<vmem>>
    %dma_start3A_762 = tpu.memref_squeeze %dma_start3A_761 : memref<1x8x2048xf32, #tpu.memory_space<vmem>> -> memref<8x2048xf32, #tpu.memory_space<vmem>>
    %dma_start3A_763 = arith.constant 0 : i32
    %dma_start3A_764 = tpu.memref_slice %arg2[%add3A_751, %dma_start3A_763] : memref<16384x2048xf32, #tpu.memory_space<hbm>> -> memref<8x2048xf32, #tpu.memory_space<hbm>>
    tpu.enqueue_dma source(%dma_start3A_764 : memref<8x2048xf32, #tpu.memory_space<hbm>>) target(%dma_start3A_762 : memref<8x2048xf32, #tpu.memory_space<vmem>>) target_semaphore(%arg8 : memref<!tpu.dma_semaphore, #tpu.memory_space<semaphore_mem>>)
    %add3A_765 = arith.constant 96 : i32
    %add3A_766 = arith.addi %mul3A_2, %add3A_765 : i32
    %dma_wait3A_767 = arith.constant 0 : i32
    %dma_wait3A_768 = arith.constant 0 : i32
    %dma_wait3A_769 = arith.constant 0 : i32
    %dma_wait3A_770 = tpu.memref_slice %arg4[%dma_wait3A_767, %dma_wait3A_768, %dma_wait3A_769] : memref<4x8x2048xf32, #tpu.memory_space<vmem>> -> memref<1x8x2048xf32, #tpu.memory_space<vmem>>
    %dma_wait3A_771 = tpu.memref_squeeze %dma_wait3A_770 : memref<1x8x2048xf32, #tpu.memory_space<vmem>> -> memref<8x2048xf32, #tpu.memory_space<vmem>>
    %dma_wait3A_772 = arith.constant 0 : i32
    %dma_wait3A_773 = tpu.memref_slice %arg2[%add3A_577, %dma_wait3A_772] : memref<16384x2048xf32, #tpu.memory_space<hbm>> -> memref<8x2048xf32, #tpu.memory_space<hbm>>
    %dma_wait3A_774 = arith.constant 0 : i32
    %dma_wait3A_775 = arith.constant 0 : i32
    %dma_wait3A_776 = tpu.memref_slice %arg4[%dma_wait3A_767, %dma_wait3A_774, %dma_wait3A_775] : memref<4x8x2048xf32, #tpu.memory_space<vmem>> -> memref<1x8x2048xf32, #tpu.memory_space<vmem>>
    %dma_wait3A_777 = tpu.memref_squeeze %dma_wait3A_776 : memref<1x8x2048xf32, #tpu.memory_space<vmem>> -> memref<8x2048xf32, #tpu.memory_space<vmem>>
    %dma_wait3A_778 = arith.constant 0 : i32
    %dma_wait3A_779 = tpu.memref_slice %arg2[%add3A_577, %dma_wait3A_778] : memref<16384x2048xf32, #tpu.memory_space<hbm>> -> memref<8x2048xf32, #tpu.memory_space<hbm>>
    tpu.wait_dma2 semaphore(%arg5 : memref<!tpu.dma_semaphore, #tpu.memory_space<semaphore_mem>>) src(%dma_wait3A_779 : memref<8x2048xf32, #tpu.memory_space<hbm>>) dst(%dma_wait3A_777 : memref<8x2048xf32, #tpu.memory_space<vmem>>)
    %dma_start3A_780 = arith.constant 0 : i32
    %dma_start3A_781 = arith.constant 0 : i32
    %dma_start3A_782 = arith.constant 0 : i32
    %dma_start3A_783 = tpu.memref_slice %arg4[%dma_start3A_780, %dma_start3A_781, %dma_start3A_782] : memref<4x8x2048xf32, #tpu.memory_space<vmem>> -> memref<1x8x2048xf32, #tpu.memory_space<vmem>>
    %dma_start3A_784 = tpu.memref_squeeze %dma_start3A_783 : memref<1x8x2048xf32, #tpu.memory_space<vmem>> -> memref<8x2048xf32, #tpu.memory_space<vmem>>
    %dma_start3A_785 = arith.constant 0 : i32
    %dma_start3A_786 = tpu.memref_slice %arg3[%add3A_766, %dma_start3A_785] : memref<6656x2048xf32, #tpu.memory_space<hbm>> -> memref<8x2048xf32, #tpu.memory_space<hbm>>
    %dma_start3A_787 = arith.constant 0 : i32
    %dma_start3A_788 = tpu.memref_slice %arg3[%add3A_766, %dma_start3A_787] : memref<6656x2048xf32, #tpu.memory_space<hbm>> -> memref<8x2048xf32, #tpu.memory_space<hbm>>
    %dma_start3A_789 = arith.constant 0 : i32
    %dma_start3A_790 = arith.constant 0 : i32
    %dma_start3A_791 = tpu.memref_slice %arg4[%dma_start3A_780, %dma_start3A_789, %dma_start3A_790] : memref<4x8x2048xf32, #tpu.memory_space<vmem>> -> memref<1x8x2048xf32, #tpu.memory_space<vmem>>
    %dma_start3A_792 = tpu.memref_squeeze %dma_start3A_791 : memref<1x8x2048xf32, #tpu.memory_space<vmem>> -> memref<8x2048xf32, #tpu.memory_space<vmem>>
    tpu.enqueue_dma source(%dma_start3A_792 : memref<8x2048xf32, #tpu.memory_space<vmem>>) target(%dma_start3A_788 : memref<8x2048xf32, #tpu.memory_space<hbm>>) target_semaphore(%arg9 : memref<!tpu.dma_semaphore, #tpu.memory_space<semaphore_mem>>)
    %dma_wait3A_793 = arith.constant 0 : i32
    %dma_wait3A_794 = arith.constant 0 : i32
    %dma_wait3A_795 = arith.constant 0 : i32
    %dma_wait3A_796 = tpu.memref_slice %arg4[%dma_wait3A_793, %dma_wait3A_794, %dma_wait3A_795] : memref<4x8x2048xf32, #tpu.memory_space<vmem>> -> memref<1x8x2048xf32, #tpu.memory_space<vmem>>
    %dma_wait3A_797 = tpu.memref_squeeze %dma_wait3A_796 : memref<1x8x2048xf32, #tpu.memory_space<vmem>> -> memref<8x2048xf32, #tpu.memory_space<vmem>>
    %dma_wait3A_798 = arith.constant 0 : i32
    %dma_wait3A_799 = tpu.memref_slice %arg3[%add3A_766, %dma_wait3A_798] : memref<6656x2048xf32, #tpu.memory_space<hbm>> -> memref<8x2048xf32, #tpu.memory_space<hbm>>
    %dma_wait3A_800 = arith.constant 0 : i32
    %dma_wait3A_801 = tpu.memref_slice %arg3[%add3A_766, %dma_wait3A_800] : memref<6656x2048xf32, #tpu.memory_space<hbm>> -> memref<8x2048xf32, #tpu.memory_space<hbm>>
    %dma_wait3A_802 = arith.constant 0 : i32
    %dma_wait3A_803 = arith.constant 0 : i32
    %dma_wait3A_804 = tpu.memref_slice %arg4[%dma_wait3A_793, %dma_wait3A_802, %dma_wait3A_803] : memref<4x8x2048xf32, #tpu.memory_space<vmem>> -> memref<1x8x2048xf32, #tpu.memory_space<vmem>>
    %dma_wait3A_805 = tpu.memref_squeeze %dma_wait3A_804 : memref<1x8x2048xf32, #tpu.memory_space<vmem>> -> memref<8x2048xf32, #tpu.memory_space<vmem>>
    tpu.wait_dma2 semaphore(%arg9 : memref<!tpu.dma_semaphore, #tpu.memory_space<semaphore_mem>>) src(%dma_wait3A_805 : memref<8x2048xf32, #tpu.memory_space<vmem>>) dst(%dma_wait3A_801 : memref<8x2048xf32, #tpu.memory_space<hbm>>)
    %add3A_806 = arith.constant 128 : i32
    %add3A_807 = arith.addi %mul3A_2, %add3A_806 : i32
    %add3A_808 = arith.constant 9728 : i32
    %add3A_809 = arith.addi %add3A_808, %add3A_807 : i32
    %dma_start3A_810 = arith.constant 0 : i32
    %dma_start3A_811 = arith.constant 0 : i32
    %dma_start3A_812 = arith.constant 0 : i32
    %dma_start3A_813 = tpu.memref_slice %arg4[%dma_start3A_810, %dma_start3A_811, %dma_start3A_812] : memref<4x8x2048xf32, #tpu.memory_space<vmem>> -> memref<1x8x2048xf32, #tpu.memory_space<vmem>>
    %dma_start3A_814 = tpu.memref_squeeze %dma_start3A_813 : memref<1x8x2048xf32, #tpu.memory_space<vmem>> -> memref<8x2048xf32, #tpu.memory_space<vmem>>
    %dma_start3A_815 = arith.constant 0 : i32
    %dma_start3A_816 = tpu.memref_slice %arg2[%add3A_809, %dma_start3A_815] : memref<16384x2048xf32, #tpu.memory_space<hbm>> -> memref<8x2048xf32, #tpu.memory_space<hbm>>
    %dma_start3A_817 = arith.constant 0 : i32
    %dma_start3A_818 = arith.constant 0 : i32
    %dma_start3A_819 = tpu.memref_slice %arg4[%dma_start3A_810, %dma_start3A_817, %dma_start3A_818] : memref<4x8x2048xf32, #tpu.memory_space<vmem>> -> memref<1x8x2048xf32, #tpu.memory_space<vmem>>
    %dma_start3A_820 = tpu.memref_squeeze %dma_start3A_819 : memref<1x8x2048xf32, #tpu.memory_space<vmem>> -> memref<8x2048xf32, #tpu.memory_space<vmem>>
    %dma_start3A_821 = arith.constant 0 : i32
    %dma_start3A_822 = tpu.memref_slice %arg2[%add3A_809, %dma_start3A_821] : memref<16384x2048xf32, #tpu.memory_space<hbm>> -> memref<8x2048xf32, #tpu.memory_space<hbm>>
    tpu.enqueue_dma source(%dma_start3A_822 : memref<8x2048xf32, #tpu.memory_space<hbm>>) target(%dma_start3A_820 : memref<8x2048xf32, #tpu.memory_space<vmem>>) target_semaphore(%arg5 : memref<!tpu.dma_semaphore, #tpu.memory_space<semaphore_mem>>)
    %add3A_823 = arith.constant 104 : i32
    %add3A_824 = arith.addi %mul3A_2, %add3A_823 : i32
    %dma_wait3A_825 = arith.constant 1 : i32
    %dma_wait3A_826 = arith.constant 0 : i32
    %dma_wait3A_827 = arith.constant 0 : i32
    %dma_wait3A_828 = tpu.memref_slice %arg4[%dma_wait3A_825, %dma_wait3A_826, %dma_wait3A_827] : memref<4x8x2048xf32, #tpu.memory_space<vmem>> -> memref<1x8x2048xf32, #tpu.memory_space<vmem>>
    %dma_wait3A_829 = tpu.memref_squeeze %dma_wait3A_828 : memref<1x8x2048xf32, #tpu.memory_space<vmem>> -> memref<8x2048xf32, #tpu.memory_space<vmem>>
    %dma_wait3A_830 = arith.constant 0 : i32
    %dma_wait3A_831 = tpu.memref_slice %arg2[%add3A_635, %dma_wait3A_830] : memref<16384x2048xf32, #tpu.memory_space<hbm>> -> memref<8x2048xf32, #tpu.memory_space<hbm>>
    %dma_wait3A_832 = arith.constant 0 : i32
    %dma_wait3A_833 = arith.constant 0 : i32
    %dma_wait3A_834 = tpu.memref_slice %arg4[%dma_wait3A_825, %dma_wait3A_832, %dma_wait3A_833] : memref<4x8x2048xf32, #tpu.memory_space<vmem>> -> memref<1x8x2048xf32, #tpu.memory_space<vmem>>
    %dma_wait3A_835 = tpu.memref_squeeze %dma_wait3A_834 : memref<1x8x2048xf32, #tpu.memory_space<vmem>> -> memref<8x2048xf32, #tpu.memory_space<vmem>>
    %dma_wait3A_836 = arith.constant 0 : i32
    %dma_wait3A_837 = tpu.memref_slice %arg2[%add3A_635, %dma_wait3A_836] : memref<16384x2048xf32, #tpu.memory_space<hbm>> -> memref<8x2048xf32, #tpu.memory_space<hbm>>
    tpu.wait_dma2 semaphore(%arg6 : memref<!tpu.dma_semaphore, #tpu.memory_space<semaphore_mem>>) src(%dma_wait3A_837 : memref<8x2048xf32, #tpu.memory_space<hbm>>) dst(%dma_wait3A_835 : memref<8x2048xf32, #tpu.memory_space<vmem>>)
    %dma_start3A_838 = arith.constant 1 : i32
    %dma_start3A_839 = arith.constant 0 : i32
    %dma_start3A_840 = arith.constant 0 : i32
    %dma_start3A_841 = tpu.memref_slice %arg4[%dma_start3A_838, %dma_start3A_839, %dma_start3A_840] : memref<4x8x2048xf32, #tpu.memory_space<vmem>> -> memref<1x8x2048xf32, #tpu.memory_space<vmem>>
    %dma_start3A_842 = tpu.memref_squeeze %dma_start3A_841 : memref<1x8x2048xf32, #tpu.memory_space<vmem>> -> memref<8x2048xf32, #tpu.memory_space<vmem>>
    %dma_start3A_843 = arith.constant 0 : i32
    %dma_start3A_844 = tpu.memref_slice %arg3[%add3A_824, %dma_start3A_843] : memref<6656x2048xf32, #tpu.memory_space<hbm>> -> memref<8x2048xf32, #tpu.memory_space<hbm>>
    %dma_start3A_845 = arith.constant 0 : i32
    %dma_start3A_846 = tpu.memref_slice %arg3[%add3A_824, %dma_start3A_845] : memref<6656x2048xf32, #tpu.memory_space<hbm>> -> memref<8x2048xf32, #tpu.memory_space<hbm>>
    %dma_start3A_847 = arith.constant 0 : i32
    %dma_start3A_848 = arith.constant 0 : i32
    %dma_start3A_849 = tpu.memref_slice %arg4[%dma_start3A_838, %dma_start3A_847, %dma_start3A_848] : memref<4x8x2048xf32, #tpu.memory_space<vmem>> -> memref<1x8x2048xf32, #tpu.memory_space<vmem>>
    %dma_start3A_850 = tpu.memref_squeeze %dma_start3A_849 : memref<1x8x2048xf32, #tpu.memory_space<vmem>> -> memref<8x2048xf32, #tpu.memory_space<vmem>>
    tpu.enqueue_dma source(%dma_start3A_850 : memref<8x2048xf32, #tpu.memory_space<vmem>>) target(%dma_start3A_846 : memref<8x2048xf32, #tpu.memory_space<hbm>>) target_semaphore(%arg10 : memref<!tpu.dma_semaphore, #tpu.memory_space<semaphore_mem>>)
    %dma_wait3A_851 = arith.constant 1 : i32
    %dma_wait3A_852 = arith.constant 0 : i32
    %dma_wait3A_853 = arith.constant 0 : i32
    %dma_wait3A_854 = tpu.memref_slice %arg4[%dma_wait3A_851, %dma_wait3A_852, %dma_wait3A_853] : memref<4x8x2048xf32, #tpu.memory_space<vmem>> -> memref<1x8x2048xf32, #tpu.memory_space<vmem>>
    %dma_wait3A_855 = tpu.memref_squeeze %dma_wait3A_854 : memref<1x8x2048xf32, #tpu.memory_space<vmem>> -> memref<8x2048xf32, #tpu.memory_space<vmem>>
    %dma_wait3A_856 = arith.constant 0 : i32
    %dma_wait3A_857 = tpu.memref_slice %arg3[%add3A_824, %dma_wait3A_856] : memref<6656x2048xf32, #tpu.memory_space<hbm>> -> memref<8x2048xf32, #tpu.memory_space<hbm>>
    %dma_wait3A_858 = arith.constant 0 : i32
    %dma_wait3A_859 = tpu.memref_slice %arg3[%add3A_824, %dma_wait3A_858] : memref<6656x2048xf32, #tpu.memory_space<hbm>> -> memref<8x2048xf32, #tpu.memory_space<hbm>>
    %dma_wait3A_860 = arith.constant 0 : i32
    %dma_wait3A_861 = arith.constant 0 : i32
    %dma_wait3A_862 = tpu.memref_slice %arg4[%dma_wait3A_851, %dma_wait3A_860, %dma_wait3A_861] : memref<4x8x2048xf32, #tpu.memory_space<vmem>> -> memref<1x8x2048xf32, #tpu.memory_space<vmem>>
    %dma_wait3A_863 = tpu.memref_squeeze %dma_wait3A_862 : memref<1x8x2048xf32, #tpu.memory_space<vmem>> -> memref<8x2048xf32, #tpu.memory_space<vmem>>
    tpu.wait_dma2 semaphore(%arg10 : memref<!tpu.dma_semaphore, #tpu.memory_space<semaphore_mem>>) src(%dma_wait3A_863 : memref<8x2048xf32, #tpu.memory_space<vmem>>) dst(%dma_wait3A_859 : memref<8x2048xf32, #tpu.memory_space<hbm>>)
    %add3A_864 = arith.constant 136 : i32
    %add3A_865 = arith.addi %mul3A_2, %add3A_864 : i32
    %add3A_866 = arith.constant 9728 : i32
    %add3A_867 = arith.addi %add3A_866, %add3A_865 : i32
    %dma_start3A_868 = arith.constant 1 : i32
    %dma_start3A_869 = arith.constant 0 : i32
    %dma_start3A_870 = arith.constant 0 : i32
    %dma_start3A_871 = tpu.memref_slice %arg4[%dma_start3A_868, %dma_start3A_869, %dma_start3A_870] : memref<4x8x2048xf32, #tpu.memory_space<vmem>> -> memref<1x8x2048xf32, #tpu.memory_space<vmem>>
    %dma_start3A_872 = tpu.memref_squeeze %dma_start3A_871 : memref<1x8x2048xf32, #tpu.memory_space<vmem>> -> memref<8x2048xf32, #tpu.memory_space<vmem>>
    %dma_start3A_873 = arith.constant 0 : i32
    %dma_start3A_874 = tpu.memref_slice %arg2[%add3A_867, %dma_start3A_873] : memref<16384x2048xf32, #tpu.memory_space<hbm>> -> memref<8x2048xf32, #tpu.memory_space<hbm>>
    %dma_start3A_875 = arith.constant 0 : i32
    %dma_start3A_876 = arith.constant 0 : i32
    %dma_start3A_877 = tpu.memref_slice %arg4[%dma_start3A_868, %dma_start3A_875, %dma_start3A_876] : memref<4x8x2048xf32, #tpu.memory_space<vmem>> -> memref<1x8x2048xf32, #tpu.memory_space<vmem>>
    %dma_start3A_878 = tpu.memref_squeeze %dma_start3A_877 : memref<1x8x2048xf32, #tpu.memory_space<vmem>> -> memref<8x2048xf32, #tpu.memory_space<vmem>>
    %dma_start3A_879 = arith.constant 0 : i32
    %dma_start3A_880 = tpu.memref_slice %arg2[%add3A_867, %dma_start3A_879] : memref<16384x2048xf32, #tpu.memory_space<hbm>> -> memref<8x2048xf32, #tpu.memory_space<hbm>>
    tpu.enqueue_dma source(%dma_start3A_880 : memref<8x2048xf32, #tpu.memory_space<hbm>>) target(%dma_start3A_878 : memref<8x2048xf32, #tpu.memory_space<vmem>>) target_semaphore(%arg6 : memref<!tpu.dma_semaphore, #tpu.memory_space<semaphore_mem>>)
    %add3A_881 = arith.constant 112 : i32
    %add3A_882 = arith.addi %mul3A_2, %add3A_881 : i32
    %dma_wait3A_883 = arith.constant 2 : i32
    %dma_wait3A_884 = arith.constant 0 : i32
    %dma_wait3A_885 = arith.constant 0 : i32
    %dma_wait3A_886 = tpu.memref_slice %arg4[%dma_wait3A_883, %dma_wait3A_884, %dma_wait3A_885] : memref<4x8x2048xf32, #tpu.memory_space<vmem>> -> memref<1x8x2048xf32, #tpu.memory_space<vmem>>
    %dma_wait3A_887 = tpu.memref_squeeze %dma_wait3A_886 : memref<1x8x2048xf32, #tpu.memory_space<vmem>> -> memref<8x2048xf32, #tpu.memory_space<vmem>>
    %dma_wait3A_888 = arith.constant 0 : i32
    %dma_wait3A_889 = tpu.memref_slice %arg2[%add3A_693, %dma_wait3A_888] : memref<16384x2048xf32, #tpu.memory_space<hbm>> -> memref<8x2048xf32, #tpu.memory_space<hbm>>
    %dma_wait3A_890 = arith.constant 0 : i32
    %dma_wait3A_891 = arith.constant 0 : i32
    %dma_wait3A_892 = tpu.memref_slice %arg4[%dma_wait3A_883, %dma_wait3A_890, %dma_wait3A_891] : memref<4x8x2048xf32, #tpu.memory_space<vmem>> -> memref<1x8x2048xf32, #tpu.memory_space<vmem>>
    %dma_wait3A_893 = tpu.memref_squeeze %dma_wait3A_892 : memref<1x8x2048xf32, #tpu.memory_space<vmem>> -> memref<8x2048xf32, #tpu.memory_space<vmem>>
    %dma_wait3A_894 = arith.constant 0 : i32
    %dma_wait3A_895 = tpu.memref_slice %arg2[%add3A_693, %dma_wait3A_894] : memref<16384x2048xf32, #tpu.memory_space<hbm>> -> memref<8x2048xf32, #tpu.memory_space<hbm>>
    tpu.wait_dma2 semaphore(%arg7 : memref<!tpu.dma_semaphore, #tpu.memory_space<semaphore_mem>>) src(%dma_wait3A_895 : memref<8x2048xf32, #tpu.memory_space<hbm>>) dst(%dma_wait3A_893 : memref<8x2048xf32, #tpu.memory_space<vmem>>)
    %dma_start3A_896 = arith.constant 2 : i32
    %dma_start3A_897 = arith.constant 0 : i32
    %dma_start3A_898 = arith.constant 0 : i32
    %dma_start3A_899 = tpu.memref_slice %arg4[%dma_start3A_896, %dma_start3A_897, %dma_start3A_898] : memref<4x8x2048xf32, #tpu.memory_space<vmem>> -> memref<1x8x2048xf32, #tpu.memory_space<vmem>>
    %dma_start3A_900 = tpu.memref_squeeze %dma_start3A_899 : memref<1x8x2048xf32, #tpu.memory_space<vmem>> -> memref<8x2048xf32, #tpu.memory_space<vmem>>
    %dma_start3A_901 = arith.constant 0 : i32
    %dma_start3A_902 = tpu.memref_slice %arg3[%add3A_882, %dma_start3A_901] : memref<6656x2048xf32, #tpu.memory_space<hbm>> -> memref<8x2048xf32, #tpu.memory_space<hbm>>
    %dma_start3A_903 = arith.constant 0 : i32
    %dma_start3A_904 = tpu.memref_slice %arg3[%add3A_882, %dma_start3A_903] : memref<6656x2048xf32, #tpu.memory_space<hbm>> -> memref<8x2048xf32, #tpu.memory_space<hbm>>
    %dma_start3A_905 = arith.constant 0 : i32
    %dma_start3A_906 = arith.constant 0 : i32
    %dma_start3A_907 = tpu.memref_slice %arg4[%dma_start3A_896, %dma_start3A_905, %dma_start3A_906] : memref<4x8x2048xf32, #tpu.memory_space<vmem>> -> memref<1x8x2048xf32, #tpu.memory_space<vmem>>
    %dma_start3A_908 = tpu.memref_squeeze %dma_start3A_907 : memref<1x8x2048xf32, #tpu.memory_space<vmem>> -> memref<8x2048xf32, #tpu.memory_space<vmem>>
    tpu.enqueue_dma source(%dma_start3A_908 : memref<8x2048xf32, #tpu.memory_space<vmem>>) target(%dma_start3A_904 : memref<8x2048xf32, #tpu.memory_space<hbm>>) target_semaphore(%arg11 : memref<!tpu.dma_semaphore, #tpu.memory_space<semaphore_mem>>)
    %dma_wait3A_909 = arith.constant 2 : i32
    %dma_wait3A_910 = arith.constant 0 : i32
    %dma_wait3A_911 = arith.constant 0 : i32
    %dma_wait3A_912 = tpu.memref_slice %arg4[%dma_wait3A_909, %dma_wait3A_910, %dma_wait3A_911] : memref<4x8x2048xf32, #tpu.memory_space<vmem>> -> memref<1x8x2048xf32, #tpu.memory_space<vmem>>
    %dma_wait3A_913 = tpu.memref_squeeze %dma_wait3A_912 : memref<1x8x2048xf32, #tpu.memory_space<vmem>> -> memref<8x2048xf32, #tpu.memory_space<vmem>>
    %dma_wait3A_914 = arith.constant 0 : i32
    %dma_wait3A_915 = tpu.memref_slice %arg3[%add3A_882, %dma_wait3A_914] : memref<6656x2048xf32, #tpu.memory_space<hbm>> -> memref<8x2048xf32, #tpu.memory_space<hbm>>
    %dma_wait3A_916 = arith.constant 0 : i32
    %dma_wait3A_917 = tpu.memref_slice %arg3[%add3A_882, %dma_wait3A_916] : memref<6656x2048xf32, #tpu.memory_space<hbm>> -> memref<8x2048xf32, #tpu.memory_space<hbm>>
    %dma_wait3A_918 = arith.constant 0 : i32
    %dma_wait3A_919 = arith.constant 0 : i32
    %dma_wait3A_920 = tpu.memref_slice %arg4[%dma_wait3A_909, %dma_wait3A_918, %dma_wait3A_919] : memref<4x8x2048xf32, #tpu.memory_space<vmem>> -> memref<1x8x2048xf32, #tpu.memory_space<vmem>>
    %dma_wait3A_921 = tpu.memref_squeeze %dma_wait3A_920 : memref<1x8x2048xf32, #tpu.memory_space<vmem>> -> memref<8x2048xf32, #tpu.memory_space<vmem>>
    tpu.wait_dma2 semaphore(%arg11 : memref<!tpu.dma_semaphore, #tpu.memory_space<semaphore_mem>>) src(%dma_wait3A_921 : memref<8x2048xf32, #tpu.memory_space<vmem>>) dst(%dma_wait3A_917 : memref<8x2048xf32, #tpu.memory_space<hbm>>)
    %add3A_922 = arith.constant 144 : i32
    %add3A_923 = arith.addi %mul3A_2, %add3A_922 : i32
    %add3A_924 = arith.constant 9728 : i32
    %add3A_925 = arith.addi %add3A_924, %add3A_923 : i32
    %dma_start3A_926 = arith.constant 2 : i32
    %dma_start3A_927 = arith.constant 0 : i32
    %dma_start3A_928 = arith.constant 0 : i32
    %dma_start3A_929 = tpu.memref_slice %arg4[%dma_start3A_926, %dma_start3A_927, %dma_start3A_928] : memref<4x8x2048xf32, #tpu.memory_space<vmem>> -> memref<1x8x2048xf32, #tpu.memory_space<vmem>>
    %dma_start3A_930 = tpu.memref_squeeze %dma_start3A_929 : memref<1x8x2048xf32, #tpu.memory_space<vmem>> -> memref<8x2048xf32, #tpu.memory_space<vmem>>
    %dma_start3A_931 = arith.constant 0 : i32
    %dma_start3A_932 = tpu.memref_slice %arg2[%add3A_925, %dma_start3A_931] : memref<16384x2048xf32, #tpu.memory_space<hbm>> -> memref<8x2048xf32, #tpu.memory_space<hbm>>
    %dma_start3A_933 = arith.constant 0 : i32
    %dma_start3A_934 = arith.constant 0 : i32
    %dma_start3A_935 = tpu.memref_slice %arg4[%dma_start3A_926, %dma_start3A_933, %dma_start3A_934] : memref<4x8x2048xf32, #tpu.memory_space<vmem>> -> memref<1x8x2048xf32, #tpu.memory_space<vmem>>
    %dma_start3A_936 = tpu.memref_squeeze %dma_start3A_935 : memref<1x8x2048xf32, #tpu.memory_space<vmem>> -> memref<8x2048xf32, #tpu.memory_space<vmem>>
    %dma_start3A_937 = arith.constant 0 : i32
    %dma_start3A_938 = tpu.memref_slice %arg2[%add3A_925, %dma_start3A_937] : memref<16384x2048xf32, #tpu.memory_space<hbm>> -> memref<8x2048xf32, #tpu.memory_space<hbm>>
    tpu.enqueue_dma source(%dma_start3A_938 : memref<8x2048xf32, #tpu.memory_space<hbm>>) target(%dma_start3A_936 : memref<8x2048xf32, #tpu.memory_space<vmem>>) target_semaphore(%arg7 : memref<!tpu.dma_semaphore, #tpu.memory_space<semaphore_mem>>)
    %add3A_939 = arith.constant 120 : i32
    %add3A_940 = arith.addi %mul3A_2, %add3A_939 : i32
    %dma_wait3A_941 = arith.constant 3 : i32
    %dma_wait3A_942 = arith.constant 0 : i32
    %dma_wait3A_943 = arith.constant 0 : i32
    %dma_wait3A_944 = tpu.memref_slice %arg4[%dma_wait3A_941, %dma_wait3A_942, %dma_wait3A_943] : memref<4x8x2048xf32, #tpu.memory_space<vmem>> -> memref<1x8x2048xf32, #tpu.memory_space<vmem>>
    %dma_wait3A_945 = tpu.memref_squeeze %dma_wait3A_944 : memref<1x8x2048xf32, #tpu.memory_space<vmem>> -> memref<8x2048xf32, #tpu.memory_space<vmem>>
    %dma_wait3A_946 = arith.constant 0 : i32
    %dma_wait3A_947 = tpu.memref_slice %arg2[%add3A_751, %dma_wait3A_946] : memref<16384x2048xf32, #tpu.memory_space<hbm>> -> memref<8x2048xf32, #tpu.memory_space<hbm>>
    %dma_wait3A_948 = arith.constant 0 : i32
    %dma_wait3A_949 = arith.constant 0 : i32
    %dma_wait3A_950 = tpu.memref_slice %arg4[%dma_wait3A_941, %dma_wait3A_948, %dma_wait3A_949] : memref<4x8x2048xf32, #tpu.memory_space<vmem>> -> memref<1x8x2048xf32, #tpu.memory_space<vmem>>
    %dma_wait3A_951 = tpu.memref_squeeze %dma_wait3A_950 : memref<1x8x2048xf32, #tpu.memory_space<vmem>> -> memref<8x2048xf32, #tpu.memory_space<vmem>>
    %dma_wait3A_952 = arith.constant 0 : i32
    %dma_wait3A_953 = tpu.memref_slice %arg2[%add3A_751, %dma_wait3A_952] : memref<16384x2048xf32, #tpu.memory_space<hbm>> -> memref<8x2048xf32, #tpu.memory_space<hbm>>
    tpu.wait_dma2 semaphore(%arg8 : memref<!tpu.dma_semaphore, #tpu.memory_space<semaphore_mem>>) src(%dma_wait3A_953 : memref<8x2048xf32, #tpu.memory_space<hbm>>) dst(%dma_wait3A_951 : memref<8x2048xf32, #tpu.memory_space<vmem>>)
    %dma_start3A_954 = arith.constant 3 : i32
    %dma_start3A_955 = arith.constant 0 : i32
    %dma_start3A_956 = arith.constant 0 : i32
    %dma_start3A_957 = tpu.memref_slice %arg4[%dma_start3A_954, %dma_start3A_955, %dma_start3A_956] : memref<4x8x2048xf32, #tpu.memory_space<vmem>> -> memref<1x8x2048xf32, #tpu.memory_space<vmem>>
    %dma_start3A_958 = tpu.memref_squeeze %dma_start3A_957 : memref<1x8x2048xf32, #tpu.memory_space<vmem>> -> memref<8x2048xf32, #tpu.memory_space<vmem>>
    %dma_start3A_959 = arith.constant 0 : i32
    %dma_start3A_960 = tpu.memref_slice %arg3[%add3A_940, %dma_start3A_959] : memref<6656x2048xf32, #tpu.memory_space<hbm>> -> memref<8x2048xf32, #tpu.memory_space<hbm>>
    %dma_start3A_961 = arith.constant 0 : i32
    %dma_start3A_962 = tpu.memref_slice %arg3[%add3A_940, %dma_start3A_961] : memref<6656x2048xf32, #tpu.memory_space<hbm>> -> memref<8x2048xf32, #tpu.memory_space<hbm>>
    %dma_start3A_963 = arith.constant 0 : i32
    %dma_start3A_964 = arith.constant 0 : i32
    %dma_start3A_965 = tpu.memref_slice %arg4[%dma_start3A_954, %dma_start3A_963, %dma_start3A_964] : memref<4x8x2048xf32, #tpu.memory_space<vmem>> -> memref<1x8x2048xf32, #tpu.memory_space<vmem>>
    %dma_start3A_966 = tpu.memref_squeeze %dma_start3A_965 : memref<1x8x2048xf32, #tpu.memory_space<vmem>> -> memref<8x2048xf32, #tpu.memory_space<vmem>>
    tpu.enqueue_dma source(%dma_start3A_966 : memref<8x2048xf32, #tpu.memory_space<vmem>>) target(%dma_start3A_962 : memref<8x2048xf32, #tpu.memory_space<hbm>>) target_semaphore(%arg12 : memref<!tpu.dma_semaphore, #tpu.memory_space<semaphore_mem>>)
    %dma_wait3A_967 = arith.constant 3 : i32
    %dma_wait3A_968 = arith.constant 0 : i32
    %dma_wait3A_969 = arith.constant 0 : i32
    %dma_wait3A_970 = tpu.memref_slice %arg4[%dma_wait3A_967, %dma_wait3A_968, %dma_wait3A_969] : memref<4x8x2048xf32, #tpu.memory_space<vmem>> -> memref<1x8x2048xf32, #tpu.memory_space<vmem>>
    %dma_wait3A_971 = tpu.memref_squeeze %dma_wait3A_970 : memref<1x8x2048xf32, #tpu.memory_space<vmem>> -> memref<8x2048xf32, #tpu.memory_space<vmem>>
    %dma_wait3A_972 = arith.constant 0 : i32
    %dma_wait3A_973 = tpu.memref_slice %arg3[%add3A_940, %dma_wait3A_972] : memref<6656x2048xf32, #tpu.memory_space<hbm>> -> memref<8x2048xf32, #tpu.memory_space<hbm>>
    %dma_wait3A_974 = arith.constant 0 : i32
    %dma_wait3A_975 = tpu.memref_slice %arg3[%add3A_940, %dma_wait3A_974] : memref<6656x2048xf32, #tpu.memory_space<hbm>> -> memref<8x2048xf32, #tpu.memory_space<hbm>>
    %dma_wait3A_976 = arith.constant 0 : i32
    %dma_wait3A_977 = arith.constant 0 : i32
    %dma_wait3A_978 = tpu.memref_slice %arg4[%dma_wait3A_967, %dma_wait3A_976, %dma_wait3A_977] : memref<4x8x2048xf32, #tpu.memory_space<vmem>> -> memref<1x8x2048xf32, #tpu.memory_space<vmem>>
    %dma_wait3A_979 = tpu.memref_squeeze %dma_wait3A_978 : memref<1x8x2048xf32, #tpu.memory_space<vmem>> -> memref<8x2048xf32, #tpu.memory_space<vmem>>
    tpu.wait_dma2 semaphore(%arg12 : memref<!tpu.dma_semaphore, #tpu.memory_space<semaphore_mem>>) src(%dma_wait3A_979 : memref<8x2048xf32, #tpu.memory_space<vmem>>) dst(%dma_wait3A_975 : memref<8x2048xf32, #tpu.memory_space<hbm>>)
    %add3A_980 = arith.constant 152 : i32
    %add3A_981 = arith.addi %mul3A_2, %add3A_980 : i32
    %add3A_982 = arith.constant 9728 : i32
    %add3A_983 = arith.addi %add3A_982, %add3A_981 : i32
    %dma_start3A_984 = arith.constant 3 : i32
    %dma_start3A_985 = arith.constant 0 : i32
    %dma_start3A_986 = arith.constant 0 : i32
    %dma_start3A_987 = tpu.memref_slice %arg4[%dma_start3A_984, %dma_start3A_985, %dma_start3A_986] : memref<4x8x2048xf32, #tpu.memory_space<vmem>> -> memref<1x8x2048xf32, #tpu.memory_space<vmem>>
    %dma_start3A_988 = tpu.memref_squeeze %dma_start3A_987 : memref<1x8x2048xf32, #tpu.memory_space<vmem>> -> memref<8x2048xf32, #tpu.memory_space<vmem>>
    %dma_start3A_989 = arith.constant 0 : i32
    %dma_start3A_990 = tpu.memref_slice %arg2[%add3A_983, %dma_start3A_989] : memref<16384x2048xf32, #tpu.memory_space<hbm>> -> memref<8x2048xf32, #tpu.memory_space<hbm>>
    %dma_start3A_991 = arith.constant 0 : i32
    %dma_start3A_992 = arith.constant 0 : i32
    %dma_start3A_993 = tpu.memref_slice %arg4[%dma_start3A_984, %dma_start3A_991, %dma_start3A_992] : memref<4x8x2048xf32, #tpu.memory_space<vmem>> -> memref<1x8x2048xf32, #tpu.memory_space<vmem>>
    %dma_start3A_994 = tpu.memref_squeeze %dma_start3A_993 : memref<1x8x2048xf32, #tpu.memory_space<vmem>> -> memref<8x2048xf32, #tpu.memory_space<vmem>>
    %dma_start3A_995 = arith.constant 0 : i32
    %dma_start3A_996 = tpu.memref_slice %arg2[%add3A_983, %dma_start3A_995] : memref<16384x2048xf32, #tpu.memory_space<hbm>> -> memref<8x2048xf32, #tpu.memory_space<hbm>>
    tpu.enqueue_dma source(%dma_start3A_996 : memref<8x2048xf32, #tpu.memory_space<hbm>>) target(%dma_start3A_994 : memref<8x2048xf32, #tpu.memory_space<vmem>>) target_semaphore(%arg8 : memref<!tpu.dma_semaphore, #tpu.memory_space<semaphore_mem>>)
    %add3A_997 = arith.constant 128 : i32
    %add3A_998 = arith.addi %mul3A_2, %add3A_997 : i32
    %dma_wait3A_999 = arith.constant 0 : i32
    %dma_wait3A_1000 = arith.constant 0 : i32
    %dma_wait3A_1001 = arith.constant 0 : i32
    %dma_wait3A_1002 = tpu.memref_slice %arg4[%dma_wait3A_999, %dma_wait3A_1000, %dma_wait3A_1001] : memref<4x8x2048xf32, #tpu.memory_space<vmem>> -> memref<1x8x2048xf32, #tpu.memory_space<vmem>>
    %dma_wait3A_1003 = tpu.memref_squeeze %dma_wait3A_1002 : memref<1x8x2048xf32, #tpu.memory_space<vmem>> -> memref<8x2048xf32, #tpu.memory_space<vmem>>
    %dma_wait3A_1004 = arith.constant 0 : i32
    %dma_wait3A_1005 = tpu.memref_slice %arg2[%add3A_809, %dma_wait3A_1004] : memref<16384x2048xf32, #tpu.memory_space<hbm>> -> memref<8x2048xf32, #tpu.memory_space<hbm>>
    %dma_wait3A_1006 = arith.constant 0 : i32
    %dma_wait3A_1007 = arith.constant 0 : i32
    %dma_wait3A_1008 = tpu.memref_slice %arg4[%dma_wait3A_999, %dma_wait3A_1006, %dma_wait3A_1007] : memref<4x8x2048xf32, #tpu.memory_space<vmem>> -> memref<1x8x2048xf32, #tpu.memory_space<vmem>>
    %dma_wait3A_1009 = tpu.memref_squeeze %dma_wait3A_1008 : memref<1x8x2048xf32, #tpu.memory_space<vmem>> -> memref<8x2048xf32, #tpu.memory_space<vmem>>
    %dma_wait3A_1010 = arith.constant 0 : i32
    %dma_wait3A_1011 = tpu.memref_slice %arg2[%add3A_809, %dma_wait3A_1010] : memref<16384x2048xf32, #tpu.memory_space<hbm>> -> memref<8x2048xf32, #tpu.memory_space<hbm>>
    tpu.wait_dma2 semaphore(%arg5 : memref<!tpu.dma_semaphore, #tpu.memory_space<semaphore_mem>>) src(%dma_wait3A_1011 : memref<8x2048xf32, #tpu.memory_space<hbm>>) dst(%dma_wait3A_1009 : memref<8x2048xf32, #tpu.memory_space<vmem>>)
    %dma_start3A_1012 = arith.constant 0 : i32
    %dma_start3A_1013 = arith.constant 0 : i32
    %dma_start3A_1014 = arith.constant 0 : i32
    %dma_start3A_1015 = tpu.memref_slice %arg4[%dma_start3A_1012, %dma_start3A_1013, %dma_start3A_1014] : memref<4x8x2048xf32, #tpu.memory_space<vmem>> -> memref<1x8x2048xf32, #tpu.memory_space<vmem>>
    %dma_start3A_1016 = tpu.memref_squeeze %dma_start3A_1015 : memref<1x8x2048xf32, #tpu.memory_space<vmem>> -> memref<8x2048xf32, #tpu.memory_space<vmem>>
    %dma_start3A_1017 = arith.constant 0 : i32
    %dma_start3A_1018 = tpu.memref_slice %arg3[%add3A_998, %dma_start3A_1017] : memref<6656x2048xf32, #tpu.memory_space<hbm>> -> memref<8x2048xf32, #tpu.memory_space<hbm>>
    %dma_start3A_1019 = arith.constant 0 : i32
    %dma_start3A_1020 = tpu.memref_slice %arg3[%add3A_998, %dma_start3A_1019] : memref<6656x2048xf32, #tpu.memory_space<hbm>> -> memref<8x2048xf32, #tpu.memory_space<hbm>>
    %dma_start3A_1021 = arith.constant 0 : i32
    %dma_start3A_1022 = arith.constant 0 : i32
    %dma_start3A_1023 = tpu.memref_slice %arg4[%dma_start3A_1012, %dma_start3A_1021, %dma_start3A_1022] : memref<4x8x2048xf32, #tpu.memory_space<vmem>> -> memref<1x8x2048xf32, #tpu.memory_space<vmem>>
    %dma_start3A_1024 = tpu.memref_squeeze %dma_start3A_1023 : memref<1x8x2048xf32, #tpu.memory_space<vmem>> -> memref<8x2048xf32, #tpu.memory_space<vmem>>
    tpu.enqueue_dma source(%dma_start3A_1024 : memref<8x2048xf32, #tpu.memory_space<vmem>>) target(%dma_start3A_1020 : memref<8x2048xf32, #tpu.memory_space<hbm>>) target_semaphore(%arg9 : memref<!tpu.dma_semaphore, #tpu.memory_space<semaphore_mem>>)
    %dma_wait3A_1025 = arith.constant 0 : i32
    %dma_wait3A_1026 = arith.constant 0 : i32
    %dma_wait3A_1027 = arith.constant 0 : i32
    %dma_wait3A_1028 = tpu.memref_slice %arg4[%dma_wait3A_1025, %dma_wait3A_1026, %dma_wait3A_1027] : memref<4x8x2048xf32, #tpu.memory_space<vmem>> -> memref<1x8x2048xf32, #tpu.memory_space<vmem>>
    %dma_wait3A_1029 = tpu.memref_squeeze %dma_wait3A_1028 : memref<1x8x2048xf32, #tpu.memory_space<vmem>> -> memref<8x2048xf32, #tpu.memory_space<vmem>>
    %dma_wait3A_1030 = arith.constant 0 : i32
    %dma_wait3A_1031 = tpu.memref_slice %arg3[%add3A_998, %dma_wait3A_1030] : memref<6656x2048xf32, #tpu.memory_space<hbm>> -> memref<8x2048xf32, #tpu.memory_space<hbm>>
    %dma_wait3A_1032 = arith.constant 0 : i32
    %dma_wait3A_1033 = tpu.memref_slice %arg3[%add3A_998, %dma_wait3A_1032] : memref<6656x2048xf32, #tpu.memory_space<hbm>> -> memref<8x2048xf32, #tpu.memory_space<hbm>>
    %dma_wait3A_1034 = arith.constant 0 : i32
    %dma_wait3A_1035 = arith.constant 0 : i32
    %dma_wait3A_1036 = tpu.memref_slice %arg4[%dma_wait3A_1025, %dma_wait3A_1034, %dma_wait3A_1035] : memref<4x8x2048xf32, #tpu.memory_space<vmem>> -> memref<1x8x2048xf32, #tpu.memory_space<vmem>>
    %dma_wait3A_1037 = tpu.memref_squeeze %dma_wait3A_1036 : memref<1x8x2048xf32, #tpu.memory_space<vmem>> -> memref<8x2048xf32, #tpu.memory_space<vmem>>
    tpu.wait_dma2 semaphore(%arg9 : memref<!tpu.dma_semaphore, #tpu.memory_space<semaphore_mem>>) src(%dma_wait3A_1037 : memref<8x2048xf32, #tpu.memory_space<vmem>>) dst(%dma_wait3A_1033 : memref<8x2048xf32, #tpu.memory_space<hbm>>)
    %add3A_1038 = arith.constant 160 : i32
    %add3A_1039 = arith.addi %mul3A_2, %add3A_1038 : i32
    %add3A_1040 = arith.constant 9728 : i32
    %add3A_1041 = arith.addi %add3A_1040, %add3A_1039 : i32
    %dma_start3A_1042 = arith.constant 0 : i32
    %dma_start3A_1043 = arith.constant 0 : i32
    %dma_start3A_1044 = arith.constant 0 : i32
    %dma_start3A_1045 = tpu.memref_slice %arg4[%dma_start3A_1042, %dma_start3A_1043, %dma_start3A_1044] : memref<4x8x2048xf32, #tpu.memory_space<vmem>> -> memref<1x8x2048xf32, #tpu.memory_space<vmem>>
    %dma_start3A_1046 = tpu.memref_squeeze %dma_start3A_1045 : memref<1x8x2048xf32, #tpu.memory_space<vmem>> -> memref<8x2048xf32, #tpu.memory_space<vmem>>
    %dma_start3A_1047 = arith.constant 0 : i32
    %dma_start3A_1048 = tpu.memref_slice %arg2[%add3A_1041, %dma_start3A_1047] : memref<16384x2048xf32, #tpu.memory_space<hbm>> -> memref<8x2048xf32, #tpu.memory_space<hbm>>
    %dma_start3A_1049 = arith.constant 0 : i32
    %dma_start3A_1050 = arith.constant 0 : i32
    %dma_start3A_1051 = tpu.memref_slice %arg4[%dma_start3A_1042, %dma_start3A_1049, %dma_start3A_1050] : memref<4x8x2048xf32, #tpu.memory_space<vmem>> -> memref<1x8x2048xf32, #tpu.memory_space<vmem>>
    %dma_start3A_1052 = tpu.memref_squeeze %dma_start3A_1051 : memref<1x8x2048xf32, #tpu.memory_space<vmem>> -> memref<8x2048xf32, #tpu.memory_space<vmem>>
    %dma_start3A_1053 = arith.constant 0 : i32
    %dma_start3A_1054 = tpu.memref_slice %arg2[%add3A_1041, %dma_start3A_1053] : memref<16384x2048xf32, #tpu.memory_space<hbm>> -> memref<8x2048xf32, #tpu.memory_space<hbm>>
    tpu.enqueue_dma source(%dma_start3A_1054 : memref<8x2048xf32, #tpu.memory_space<hbm>>) target(%dma_start3A_1052 : memref<8x2048xf32, #tpu.memory_space<vmem>>) target_semaphore(%arg5 : memref<!tpu.dma_semaphore, #tpu.memory_space<semaphore_mem>>)
    %add3A_1055 = arith.constant 136 : i32
    %add3A_1056 = arith.addi %mul3A_2, %add3A_1055 : i32
    %dma_wait3A_1057 = arith.constant 1 : i32
    %dma_wait3A_1058 = arith.constant 0 : i32
    %dma_wait3A_1059 = arith.constant 0 : i32
    %dma_wait3A_1060 = tpu.memref_slice %arg4[%dma_wait3A_1057, %dma_wait3A_1058, %dma_wait3A_1059] : memref<4x8x2048xf32, #tpu.memory_space<vmem>> -> memref<1x8x2048xf32, #tpu.memory_space<vmem>>
    %dma_wait3A_1061 = tpu.memref_squeeze %dma_wait3A_1060 : memref<1x8x2048xf32, #tpu.memory_space<vmem>> -> memref<8x2048xf32, #tpu.memory_space<vmem>>
    %dma_wait3A_1062 = arith.constant 0 : i32
    %dma_wait3A_1063 = tpu.memref_slice %arg2[%add3A_867, %dma_wait3A_1062] : memref<16384x2048xf32, #tpu.memory_space<hbm>> -> memref<8x2048xf32, #tpu.memory_space<hbm>>
    %dma_wait3A_1064 = arith.constant 0 : i32
    %dma_wait3A_1065 = arith.constant 0 : i32
    %dma_wait3A_1066 = tpu.memref_slice %arg4[%dma_wait3A_1057, %dma_wait3A_1064, %dma_wait3A_1065] : memref<4x8x2048xf32, #tpu.memory_space<vmem>> -> memref<1x8x2048xf32, #tpu.memory_space<vmem>>
    %dma_wait3A_1067 = tpu.memref_squeeze %dma_wait3A_1066 : memref<1x8x2048xf32, #tpu.memory_space<vmem>> -> memref<8x2048xf32, #tpu.memory_space<vmem>>
    %dma_wait3A_1068 = arith.constant 0 : i32
    %dma_wait3A_1069 = tpu.memref_slice %arg2[%add3A_867, %dma_wait3A_1068] : memref<16384x2048xf32, #tpu.memory_space<hbm>> -> memref<8x2048xf32, #tpu.memory_space<hbm>>
    tpu.wait_dma2 semaphore(%arg6 : memref<!tpu.dma_semaphore, #tpu.memory_space<semaphore_mem>>) src(%dma_wait3A_1069 : memref<8x2048xf32, #tpu.memory_space<hbm>>) dst(%dma_wait3A_1067 : memref<8x2048xf32, #tpu.memory_space<vmem>>)
    %dma_start3A_1070 = arith.constant 1 : i32
    %dma_start3A_1071 = arith.constant 0 : i32
    %dma_start3A_1072 = arith.constant 0 : i32
    %dma_start3A_1073 = tpu.memref_slice %arg4[%dma_start3A_1070, %dma_start3A_1071, %dma_start3A_1072] : memref<4x8x2048xf32, #tpu.memory_space<vmem>> -> memref<1x8x2048xf32, #tpu.memory_space<vmem>>
    %dma_start3A_1074 = tpu.memref_squeeze %dma_start3A_1073 : memref<1x8x2048xf32, #tpu.memory_space<vmem>> -> memref<8x2048xf32, #tpu.memory_space<vmem>>
    %dma_start3A_1075 = arith.constant 0 : i32
    %dma_start3A_1076 = tpu.memref_slice %arg3[%add3A_1056, %dma_start3A_1075] : memref<6656x2048xf32, #tpu.memory_space<hbm>> -> memref<8x2048xf32, #tpu.memory_space<hbm>>
    %dma_start3A_1077 = arith.constant 0 : i32
    %dma_start3A_1078 = tpu.memref_slice %arg3[%add3A_1056, %dma_start3A_1077] : memref<6656x2048xf32, #tpu.memory_space<hbm>> -> memref<8x2048xf32, #tpu.memory_space<hbm>>
    %dma_start3A_1079 = arith.constant 0 : i32
    %dma_start3A_1080 = arith.constant 0 : i32
    %dma_start3A_1081 = tpu.memref_slice %arg4[%dma_start3A_1070, %dma_start3A_1079, %dma_start3A_1080] : memref<4x8x2048xf32, #tpu.memory_space<vmem>> -> memref<1x8x2048xf32, #tpu.memory_space<vmem>>
    %dma_start3A_1082 = tpu.memref_squeeze %dma_start3A_1081 : memref<1x8x2048xf32, #tpu.memory_space<vmem>> -> memref<8x2048xf32, #tpu.memory_space<vmem>>
    tpu.enqueue_dma source(%dma_start3A_1082 : memref<8x2048xf32, #tpu.memory_space<vmem>>) target(%dma_start3A_1078 : memref<8x2048xf32, #tpu.memory_space<hbm>>) target_semaphore(%arg10 : memref<!tpu.dma_semaphore, #tpu.memory_space<semaphore_mem>>)
    %dma_wait3A_1083 = arith.constant 1 : i32
    %dma_wait3A_1084 = arith.constant 0 : i32
    %dma_wait3A_1085 = arith.constant 0 : i32
    %dma_wait3A_1086 = tpu.memref_slice %arg4[%dma_wait3A_1083, %dma_wait3A_1084, %dma_wait3A_1085] : memref<4x8x2048xf32, #tpu.memory_space<vmem>> -> memref<1x8x2048xf32, #tpu.memory_space<vmem>>
    %dma_wait3A_1087 = tpu.memref_squeeze %dma_wait3A_1086 : memref<1x8x2048xf32, #tpu.memory_space<vmem>> -> memref<8x2048xf32, #tpu.memory_space<vmem>>
    %dma_wait3A_1088 = arith.constant 0 : i32
    %dma_wait3A_1089 = tpu.memref_slice %arg3[%add3A_1056, %dma_wait3A_1088] : memref<6656x2048xf32, #tpu.memory_space<hbm>> -> memref<8x2048xf32, #tpu.memory_space<hbm>>
    %dma_wait3A_1090 = arith.constant 0 : i32
    %dma_wait3A_1091 = tpu.memref_slice %arg3[%add3A_1056, %dma_wait3A_1090] : memref<6656x2048xf32, #tpu.memory_space<hbm>> -> memref<8x2048xf32, #tpu.memory_space<hbm>>
    %dma_wait3A_1092 = arith.constant 0 : i32
    %dma_wait3A_1093 = arith.constant 0 : i32
    %dma_wait3A_1094 = tpu.memref_slice %arg4[%dma_wait3A_1083, %dma_wait3A_1092, %dma_wait3A_1093] : memref<4x8x2048xf32, #tpu.memory_space<vmem>> -> memref<1x8x2048xf32, #tpu.memory_space<vmem>>
    %dma_wait3A_1095 = tpu.memref_squeeze %dma_wait3A_1094 : memref<1x8x2048xf32, #tpu.memory_space<vmem>> -> memref<8x2048xf32, #tpu.memory_space<vmem>>
    tpu.wait_dma2 semaphore(%arg10 : memref<!tpu.dma_semaphore, #tpu.memory_space<semaphore_mem>>) src(%dma_wait3A_1095 : memref<8x2048xf32, #tpu.memory_space<vmem>>) dst(%dma_wait3A_1091 : memref<8x2048xf32, #tpu.memory_space<hbm>>)
    %add3A_1096 = arith.constant 168 : i32
    %add3A_1097 = arith.addi %mul3A_2, %add3A_1096 : i32
    %add3A_1098 = arith.constant 9728 : i32
    %add3A_1099 = arith.addi %add3A_1098, %add3A_1097 : i32
    %dma_start3A_1100 = arith.constant 1 : i32
    %dma_start3A_1101 = arith.constant 0 : i32
    %dma_start3A_1102 = arith.constant 0 : i32
    %dma_start3A_1103 = tpu.memref_slice %arg4[%dma_start3A_1100, %dma_start3A_1101, %dma_start3A_1102] : memref<4x8x2048xf32, #tpu.memory_space<vmem>> -> memref<1x8x2048xf32, #tpu.memory_space<vmem>>
    %dma_start3A_1104 = tpu.memref_squeeze %dma_start3A_1103 : memref<1x8x2048xf32, #tpu.memory_space<vmem>> -> memref<8x2048xf32, #tpu.memory_space<vmem>>
    %dma_start3A_1105 = arith.constant 0 : i32
    %dma_start3A_1106 = tpu.memref_slice %arg2[%add3A_1099, %dma_start3A_1105] : memref<16384x2048xf32, #tpu.memory_space<hbm>> -> memref<8x2048xf32, #tpu.memory_space<hbm>>
    %dma_start3A_1107 = arith.constant 0 : i32
    %dma_start3A_1108 = arith.constant 0 : i32
    %dma_start3A_1109 = tpu.memref_slice %arg4[%dma_start3A_1100, %dma_start3A_1107, %dma_start3A_1108] : memref<4x8x2048xf32, #tpu.memory_space<vmem>> -> memref<1x8x2048xf32, #tpu.memory_space<vmem>>
    %dma_start3A_1110 = tpu.memref_squeeze %dma_start3A_1109 : memref<1x8x2048xf32, #tpu.memory_space<vmem>> -> memref<8x2048xf32, #tpu.memory_space<vmem>>
    %dma_start3A_1111 = arith.constant 0 : i32
    %dma_start3A_1112 = tpu.memref_slice %arg2[%add3A_1099, %dma_start3A_1111] : memref<16384x2048xf32, #tpu.memory_space<hbm>> -> memref<8x2048xf32, #tpu.memory_space<hbm>>
    tpu.enqueue_dma source(%dma_start3A_1112 : memref<8x2048xf32, #tpu.memory_space<hbm>>) target(%dma_start3A_1110 : memref<8x2048xf32, #tpu.memory_space<vmem>>) target_semaphore(%arg6 : memref<!tpu.dma_semaphore, #tpu.memory_space<semaphore_mem>>)
    %add3A_1113 = arith.constant 144 : i32
    %add3A_1114 = arith.addi %mul3A_2, %add3A_1113 : i32
    %dma_wait3A_1115 = arith.constant 2 : i32
    %dma_wait3A_1116 = arith.constant 0 : i32
    %dma_wait3A_1117 = arith.constant 0 : i32
    %dma_wait3A_1118 = tpu.memref_slice %arg4[%dma_wait3A_1115, %dma_wait3A_1116, %dma_wait3A_1117] : memref<4x8x2048xf32, #tpu.memory_space<vmem>> -> memref<1x8x2048xf32, #tpu.memory_space<vmem>>
    %dma_wait3A_1119 = tpu.memref_squeeze %dma_wait3A_1118 : memref<1x8x2048xf32, #tpu.memory_space<vmem>> -> memref<8x2048xf32, #tpu.memory_space<vmem>>
    %dma_wait3A_1120 = arith.constant 0 : i32
    %dma_wait3A_1121 = tpu.memref_slice %arg2[%add3A_925, %dma_wait3A_1120] : memref<16384x2048xf32, #tpu.memory_space<hbm>> -> memref<8x2048xf32, #tpu.memory_space<hbm>>
    %dma_wait3A_1122 = arith.constant 0 : i32
    %dma_wait3A_1123 = arith.constant 0 : i32
    %dma_wait3A_1124 = tpu.memref_slice %arg4[%dma_wait3A_1115, %dma_wait3A_1122, %dma_wait3A_1123] : memref<4x8x2048xf32, #tpu.memory_space<vmem>> -> memref<1x8x2048xf32, #tpu.memory_space<vmem>>
    %dma_wait3A_1125 = tpu.memref_squeeze %dma_wait3A_1124 : memref<1x8x2048xf32, #tpu.memory_space<vmem>> -> memref<8x2048xf32, #tpu.memory_space<vmem>>
    %dma_wait3A_1126 = arith.constant 0 : i32
    %dma_wait3A_1127 = tpu.memref_slice %arg2[%add3A_925, %dma_wait3A_1126] : memref<16384x2048xf32, #tpu.memory_space<hbm>> -> memref<8x2048xf32, #tpu.memory_space<hbm>>
    tpu.wait_dma2 semaphore(%arg7 : memref<!tpu.dma_semaphore, #tpu.memory_space<semaphore_mem>>) src(%dma_wait3A_1127 : memref<8x2048xf32, #tpu.memory_space<hbm>>) dst(%dma_wait3A_1125 : memref<8x2048xf32, #tpu.memory_space<vmem>>)
    %dma_start3A_1128 = arith.constant 2 : i32
    %dma_start3A_1129 = arith.constant 0 : i32
    %dma_start3A_1130 = arith.constant 0 : i32
    %dma_start3A_1131 = tpu.memref_slice %arg4[%dma_start3A_1128, %dma_start3A_1129, %dma_start3A_1130] : memref<4x8x2048xf32, #tpu.memory_space<vmem>> -> memref<1x8x2048xf32, #tpu.memory_space<vmem>>
    %dma_start3A_1132 = tpu.memref_squeeze %dma_start3A_1131 : memref<1x8x2048xf32, #tpu.memory_space<vmem>> -> memref<8x2048xf32, #tpu.memory_space<vmem>>
    %dma_start3A_1133 = arith.constant 0 : i32
    %dma_start3A_1134 = tpu.memref_slice %arg3[%add3A_1114, %dma_start3A_1133] : memref<6656x2048xf32, #tpu.memory_space<hbm>> -> memref<8x2048xf32, #tpu.memory_space<hbm>>
    %dma_start3A_1135 = arith.constant 0 : i32
    %dma_start3A_1136 = tpu.memref_slice %arg3[%add3A_1114, %dma_start3A_1135] : memref<6656x2048xf32, #tpu.memory_space<hbm>> -> memref<8x2048xf32, #tpu.memory_space<hbm>>
    %dma_start3A_1137 = arith.constant 0 : i32
    %dma_start3A_1138 = arith.constant 0 : i32
    %dma_start3A_1139 = tpu.memref_slice %arg4[%dma_start3A_1128, %dma_start3A_1137, %dma_start3A_1138] : memref<4x8x2048xf32, #tpu.memory_space<vmem>> -> memref<1x8x2048xf32, #tpu.memory_space<vmem>>
    %dma_start3A_1140 = tpu.memref_squeeze %dma_start3A_1139 : memref<1x8x2048xf32, #tpu.memory_space<vmem>> -> memref<8x2048xf32, #tpu.memory_space<vmem>>
    tpu.enqueue_dma source(%dma_start3A_1140 : memref<8x2048xf32, #tpu.memory_space<vmem>>) target(%dma_start3A_1136 : memref<8x2048xf32, #tpu.memory_space<hbm>>) target_semaphore(%arg11 : memref<!tpu.dma_semaphore, #tpu.memory_space<semaphore_mem>>)
    %dma_wait3A_1141 = arith.constant 2 : i32
    %dma_wait3A_1142 = arith.constant 0 : i32
    %dma_wait3A_1143 = arith.constant 0 : i32
    %dma_wait3A_1144 = tpu.memref_slice %arg4[%dma_wait3A_1141, %dma_wait3A_1142, %dma_wait3A_1143] : memref<4x8x2048xf32, #tpu.memory_space<vmem>> -> memref<1x8x2048xf32, #tpu.memory_space<vmem>>
    %dma_wait3A_1145 = tpu.memref_squeeze %dma_wait3A_1144 : memref<1x8x2048xf32, #tpu.memory_space<vmem>> -> memref<8x2048xf32, #tpu.memory_space<vmem>>
    %dma_wait3A_1146 = arith.constant 0 : i32
    %dma_wait3A_1147 = tpu.memref_slice %arg3[%add3A_1114, %dma_wait3A_1146] : memref<6656x2048xf32, #tpu.memory_space<hbm>> -> memref<8x2048xf32, #tpu.memory_space<hbm>>
    %dma_wait3A_1148 = arith.constant 0 : i32
    %dma_wait3A_1149 = tpu.memref_slice %arg3[%add3A_1114, %dma_wait3A_1148] : memref<6656x2048xf32, #tpu.memory_space<hbm>> -> memref<8x2048xf32, #tpu.memory_space<hbm>>
    %dma_wait3A_1150 = arith.constant 0 : i32
    %dma_wait3A_1151 = arith.constant 0 : i32
    %dma_wait3A_1152 = tpu.memref_slice %arg4[%dma_wait3A_1141, %dma_wait3A_1150, %dma_wait3A_1151] : memref<4x8x2048xf32, #tpu.memory_space<vmem>> -> memref<1x8x2048xf32, #tpu.memory_space<vmem>>
    %dma_wait3A_1153 = tpu.memref_squeeze %dma_wait3A_1152 : memref<1x8x2048xf32, #tpu.memory_space<vmem>> -> memref<8x2048xf32, #tpu.memory_space<vmem>>
    tpu.wait_dma2 semaphore(%arg11 : memref<!tpu.dma_semaphore, #tpu.memory_space<semaphore_mem>>) src(%dma_wait3A_1153 : memref<8x2048xf32, #tpu.memory_space<vmem>>) dst(%dma_wait3A_1149 : memref<8x2048xf32, #tpu.memory_space<hbm>>)
    %add3A_1154 = arith.constant 176 : i32
    %add3A_1155 = arith.addi %mul3A_2, %add3A_1154 : i32
    %add3A_1156 = arith.constant 9728 : i32
    %add3A_1157 = arith.addi %add3A_1156, %add3A_1155 : i32
    %dma_start3A_1158 = arith.constant 2 : i32
    %dma_start3A_1159 = arith.constant 0 : i32
    %dma_start3A_1160 = arith.constant 0 : i32
    %dma_start3A_1161 = tpu.memref_slice %arg4[%dma_start3A_1158, %dma_start3A_1159, %dma_start3A_1160] : memref<4x8x2048xf32, #tpu.memory_space<vmem>> -> memref<1x8x2048xf32, #tpu.memory_space<vmem>>
    %dma_start3A_1162 = tpu.memref_squeeze %dma_start3A_1161 : memref<1x8x2048xf32, #tpu.memory_space<vmem>> -> memref<8x2048xf32, #tpu.memory_space<vmem>>
    %dma_start3A_1163 = arith.constant 0 : i32
    %dma_start3A_1164 = tpu.memref_slice %arg2[%add3A_1157, %dma_start3A_1163] : memref<16384x2048xf32, #tpu.memory_space<hbm>> -> memref<8x2048xf32, #tpu.memory_space<hbm>>
    %dma_start3A_1165 = arith.constant 0 : i32
    %dma_start3A_1166 = arith.constant 0 : i32
    %dma_start3A_1167 = tpu.memref_slice %arg4[%dma_start3A_1158, %dma_start3A_1165, %dma_start3A_1166] : memref<4x8x2048xf32, #tpu.memory_space<vmem>> -> memref<1x8x2048xf32, #tpu.memory_space<vmem>>
    %dma_start3A_1168 = tpu.memref_squeeze %dma_start3A_1167 : memref<1x8x2048xf32, #tpu.memory_space<vmem>> -> memref<8x2048xf32, #tpu.memory_space<vmem>>
    %dma_start3A_1169 = arith.constant 0 : i32
    %dma_start3A_1170 = tpu.memref_slice %arg2[%add3A_1157, %dma_start3A_1169] : memref<16384x2048xf32, #tpu.memory_space<hbm>> -> memref<8x2048xf32, #tpu.memory_space<hbm>>
    tpu.enqueue_dma source(%dma_start3A_1170 : memref<8x2048xf32, #tpu.memory_space<hbm>>) target(%dma_start3A_1168 : memref<8x2048xf32, #tpu.memory_space<vmem>>) target_semaphore(%arg7 : memref<!tpu.dma_semaphore, #tpu.memory_space<semaphore_mem>>)
    %add3A_1171 = arith.constant 152 : i32
    %add3A_1172 = arith.addi %mul3A_2, %add3A_1171 : i32
    %dma_wait3A_1173 = arith.constant 3 : i32
    %dma_wait3A_1174 = arith.constant 0 : i32
    %dma_wait3A_1175 = arith.constant 0 : i32
    %dma_wait3A_1176 = tpu.memref_slice %arg4[%dma_wait3A_1173, %dma_wait3A_1174, %dma_wait3A_1175] : memref<4x8x2048xf32, #tpu.memory_space<vmem>> -> memref<1x8x2048xf32, #tpu.memory_space<vmem>>
    %dma_wait3A_1177 = tpu.memref_squeeze %dma_wait3A_1176 : memref<1x8x2048xf32, #tpu.memory_space<vmem>> -> memref<8x2048xf32, #tpu.memory_space<vmem>>
    %dma_wait3A_1178 = arith.constant 0 : i32
    %dma_wait3A_1179 = tpu.memref_slice %arg2[%add3A_983, %dma_wait3A_1178] : memref<16384x2048xf32, #tpu.memory_space<hbm>> -> memref<8x2048xf32, #tpu.memory_space<hbm>>
    %dma_wait3A_1180 = arith.constant 0 : i32
    %dma_wait3A_1181 = arith.constant 0 : i32
    %dma_wait3A_1182 = tpu.memref_slice %arg4[%dma_wait3A_1173, %dma_wait3A_1180, %dma_wait3A_1181] : memref<4x8x2048xf32, #tpu.memory_space<vmem>> -> memref<1x8x2048xf32, #tpu.memory_space<vmem>>
    %dma_wait3A_1183 = tpu.memref_squeeze %dma_wait3A_1182 : memref<1x8x2048xf32, #tpu.memory_space<vmem>> -> memref<8x2048xf32, #tpu.memory_space<vmem>>
    %dma_wait3A_1184 = arith.constant 0 : i32
    %dma_wait3A_1185 = tpu.memref_slice %arg2[%add3A_983, %dma_wait3A_1184] : memref<16384x2048xf32, #tpu.memory_space<hbm>> -> memref<8x2048xf32, #tpu.memory_space<hbm>>
    tpu.wait_dma2 semaphore(%arg8 : memref<!tpu.dma_semaphore, #tpu.memory_space<semaphore_mem>>) src(%dma_wait3A_1185 : memref<8x2048xf32, #tpu.memory_space<hbm>>) dst(%dma_wait3A_1183 : memref<8x2048xf32, #tpu.memory_space<vmem>>)
    %dma_start3A_1186 = arith.constant 3 : i32
    %dma_start3A_1187 = arith.constant 0 : i32
    %dma_start3A_1188 = arith.constant 0 : i32
    %dma_start3A_1189 = tpu.memref_slice %arg4[%dma_start3A_1186, %dma_start3A_1187, %dma_start3A_1188] : memref<4x8x2048xf32, #tpu.memory_space<vmem>> -> memref<1x8x2048xf32, #tpu.memory_space<vmem>>
    %dma_start3A_1190 = tpu.memref_squeeze %dma_start3A_1189 : memref<1x8x2048xf32, #tpu.memory_space<vmem>> -> memref<8x2048xf32, #tpu.memory_space<vmem>>
    %dma_start3A_1191 = arith.constant 0 : i32
    %dma_start3A_1192 = tpu.memref_slice %arg3[%add3A_1172, %dma_start3A_1191] : memref<6656x2048xf32, #tpu.memory_space<hbm>> -> memref<8x2048xf32, #tpu.memory_space<hbm>>
    %dma_start3A_1193 = arith.constant 0 : i32
    %dma_start3A_1194 = tpu.memref_slice %arg3[%add3A_1172, %dma_start3A_1193] : memref<6656x2048xf32, #tpu.memory_space<hbm>> -> memref<8x2048xf32, #tpu.memory_space<hbm>>
    %dma_start3A_1195 = arith.constant 0 : i32
    %dma_start3A_1196 = arith.constant 0 : i32
    %dma_start3A_1197 = tpu.memref_slice %arg4[%dma_start3A_1186, %dma_start3A_1195, %dma_start3A_1196] : memref<4x8x2048xf32, #tpu.memory_space<vmem>> -> memref<1x8x2048xf32, #tpu.memory_space<vmem>>
    %dma_start3A_1198 = tpu.memref_squeeze %dma_start3A_1197 : memref<1x8x2048xf32, #tpu.memory_space<vmem>> -> memref<8x2048xf32, #tpu.memory_space<vmem>>
    tpu.enqueue_dma source(%dma_start3A_1198 : memref<8x2048xf32, #tpu.memory_space<vmem>>) target(%dma_start3A_1194 : memref<8x2048xf32, #tpu.memory_space<hbm>>) target_semaphore(%arg12 : memref<!tpu.dma_semaphore, #tpu.memory_space<semaphore_mem>>)
    %dma_wait3A_1199 = arith.constant 3 : i32
    %dma_wait3A_1200 = arith.constant 0 : i32
    %dma_wait3A_1201 = arith.constant 0 : i32
    %dma_wait3A_1202 = tpu.memref_slice %arg4[%dma_wait3A_1199, %dma_wait3A_1200, %dma_wait3A_1201] : memref<4x8x2048xf32, #tpu.memory_space<vmem>> -> memref<1x8x2048xf32, #tpu.memory_space<vmem>>
    %dma_wait3A_1203 = tpu.memref_squeeze %dma_wait3A_1202 : memref<1x8x2048xf32, #tpu.memory_space<vmem>> -> memref<8x2048xf32, #tpu.memory_space<vmem>>
    %dma_wait3A_1204 = arith.constant 0 : i32
    %dma_wait3A_1205 = tpu.memref_slice %arg3[%add3A_1172, %dma_wait3A_1204] : memref<6656x2048xf32, #tpu.memory_space<hbm>> -> memref<8x2048xf32, #tpu.memory_space<hbm>>
    %dma_wait3A_1206 = arith.constant 0 : i32
    %dma_wait3A_1207 = tpu.memref_slice %arg3[%add3A_1172, %dma_wait3A_1206] : memref<6656x2048xf32, #tpu.memory_space<hbm>> -> memref<8x2048xf32, #tpu.memory_space<hbm>>
    %dma_wait3A_1208 = arith.constant 0 : i32
    %dma_wait3A_1209 = arith.constant 0 : i32
    %dma_wait3A_1210 = tpu.memref_slice %arg4[%dma_wait3A_1199, %dma_wait3A_1208, %dma_wait3A_1209] : memref<4x8x2048xf32, #tpu.memory_space<vmem>> -> memref<1x8x2048xf32, #tpu.memory_space<vmem>>
    %dma_wait3A_1211 = tpu.memref_squeeze %dma_wait3A_1210 : memref<1x8x2048xf32, #tpu.memory_space<vmem>> -> memref<8x2048xf32, #tpu.memory_space<vmem>>
    tpu.wait_dma2 semaphore(%arg12 : memref<!tpu.dma_semaphore, #tpu.memory_space<semaphore_mem>>) src(%dma_wait3A_1211 : memref<8x2048xf32, #tpu.memory_space<vmem>>) dst(%dma_wait3A_1207 : memref<8x2048xf32, #tpu.memory_space<hbm>>)
    %add3A_1212 = arith.constant 184 : i32
    %add3A_1213 = arith.addi %mul3A_2, %add3A_1212 : i32
    %add3A_1214 = arith.constant 9728 : i32
    %add3A_1215 = arith.addi %add3A_1214, %add3A_1213 : i32
    %dma_start3A_1216 = arith.constant 3 : i32
    %dma_start3A_1217 = arith.constant 0 : i32
    %dma_start3A_1218 = arith.constant 0 : i32
    %dma_start3A_1219 = tpu.memref_slice %arg4[%dma_start3A_1216, %dma_start3A_1217, %dma_start3A_1218] : memref<4x8x2048xf32, #tpu.memory_space<vmem>> -> memref<1x8x2048xf32, #tpu.memory_space<vmem>>
    %dma_start3A_1220 = tpu.memref_squeeze %dma_start3A_1219 : memref<1x8x2048xf32, #tpu.memory_space<vmem>> -> memref<8x2048xf32, #tpu.memory_space<vmem>>
    %dma_start3A_1221 = arith.constant 0 : i32
    %dma_start3A_1222 = tpu.memref_slice %arg2[%add3A_1215, %dma_start3A_1221] : memref<16384x2048xf32, #tpu.memory_space<hbm>> -> memref<8x2048xf32, #tpu.memory_space<hbm>>
    %dma_start3A_1223 = arith.constant 0 : i32
    %dma_start3A_1224 = arith.constant 0 : i32
    %dma_start3A_1225 = tpu.memref_slice %arg4[%dma_start3A_1216, %dma_start3A_1223, %dma_start3A_1224] : memref<4x8x2048xf32, #tpu.memory_space<vmem>> -> memref<1x8x2048xf32, #tpu.memory_space<vmem>>
    %dma_start3A_1226 = tpu.memref_squeeze %dma_start3A_1225 : memref<1x8x2048xf32, #tpu.memory_space<vmem>> -> memref<8x2048xf32, #tpu.memory_space<vmem>>
    %dma_start3A_1227 = arith.constant 0 : i32
    %dma_start3A_1228 = tpu.memref_slice %arg2[%add3A_1215, %dma_start3A_1227] : memref<16384x2048xf32, #tpu.memory_space<hbm>> -> memref<8x2048xf32, #tpu.memory_space<hbm>>
    tpu.enqueue_dma source(%dma_start3A_1228 : memref<8x2048xf32, #tpu.memory_space<hbm>>) target(%dma_start3A_1226 : memref<8x2048xf32, #tpu.memory_space<vmem>>) target_semaphore(%arg8 : memref<!tpu.dma_semaphore, #tpu.memory_space<semaphore_mem>>)
    %add3A_1229 = arith.constant 160 : i32
    %add3A_1230 = arith.addi %mul3A_2, %add3A_1229 : i32
    %dma_wait3A_1231 = arith.constant 0 : i32
    %dma_wait3A_1232 = arith.constant 0 : i32
    %dma_wait3A_1233 = arith.constant 0 : i32
    %dma_wait3A_1234 = tpu.memref_slice %arg4[%dma_wait3A_1231, %dma_wait3A_1232, %dma_wait3A_1233] : memref<4x8x2048xf32, #tpu.memory_space<vmem>> -> memref<1x8x2048xf32, #tpu.memory_space<vmem>>
    %dma_wait3A_1235 = tpu.memref_squeeze %dma_wait3A_1234 : memref<1x8x2048xf32, #tpu.memory_space<vmem>> -> memref<8x2048xf32, #tpu.memory_space<vmem>>
    %dma_wait3A_1236 = arith.constant 0 : i32
    %dma_wait3A_1237 = tpu.memref_slice %arg2[%add3A_1041, %dma_wait3A_1236] : memref<16384x2048xf32, #tpu.memory_space<hbm>> -> memref<8x2048xf32, #tpu.memory_space<hbm>>
    %dma_wait3A_1238 = arith.constant 0 : i32
    %dma_wait3A_1239 = arith.constant 0 : i32
    %dma_wait3A_1240 = tpu.memref_slice %arg4[%dma_wait3A_1231, %dma_wait3A_1238, %dma_wait3A_1239] : memref<4x8x2048xf32, #tpu.memory_space<vmem>> -> memref<1x8x2048xf32, #tpu.memory_space<vmem>>
    %dma_wait3A_1241 = tpu.memref_squeeze %dma_wait3A_1240 : memref<1x8x2048xf32, #tpu.memory_space<vmem>> -> memref<8x2048xf32, #tpu.memory_space<vmem>>
    %dma_wait3A_1242 = arith.constant 0 : i32
    %dma_wait3A_1243 = tpu.memref_slice %arg2[%add3A_1041, %dma_wait3A_1242] : memref<16384x2048xf32, #tpu.memory_space<hbm>> -> memref<8x2048xf32, #tpu.memory_space<hbm>>
    tpu.wait_dma2 semaphore(%arg5 : memref<!tpu.dma_semaphore, #tpu.memory_space<semaphore_mem>>) src(%dma_wait3A_1243 : memref<8x2048xf32, #tpu.memory_space<hbm>>) dst(%dma_wait3A_1241 : memref<8x2048xf32, #tpu.memory_space<vmem>>)
    %dma_start3A_1244 = arith.constant 0 : i32
    %dma_start3A_1245 = arith.constant 0 : i32
    %dma_start3A_1246 = arith.constant 0 : i32
    %dma_start3A_1247 = tpu.memref_slice %arg4[%dma_start3A_1244, %dma_start3A_1245, %dma_start3A_1246] : memref<4x8x2048xf32, #tpu.memory_space<vmem>> -> memref<1x8x2048xf32, #tpu.memory_space<vmem>>
    %dma_start3A_1248 = tpu.memref_squeeze %dma_start3A_1247 : memref<1x8x2048xf32, #tpu.memory_space<vmem>> -> memref<8x2048xf32, #tpu.memory_space<vmem>>
    %dma_start3A_1249 = arith.constant 0 : i32
    %dma_start3A_1250 = tpu.memref_slice %arg3[%add3A_1230, %dma_start3A_1249] : memref<6656x2048xf32, #tpu.memory_space<hbm>> -> memref<8x2048xf32, #tpu.memory_space<hbm>>
    %dma_start3A_1251 = arith.constant 0 : i32
    %dma_start3A_1252 = tpu.memref_slice %arg3[%add3A_1230, %dma_start3A_1251] : memref<6656x2048xf32, #tpu.memory_space<hbm>> -> memref<8x2048xf32, #tpu.memory_space<hbm>>
    %dma_start3A_1253 = arith.constant 0 : i32
    %dma_start3A_1254 = arith.constant 0 : i32
    %dma_start3A_1255 = tpu.memref_slice %arg4[%dma_start3A_1244, %dma_start3A_1253, %dma_start3A_1254] : memref<4x8x2048xf32, #tpu.memory_space<vmem>> -> memref<1x8x2048xf32, #tpu.memory_space<vmem>>
    %dma_start3A_1256 = tpu.memref_squeeze %dma_start3A_1255 : memref<1x8x2048xf32, #tpu.memory_space<vmem>> -> memref<8x2048xf32, #tpu.memory_space<vmem>>
    tpu.enqueue_dma source(%dma_start3A_1256 : memref<8x2048xf32, #tpu.memory_space<vmem>>) target(%dma_start3A_1252 : memref<8x2048xf32, #tpu.memory_space<hbm>>) target_semaphore(%arg9 : memref<!tpu.dma_semaphore, #tpu.memory_space<semaphore_mem>>)
    %dma_wait3A_1257 = arith.constant 0 : i32
    %dma_wait3A_1258 = arith.constant 0 : i32
    %dma_wait3A_1259 = arith.constant 0 : i32
    %dma_wait3A_1260 = tpu.memref_slice %arg4[%dma_wait3A_1257, %dma_wait3A_1258, %dma_wait3A_1259] : memref<4x8x2048xf32, #tpu.memory_space<vmem>> -> memref<1x8x2048xf32, #tpu.memory_space<vmem>>
    %dma_wait3A_1261 = tpu.memref_squeeze %dma_wait3A_1260 : memref<1x8x2048xf32, #tpu.memory_space<vmem>> -> memref<8x2048xf32, #tpu.memory_space<vmem>>
    %dma_wait3A_1262 = arith.constant 0 : i32
    %dma_wait3A_1263 = tpu.memref_slice %arg3[%add3A_1230, %dma_wait3A_1262] : memref<6656x2048xf32, #tpu.memory_space<hbm>> -> memref<8x2048xf32, #tpu.memory_space<hbm>>
    %dma_wait3A_1264 = arith.constant 0 : i32
    %dma_wait3A_1265 = tpu.memref_slice %arg3[%add3A_1230, %dma_wait3A_1264] : memref<6656x2048xf32, #tpu.memory_space<hbm>> -> memref<8x2048xf32, #tpu.memory_space<hbm>>
    %dma_wait3A_1266 = arith.constant 0 : i32
    %dma_wait3A_1267 = arith.constant 0 : i32
    %dma_wait3A_1268 = tpu.memref_slice %arg4[%dma_wait3A_1257, %dma_wait3A_1266, %dma_wait3A_1267] : memref<4x8x2048xf32, #tpu.memory_space<vmem>> -> memref<1x8x2048xf32, #tpu.memory_space<vmem>>
    %dma_wait3A_1269 = tpu.memref_squeeze %dma_wait3A_1268 : memref<1x8x2048xf32, #tpu.memory_space<vmem>> -> memref<8x2048xf32, #tpu.memory_space<vmem>>
    tpu.wait_dma2 semaphore(%arg9 : memref<!tpu.dma_semaphore, #tpu.memory_space<semaphore_mem>>) src(%dma_wait3A_1269 : memref<8x2048xf32, #tpu.memory_space<vmem>>) dst(%dma_wait3A_1265 : memref<8x2048xf32, #tpu.memory_space<hbm>>)
    %add3A_1270 = arith.constant 192 : i32
    %add3A_1271 = arith.addi %mul3A_2, %add3A_1270 : i32
    %add3A_1272 = arith.constant 9728 : i32
    %add3A_1273 = arith.addi %add3A_1272, %add3A_1271 : i32
    %dma_start3A_1274 = arith.constant 0 : i32
    %dma_start3A_1275 = arith.constant 0 : i32
    %dma_start3A_1276 = arith.constant 0 : i32
    %dma_start3A_1277 = tpu.memref_slice %arg4[%dma_start3A_1274, %dma_start3A_1275, %dma_start3A_1276] : memref<4x8x2048xf32, #tpu.memory_space<vmem>> -> memref<1x8x2048xf32, #tpu.memory_space<vmem>>
    %dma_start3A_1278 = tpu.memref_squeeze %dma_start3A_1277 : memref<1x8x2048xf32, #tpu.memory_space<vmem>> -> memref<8x2048xf32, #tpu.memory_space<vmem>>
    %dma_start3A_1279 = arith.constant 0 : i32
    %dma_start3A_1280 = tpu.memref_slice %arg2[%add3A_1273, %dma_start3A_1279] : memref<16384x2048xf32, #tpu.memory_space<hbm>> -> memref<8x2048xf32, #tpu.memory_space<hbm>>
    %dma_start3A_1281 = arith.constant 0 : i32
    %dma_start3A_1282 = arith.constant 0 : i32
    %dma_start3A_1283 = tpu.memref_slice %arg4[%dma_start3A_1274, %dma_start3A_1281, %dma_start3A_1282] : memref<4x8x2048xf32, #tpu.memory_space<vmem>> -> memref<1x8x2048xf32, #tpu.memory_space<vmem>>
    %dma_start3A_1284 = tpu.memref_squeeze %dma_start3A_1283 : memref<1x8x2048xf32, #tpu.memory_space<vmem>> -> memref<8x2048xf32, #tpu.memory_space<vmem>>
    %dma_start3A_1285 = arith.constant 0 : i32
    %dma_start3A_1286 = tpu.memref_slice %arg2[%add3A_1273, %dma_start3A_1285] : memref<16384x2048xf32, #tpu.memory_space<hbm>> -> memref<8x2048xf32, #tpu.memory_space<hbm>>
    tpu.enqueue_dma source(%dma_start3A_1286 : memref<8x2048xf32, #tpu.memory_space<hbm>>) target(%dma_start3A_1284 : memref<8x2048xf32, #tpu.memory_space<vmem>>) target_semaphore(%arg5 : memref<!tpu.dma_semaphore, #tpu.memory_space<semaphore_mem>>)
    %add3A_1287 = arith.constant 168 : i32
    %add3A_1288 = arith.addi %mul3A_2, %add3A_1287 : i32
    %dma_wait3A_1289 = arith.constant 1 : i32
    %dma_wait3A_1290 = arith.constant 0 : i32
    %dma_wait3A_1291 = arith.constant 0 : i32
    %dma_wait3A_1292 = tpu.memref_slice %arg4[%dma_wait3A_1289, %dma_wait3A_1290, %dma_wait3A_1291] : memref<4x8x2048xf32, #tpu.memory_space<vmem>> -> memref<1x8x2048xf32, #tpu.memory_space<vmem>>
    %dma_wait3A_1293 = tpu.memref_squeeze %dma_wait3A_1292 : memref<1x8x2048xf32, #tpu.memory_space<vmem>> -> memref<8x2048xf32, #tpu.memory_space<vmem>>
    %dma_wait3A_1294 = arith.constant 0 : i32
    %dma_wait3A_1295 = tpu.memref_slice %arg2[%add3A_1099, %dma_wait3A_1294] : memref<16384x2048xf32, #tpu.memory_space<hbm>> -> memref<8x2048xf32, #tpu.memory_space<hbm>>
    %dma_wait3A_1296 = arith.constant 0 : i32
    %dma_wait3A_1297 = arith.constant 0 : i32
    %dma_wait3A_1298 = tpu.memref_slice %arg4[%dma_wait3A_1289, %dma_wait3A_1296, %dma_wait3A_1297] : memref<4x8x2048xf32, #tpu.memory_space<vmem>> -> memref<1x8x2048xf32, #tpu.memory_space<vmem>>
    %dma_wait3A_1299 = tpu.memref_squeeze %dma_wait3A_1298 : memref<1x8x2048xf32, #tpu.memory_space<vmem>> -> memref<8x2048xf32, #tpu.memory_space<vmem>>
    %dma_wait3A_1300 = arith.constant 0 : i32
    %dma_wait3A_1301 = tpu.memref_slice %arg2[%add3A_1099, %dma_wait3A_1300] : memref<16384x2048xf32, #tpu.memory_space<hbm>> -> memref<8x2048xf32, #tpu.memory_space<hbm>>
    tpu.wait_dma2 semaphore(%arg6 : memref<!tpu.dma_semaphore, #tpu.memory_space<semaphore_mem>>) src(%dma_wait3A_1301 : memref<8x2048xf32, #tpu.memory_space<hbm>>) dst(%dma_wait3A_1299 : memref<8x2048xf32, #tpu.memory_space<vmem>>)
    %dma_start3A_1302 = arith.constant 1 : i32
    %dma_start3A_1303 = arith.constant 0 : i32
    %dma_start3A_1304 = arith.constant 0 : i32
    %dma_start3A_1305 = tpu.memref_slice %arg4[%dma_start3A_1302, %dma_start3A_1303, %dma_start3A_1304] : memref<4x8x2048xf32, #tpu.memory_space<vmem>> -> memref<1x8x2048xf32, #tpu.memory_space<vmem>>
    %dma_start3A_1306 = tpu.memref_squeeze %dma_start3A_1305 : memref<1x8x2048xf32, #tpu.memory_space<vmem>> -> memref<8x2048xf32, #tpu.memory_space<vmem>>
    %dma_start3A_1307 = arith.constant 0 : i32
    %dma_start3A_1308 = tpu.memref_slice %arg3[%add3A_1288, %dma_start3A_1307] : memref<6656x2048xf32, #tpu.memory_space<hbm>> -> memref<8x2048xf32, #tpu.memory_space<hbm>>
    %dma_start3A_1309 = arith.constant 0 : i32
    %dma_start3A_1310 = tpu.memref_slice %arg3[%add3A_1288, %dma_start3A_1309] : memref<6656x2048xf32, #tpu.memory_space<hbm>> -> memref<8x2048xf32, #tpu.memory_space<hbm>>
    %dma_start3A_1311 = arith.constant 0 : i32
    %dma_start3A_1312 = arith.constant 0 : i32
    %dma_start3A_1313 = tpu.memref_slice %arg4[%dma_start3A_1302, %dma_start3A_1311, %dma_start3A_1312] : memref<4x8x2048xf32, #tpu.memory_space<vmem>> -> memref<1x8x2048xf32, #tpu.memory_space<vmem>>
    %dma_start3A_1314 = tpu.memref_squeeze %dma_start3A_1313 : memref<1x8x2048xf32, #tpu.memory_space<vmem>> -> memref<8x2048xf32, #tpu.memory_space<vmem>>
    tpu.enqueue_dma source(%dma_start3A_1314 : memref<8x2048xf32, #tpu.memory_space<vmem>>) target(%dma_start3A_1310 : memref<8x2048xf32, #tpu.memory_space<hbm>>) target_semaphore(%arg10 : memref<!tpu.dma_semaphore, #tpu.memory_space<semaphore_mem>>)
    %dma_wait3A_1315 = arith.constant 1 : i32
    %dma_wait3A_1316 = arith.constant 0 : i32
    %dma_wait3A_1317 = arith.constant 0 : i32
    %dma_wait3A_1318 = tpu.memref_slice %arg4[%dma_wait3A_1315, %dma_wait3A_1316, %dma_wait3A_1317] : memref<4x8x2048xf32, #tpu.memory_space<vmem>> -> memref<1x8x2048xf32, #tpu.memory_space<vmem>>
    %dma_wait3A_1319 = tpu.memref_squeeze %dma_wait3A_1318 : memref<1x8x2048xf32, #tpu.memory_space<vmem>> -> memref<8x2048xf32, #tpu.memory_space<vmem>>
    %dma_wait3A_1320 = arith.constant 0 : i32
    %dma_wait3A_1321 = tpu.memref_slice %arg3[%add3A_1288, %dma_wait3A_1320] : memref<6656x2048xf32, #tpu.memory_space<hbm>> -> memref<8x2048xf32, #tpu.memory_space<hbm>>
    %dma_wait3A_1322 = arith.constant 0 : i32
    %dma_wait3A_1323 = tpu.memref_slice %arg3[%add3A_1288, %dma_wait3A_1322] : memref<6656x2048xf32, #tpu.memory_space<hbm>> -> memref<8x2048xf32, #tpu.memory_space<hbm>>
    %dma_wait3A_1324 = arith.constant 0 : i32
    %dma_wait3A_1325 = arith.constant 0 : i32
    %dma_wait3A_1326 = tpu.memref_slice %arg4[%dma_wait3A_1315, %dma_wait3A_1324, %dma_wait3A_1325] : memref<4x8x2048xf32, #tpu.memory_space<vmem>> -> memref<1x8x2048xf32, #tpu.memory_space<vmem>>
    %dma_wait3A_1327 = tpu.memref_squeeze %dma_wait3A_1326 : memref<1x8x2048xf32, #tpu.memory_space<vmem>> -> memref<8x2048xf32, #tpu.memory_space<vmem>>
    tpu.wait_dma2 semaphore(%arg10 : memref<!tpu.dma_semaphore, #tpu.memory_space<semaphore_mem>>) src(%dma_wait3A_1327 : memref<8x2048xf32, #tpu.memory_space<vmem>>) dst(%dma_wait3A_1323 : memref<8x2048xf32, #tpu.memory_space<hbm>>)
    %add3A_1328 = arith.constant 200 : i32
    %add3A_1329 = arith.addi %mul3A_2, %add3A_1328 : i32
    %add3A_1330 = arith.constant 9728 : i32
    %add3A_1331 = arith.addi %add3A_1330, %add3A_1329 : i32
    %dma_start3A_1332 = arith.constant 1 : i32
    %dma_start3A_1333 = arith.constant 0 : i32
    %dma_start3A_1334 = arith.constant 0 : i32
    %dma_start3A_1335 = tpu.memref_slice %arg4[%dma_start3A_1332, %dma_start3A_1333, %dma_start3A_1334] : memref<4x8x2048xf32, #tpu.memory_space<vmem>> -> memref<1x8x2048xf32, #tpu.memory_space<vmem>>
    %dma_start3A_1336 = tpu.memref_squeeze %dma_start3A_1335 : memref<1x8x2048xf32, #tpu.memory_space<vmem>> -> memref<8x2048xf32, #tpu.memory_space<vmem>>
    %dma_start3A_1337 = arith.constant 0 : i32
    %dma_start3A_1338 = tpu.memref_slice %arg2[%add3A_1331, %dma_start3A_1337] : memref<16384x2048xf32, #tpu.memory_space<hbm>> -> memref<8x2048xf32, #tpu.memory_space<hbm>>
    %dma_start3A_1339 = arith.constant 0 : i32
    %dma_start3A_1340 = arith.constant 0 : i32
    %dma_start3A_1341 = tpu.memref_slice %arg4[%dma_start3A_1332, %dma_start3A_1339, %dma_start3A_1340] : memref<4x8x2048xf32, #tpu.memory_space<vmem>> -> memref<1x8x2048xf32, #tpu.memory_space<vmem>>
    %dma_start3A_1342 = tpu.memref_squeeze %dma_start3A_1341 : memref<1x8x2048xf32, #tpu.memory_space<vmem>> -> memref<8x2048xf32, #tpu.memory_space<vmem>>
    %dma_start3A_1343 = arith.constant 0 : i32
    %dma_start3A_1344 = tpu.memref_slice %arg2[%add3A_1331, %dma_start3A_1343] : memref<16384x2048xf32, #tpu.memory_space<hbm>> -> memref<8x2048xf32, #tpu.memory_space<hbm>>
    tpu.enqueue_dma source(%dma_start3A_1344 : memref<8x2048xf32, #tpu.memory_space<hbm>>) target(%dma_start3A_1342 : memref<8x2048xf32, #tpu.memory_space<vmem>>) target_semaphore(%arg6 : memref<!tpu.dma_semaphore, #tpu.memory_space<semaphore_mem>>)
    %add3A_1345 = arith.constant 176 : i32
    %add3A_1346 = arith.addi %mul3A_2, %add3A_1345 : i32
    %dma_wait3A_1347 = arith.constant 2 : i32
    %dma_wait3A_1348 = arith.constant 0 : i32
    %dma_wait3A_1349 = arith.constant 0 : i32
    %dma_wait3A_1350 = tpu.memref_slice %arg4[%dma_wait3A_1347, %dma_wait3A_1348, %dma_wait3A_1349] : memref<4x8x2048xf32, #tpu.memory_space<vmem>> -> memref<1x8x2048xf32, #tpu.memory_space<vmem>>
    %dma_wait3A_1351 = tpu.memref_squeeze %dma_wait3A_1350 : memref<1x8x2048xf32, #tpu.memory_space<vmem>> -> memref<8x2048xf32, #tpu.memory_space<vmem>>
    %dma_wait3A_1352 = arith.constant 0 : i32
    %dma_wait3A_1353 = tpu.memref_slice %arg2[%add3A_1157, %dma_wait3A_1352] : memref<16384x2048xf32, #tpu.memory_space<hbm>> -> memref<8x2048xf32, #tpu.memory_space<hbm>>
    %dma_wait3A_1354 = arith.constant 0 : i32
    %dma_wait3A_1355 = arith.constant 0 : i32
    %dma_wait3A_1356 = tpu.memref_slice %arg4[%dma_wait3A_1347, %dma_wait3A_1354, %dma_wait3A_1355] : memref<4x8x2048xf32, #tpu.memory_space<vmem>> -> memref<1x8x2048xf32, #tpu.memory_space<vmem>>
    %dma_wait3A_1357 = tpu.memref_squeeze %dma_wait3A_1356 : memref<1x8x2048xf32, #tpu.memory_space<vmem>> -> memref<8x2048xf32, #tpu.memory_space<vmem>>
    %dma_wait3A_1358 = arith.constant 0 : i32
    %dma_wait3A_1359 = tpu.memref_slice %arg2[%add3A_1157, %dma_wait3A_1358] : memref<16384x2048xf32, #tpu.memory_space<hbm>> -> memref<8x2048xf32, #tpu.memory_space<hbm>>
    tpu.wait_dma2 semaphore(%arg7 : memref<!tpu.dma_semaphore, #tpu.memory_space<semaphore_mem>>) src(%dma_wait3A_1359 : memref<8x2048xf32, #tpu.memory_space<hbm>>) dst(%dma_wait3A_1357 : memref<8x2048xf32, #tpu.memory_space<vmem>>)
    %dma_start3A_1360 = arith.constant 2 : i32
    %dma_start3A_1361 = arith.constant 0 : i32
    %dma_start3A_1362 = arith.constant 0 : i32
    %dma_start3A_1363 = tpu.memref_slice %arg4[%dma_start3A_1360, %dma_start3A_1361, %dma_start3A_1362] : memref<4x8x2048xf32, #tpu.memory_space<vmem>> -> memref<1x8x2048xf32, #tpu.memory_space<vmem>>
    %dma_start3A_1364 = tpu.memref_squeeze %dma_start3A_1363 : memref<1x8x2048xf32, #tpu.memory_space<vmem>> -> memref<8x2048xf32, #tpu.memory_space<vmem>>
    %dma_start3A_1365 = arith.constant 0 : i32
    %dma_start3A_1366 = tpu.memref_slice %arg3[%add3A_1346, %dma_start3A_1365] : memref<6656x2048xf32, #tpu.memory_space<hbm>> -> memref<8x2048xf32, #tpu.memory_space<hbm>>
    %dma_start3A_1367 = arith.constant 0 : i32
    %dma_start3A_1368 = tpu.memref_slice %arg3[%add3A_1346, %dma_start3A_1367] : memref<6656x2048xf32, #tpu.memory_space<hbm>> -> memref<8x2048xf32, #tpu.memory_space<hbm>>
    %dma_start3A_1369 = arith.constant 0 : i32
    %dma_start3A_1370 = arith.constant 0 : i32
    %dma_start3A_1371 = tpu.memref_slice %arg4[%dma_start3A_1360, %dma_start3A_1369, %dma_start3A_1370] : memref<4x8x2048xf32, #tpu.memory_space<vmem>> -> memref<1x8x2048xf32, #tpu.memory_space<vmem>>
    %dma_start3A_1372 = tpu.memref_squeeze %dma_start3A_1371 : memref<1x8x2048xf32, #tpu.memory_space<vmem>> -> memref<8x2048xf32, #tpu.memory_space<vmem>>
    tpu.enqueue_dma source(%dma_start3A_1372 : memref<8x2048xf32, #tpu.memory_space<vmem>>) target(%dma_start3A_1368 : memref<8x2048xf32, #tpu.memory_space<hbm>>) target_semaphore(%arg11 : memref<!tpu.dma_semaphore, #tpu.memory_space<semaphore_mem>>)
    %dma_wait3A_1373 = arith.constant 2 : i32
    %dma_wait3A_1374 = arith.constant 0 : i32
    %dma_wait3A_1375 = arith.constant 0 : i32
    %dma_wait3A_1376 = tpu.memref_slice %arg4[%dma_wait3A_1373, %dma_wait3A_1374, %dma_wait3A_1375] : memref<4x8x2048xf32, #tpu.memory_space<vmem>> -> memref<1x8x2048xf32, #tpu.memory_space<vmem>>
    %dma_wait3A_1377 = tpu.memref_squeeze %dma_wait3A_1376 : memref<1x8x2048xf32, #tpu.memory_space<vmem>> -> memref<8x2048xf32, #tpu.memory_space<vmem>>
    %dma_wait3A_1378 = arith.constant 0 : i32
    %dma_wait3A_1379 = tpu.memref_slice %arg3[%add3A_1346, %dma_wait3A_1378] : memref<6656x2048xf32, #tpu.memory_space<hbm>> -> memref<8x2048xf32, #tpu.memory_space<hbm>>
    %dma_wait3A_1380 = arith.constant 0 : i32
    %dma_wait3A_1381 = tpu.memref_slice %arg3[%add3A_1346, %dma_wait3A_1380] : memref<6656x2048xf32, #tpu.memory_space<hbm>> -> memref<8x2048xf32, #tpu.memory_space<hbm>>
    %dma_wait3A_1382 = arith.constant 0 : i32
    %dma_wait3A_1383 = arith.constant 0 : i32
    %dma_wait3A_1384 = tpu.memref_slice %arg4[%dma_wait3A_1373, %dma_wait3A_1382, %dma_wait3A_1383] : memref<4x8x2048xf32, #tpu.memory_space<vmem>> -> memref<1x8x2048xf32, #tpu.memory_space<vmem>>
    %dma_wait3A_1385 = tpu.memref_squeeze %dma_wait3A_1384 : memref<1x8x2048xf32, #tpu.memory_space<vmem>> -> memref<8x2048xf32, #tpu.memory_space<vmem>>
    tpu.wait_dma2 semaphore(%arg11 : memref<!tpu.dma_semaphore, #tpu.memory_space<semaphore_mem>>) src(%dma_wait3A_1385 : memref<8x2048xf32, #tpu.memory_space<vmem>>) dst(%dma_wait3A_1381 : memref<8x2048xf32, #tpu.memory_space<hbm>>)
    %add3A_1386 = arith.constant 184 : i32
    %add3A_1387 = arith.addi %mul3A_2, %add3A_1386 : i32
    %dma_wait3A_1388 = arith.constant 3 : i32
    %dma_wait3A_1389 = arith.constant 0 : i32
    %dma_wait3A_1390 = arith.constant 0 : i32
    %dma_wait3A_1391 = tpu.memref_slice %arg4[%dma_wait3A_1388, %dma_wait3A_1389, %dma_wait3A_1390] : memref<4x8x2048xf32, #tpu.memory_space<vmem>> -> memref<1x8x2048xf32, #tpu.memory_space<vmem>>
    %dma_wait3A_1392 = tpu.memref_squeeze %dma_wait3A_1391 : memref<1x8x2048xf32, #tpu.memory_space<vmem>> -> memref<8x2048xf32, #tpu.memory_space<vmem>>
    %dma_wait3A_1393 = arith.constant 0 : i32
    %dma_wait3A_1394 = tpu.memref_slice %arg2[%add3A_1215, %dma_wait3A_1393] : memref<16384x2048xf32, #tpu.memory_space<hbm>> -> memref<8x2048xf32, #tpu.memory_space<hbm>>
    %dma_wait3A_1395 = arith.constant 0 : i32
    %dma_wait3A_1396 = arith.constant 0 : i32
    %dma_wait3A_1397 = tpu.memref_slice %arg4[%dma_wait3A_1388, %dma_wait3A_1395, %dma_wait3A_1396] : memref<4x8x2048xf32, #tpu.memory_space<vmem>> -> memref<1x8x2048xf32, #tpu.memory_space<vmem>>
    %dma_wait3A_1398 = tpu.memref_squeeze %dma_wait3A_1397 : memref<1x8x2048xf32, #tpu.memory_space<vmem>> -> memref<8x2048xf32, #tpu.memory_space<vmem>>
    %dma_wait3A_1399 = arith.constant 0 : i32
    %dma_wait3A_1400 = tpu.memref_slice %arg2[%add3A_1215, %dma_wait3A_1399] : memref<16384x2048xf32, #tpu.memory_space<hbm>> -> memref<8x2048xf32, #tpu.memory_space<hbm>>
    tpu.wait_dma2 semaphore(%arg8 : memref<!tpu.dma_semaphore, #tpu.memory_space<semaphore_mem>>) src(%dma_wait3A_1400 : memref<8x2048xf32, #tpu.memory_space<hbm>>) dst(%dma_wait3A_1398 : memref<8x2048xf32, #tpu.memory_space<vmem>>)
    %dma_start3A_1401 = arith.constant 3 : i32
    %dma_start3A_1402 = arith.constant 0 : i32
    %dma_start3A_1403 = arith.constant 0 : i32
    %dma_start3A_1404 = tpu.memref_slice %arg4[%dma_start3A_1401, %dma_start3A_1402, %dma_start3A_1403] : memref<4x8x2048xf32, #tpu.memory_space<vmem>> -> memref<1x8x2048xf32, #tpu.memory_space<vmem>>
    %dma_start3A_1405 = tpu.memref_squeeze %dma_start3A_1404 : memref<1x8x2048xf32, #tpu.memory_space<vmem>> -> memref<8x2048xf32, #tpu.memory_space<vmem>>
    %dma_start3A_1406 = arith.constant 0 : i32
    %dma_start3A_1407 = tpu.memref_slice %arg3[%add3A_1387, %dma_start3A_1406] : memref<6656x2048xf32, #tpu.memory_space<hbm>> -> memref<8x2048xf32, #tpu.memory_space<hbm>>
    %dma_start3A_1408 = arith.constant 0 : i32
    %dma_start3A_1409 = tpu.memref_slice %arg3[%add3A_1387, %dma_start3A_1408] : memref<6656x2048xf32, #tpu.memory_space<hbm>> -> memref<8x2048xf32, #tpu.memory_space<hbm>>
    %dma_start3A_1410 = arith.constant 0 : i32
    %dma_start3A_1411 = arith.constant 0 : i32
    %dma_start3A_1412 = tpu.memref_slice %arg4[%dma_start3A_1401, %dma_start3A_1410, %dma_start3A_1411] : memref<4x8x2048xf32, #tpu.memory_space<vmem>> -> memref<1x8x2048xf32, #tpu.memory_space<vmem>>
    %dma_start3A_1413 = tpu.memref_squeeze %dma_start3A_1412 : memref<1x8x2048xf32, #tpu.memory_space<vmem>> -> memref<8x2048xf32, #tpu.memory_space<vmem>>
    tpu.enqueue_dma source(%dma_start3A_1413 : memref<8x2048xf32, #tpu.memory_space<vmem>>) target(%dma_start3A_1409 : memref<8x2048xf32, #tpu.memory_space<hbm>>) target_semaphore(%arg12 : memref<!tpu.dma_semaphore, #tpu.memory_space<semaphore_mem>>)
    %dma_wait3A_1414 = arith.constant 3 : i32
    %dma_wait3A_1415 = arith.constant 0 : i32
    %dma_wait3A_1416 = arith.constant 0 : i32
    %dma_wait3A_1417 = tpu.memref_slice %arg4[%dma_wait3A_1414, %dma_wait3A_1415, %dma_wait3A_1416] : memref<4x8x2048xf32, #tpu.memory_space<vmem>> -> memref<1x8x2048xf32, #tpu.memory_space<vmem>>
    %dma_wait3A_1418 = tpu.memref_squeeze %dma_wait3A_1417 : memref<1x8x2048xf32, #tpu.memory_space<vmem>> -> memref<8x2048xf32, #tpu.memory_space<vmem>>
    %dma_wait3A_1419 = arith.constant 0 : i32
    %dma_wait3A_1420 = tpu.memref_slice %arg3[%add3A_1387, %dma_wait3A_1419] : memref<6656x2048xf32, #tpu.memory_space<hbm>> -> memref<8x2048xf32, #tpu.memory_space<hbm>>
    %dma_wait3A_1421 = arith.constant 0 : i32
    %dma_wait3A_1422 = tpu.memref_slice %arg3[%add3A_1387, %dma_wait3A_1421] : memref<6656x2048xf32, #tpu.memory_space<hbm>> -> memref<8x2048xf32, #tpu.memory_space<hbm>>
    %dma_wait3A_1423 = arith.constant 0 : i32
    %dma_wait3A_1424 = arith.constant 0 : i32
    %dma_wait3A_1425 = tpu.memref_slice %arg4[%dma_wait3A_1414, %dma_wait3A_1423, %dma_wait3A_1424] : memref<4x8x2048xf32, #tpu.memory_space<vmem>> -> memref<1x8x2048xf32, #tpu.memory_space<vmem>>
    %dma_wait3A_1426 = tpu.memref_squeeze %dma_wait3A_1425 : memref<1x8x2048xf32, #tpu.memory_space<vmem>> -> memref<8x2048xf32, #tpu.memory_space<vmem>>
    tpu.wait_dma2 semaphore(%arg12 : memref<!tpu.dma_semaphore, #tpu.memory_space<semaphore_mem>>) src(%dma_wait3A_1426 : memref<8x2048xf32, #tpu.memory_space<vmem>>) dst(%dma_wait3A_1422 : memref<8x2048xf32, #tpu.memory_space<hbm>>)
    %add3A_1427 = arith.constant 192 : i32
    %add3A_1428 = arith.addi %mul3A_2, %add3A_1427 : i32
    %dma_wait3A_1429 = arith.constant 0 : i32
    %dma_wait3A_1430 = arith.constant 0 : i32
    %dma_wait3A_1431 = arith.constant 0 : i32
    %dma_wait3A_1432 = tpu.memref_slice %arg4[%dma_wait3A_1429, %dma_wait3A_1430, %dma_wait3A_1431] : memref<4x8x2048xf32, #tpu.memory_space<vmem>> -> memref<1x8x2048xf32, #tpu.memory_space<vmem>>
    %dma_wait3A_1433 = tpu.memref_squeeze %dma_wait3A_1432 : memref<1x8x2048xf32, #tpu.memory_space<vmem>> -> memref<8x2048xf32, #tpu.memory_space<vmem>>
    %dma_wait3A_1434 = arith.constant 0 : i32
    %dma_wait3A_1435 = tpu.memref_slice %arg2[%add3A_1273, %dma_wait3A_1434] : memref<16384x2048xf32, #tpu.memory_space<hbm>> -> memref<8x2048xf32, #tpu.memory_space<hbm>>
    %dma_wait3A_1436 = arith.constant 0 : i32
    %dma_wait3A_1437 = arith.constant 0 : i32
    %dma_wait3A_1438 = tpu.memref_slice %arg4[%dma_wait3A_1429, %dma_wait3A_1436, %dma_wait3A_1437] : memref<4x8x2048xf32, #tpu.memory_space<vmem>> -> memref<1x8x2048xf32, #tpu.memory_space<vmem>>
    %dma_wait3A_1439 = tpu.memref_squeeze %dma_wait3A_1438 : memref<1x8x2048xf32, #tpu.memory_space<vmem>> -> memref<8x2048xf32, #tpu.memory_space<vmem>>
    %dma_wait3A_1440 = arith.constant 0 : i32
    %dma_wait3A_1441 = tpu.memref_slice %arg2[%add3A_1273, %dma_wait3A_1440] : memref<16384x2048xf32, #tpu.memory_space<hbm>> -> memref<8x2048xf32, #tpu.memory_space<hbm>>
    tpu.wait_dma2 semaphore(%arg5 : memref<!tpu.dma_semaphore, #tpu.memory_space<semaphore_mem>>) src(%dma_wait3A_1441 : memref<8x2048xf32, #tpu.memory_space<hbm>>) dst(%dma_wait3A_1439 : memref<8x2048xf32, #tpu.memory_space<vmem>>)
    %dma_start3A_1442 = arith.constant 0 : i32
    %dma_start3A_1443 = arith.constant 0 : i32
    %dma_start3A_1444 = arith.constant 0 : i32
    %dma_start3A_1445 = tpu.memref_slice %arg4[%dma_start3A_1442, %dma_start3A_1443, %dma_start3A_1444] : memref<4x8x2048xf32, #tpu.memory_space<vmem>> -> memref<1x8x2048xf32, #tpu.memory_space<vmem>>
    %dma_start3A_1446 = tpu.memref_squeeze %dma_start3A_1445 : memref<1x8x2048xf32, #tpu.memory_space<vmem>> -> memref<8x2048xf32, #tpu.memory_space<vmem>>
    %dma_start3A_1447 = arith.constant 0 : i32
    %dma_start3A_1448 = tpu.memref_slice %arg3[%add3A_1428, %dma_start3A_1447] : memref<6656x2048xf32, #tpu.memory_space<hbm>> -> memref<8x2048xf32, #tpu.memory_space<hbm>>
    %dma_start3A_1449 = arith.constant 0 : i32
    %dma_start3A_1450 = tpu.memref_slice %arg3[%add3A_1428, %dma_start3A_1449] : memref<6656x2048xf32, #tpu.memory_space<hbm>> -> memref<8x2048xf32, #tpu.memory_space<hbm>>
    %dma_start3A_1451 = arith.constant 0 : i32
    %dma_start3A_1452 = arith.constant 0 : i32
    %dma_start3A_1453 = tpu.memref_slice %arg4[%dma_start3A_1442, %dma_start3A_1451, %dma_start3A_1452] : memref<4x8x2048xf32, #tpu.memory_space<vmem>> -> memref<1x8x2048xf32, #tpu.memory_space<vmem>>
    %dma_start3A_1454 = tpu.memref_squeeze %dma_start3A_1453 : memref<1x8x2048xf32, #tpu.memory_space<vmem>> -> memref<8x2048xf32, #tpu.memory_space<vmem>>
    tpu.enqueue_dma source(%dma_start3A_1454 : memref<8x2048xf32, #tpu.memory_space<vmem>>) target(%dma_start3A_1450 : memref<8x2048xf32, #tpu.memory_space<hbm>>) target_semaphore(%arg9 : memref<!tpu.dma_semaphore, #tpu.memory_space<semaphore_mem>>)
    %dma_wait3A_1455 = arith.constant 0 : i32
    %dma_wait3A_1456 = arith.constant 0 : i32
    %dma_wait3A_1457 = arith.constant 0 : i32
    %dma_wait3A_1458 = tpu.memref_slice %arg4[%dma_wait3A_1455, %dma_wait3A_1456, %dma_wait3A_1457] : memref<4x8x2048xf32, #tpu.memory_space<vmem>> -> memref<1x8x2048xf32, #tpu.memory_space<vmem>>
    %dma_wait3A_1459 = tpu.memref_squeeze %dma_wait3A_1458 : memref<1x8x2048xf32, #tpu.memory_space<vmem>> -> memref<8x2048xf32, #tpu.memory_space<vmem>>
    %dma_wait3A_1460 = arith.constant 0 : i32
    %dma_wait3A_1461 = tpu.memref_slice %arg3[%add3A_1428, %dma_wait3A_1460] : memref<6656x2048xf32, #tpu.memory_space<hbm>> -> memref<8x2048xf32, #tpu.memory_space<hbm>>
    %dma_wait3A_1462 = arith.constant 0 : i32
    %dma_wait3A_1463 = tpu.memref_slice %arg3[%add3A_1428, %dma_wait3A_1462] : memref<6656x2048xf32, #tpu.memory_space<hbm>> -> memref<8x2048xf32, #tpu.memory_space<hbm>>
    %dma_wait3A_1464 = arith.constant 0 : i32
    %dma_wait3A_1465 = arith.constant 0 : i32
    %dma_wait3A_1466 = tpu.memref_slice %arg4[%dma_wait3A_1455, %dma_wait3A_1464, %dma_wait3A_1465] : memref<4x8x2048xf32, #tpu.memory_space<vmem>> -> memref<1x8x2048xf32, #tpu.memory_space<vmem>>
    %dma_wait3A_1467 = tpu.memref_squeeze %dma_wait3A_1466 : memref<1x8x2048xf32, #tpu.memory_space<vmem>> -> memref<8x2048xf32, #tpu.memory_space<vmem>>
    tpu.wait_dma2 semaphore(%arg9 : memref<!tpu.dma_semaphore, #tpu.memory_space<semaphore_mem>>) src(%dma_wait3A_1467 : memref<8x2048xf32, #tpu.memory_space<vmem>>) dst(%dma_wait3A_1463 : memref<8x2048xf32, #tpu.memory_space<hbm>>)
    %add3A_1468 = arith.constant 200 : i32
    %add3A_1469 = arith.addi %mul3A_2, %add3A_1468 : i32
    %dma_wait3A_1470 = arith.constant 1 : i32
    %dma_wait3A_1471 = arith.constant 0 : i32
    %dma_wait3A_1472 = arith.constant 0 : i32
    %dma_wait3A_1473 = tpu.memref_slice %arg4[%dma_wait3A_1470, %dma_wait3A_1471, %dma_wait3A_1472] : memref<4x8x2048xf32, #tpu.memory_space<vmem>> -> memref<1x8x2048xf32, #tpu.memory_space<vmem>>
    %dma_wait3A_1474 = tpu.memref_squeeze %dma_wait3A_1473 : memref<1x8x2048xf32, #tpu.memory_space<vmem>> -> memref<8x2048xf32, #tpu.memory_space<vmem>>
    %dma_wait3A_1475 = arith.constant 0 : i32
    %dma_wait3A_1476 = tpu.memref_slice %arg2[%add3A_1331, %dma_wait3A_1475] : memref<16384x2048xf32, #tpu.memory_space<hbm>> -> memref<8x2048xf32, #tpu.memory_space<hbm>>
    %dma_wait3A_1477 = arith.constant 0 : i32
    %dma_wait3A_1478 = arith.constant 0 : i32
    %dma_wait3A_1479 = tpu.memref_slice %arg4[%dma_wait3A_1470, %dma_wait3A_1477, %dma_wait3A_1478] : memref<4x8x2048xf32, #tpu.memory_space<vmem>> -> memref<1x8x2048xf32, #tpu.memory_space<vmem>>
    %dma_wait3A_1480 = tpu.memref_squeeze %dma_wait3A_1479 : memref<1x8x2048xf32, #tpu.memory_space<vmem>> -> memref<8x2048xf32, #tpu.memory_space<vmem>>
    %dma_wait3A_1481 = arith.constant 0 : i32
    %dma_wait3A_1482 = tpu.memref_slice %arg2[%add3A_1331, %dma_wait3A_1481] : memref<16384x2048xf32, #tpu.memory_space<hbm>> -> memref<8x2048xf32, #tpu.memory_space<hbm>>
    tpu.wait_dma2 semaphore(%arg6 : memref<!tpu.dma_semaphore, #tpu.memory_space<semaphore_mem>>) src(%dma_wait3A_1482 : memref<8x2048xf32, #tpu.memory_space<hbm>>) dst(%dma_wait3A_1480 : memref<8x2048xf32, #tpu.memory_space<vmem>>)
    %dma_start3A_1483 = arith.constant 1 : i32
    %dma_start3A_1484 = arith.constant 0 : i32
    %dma_start3A_1485 = arith.constant 0 : i32
    %dma_start3A_1486 = tpu.memref_slice %arg4[%dma_start3A_1483, %dma_start3A_1484, %dma_start3A_1485] : memref<4x8x2048xf32, #tpu.memory_space<vmem>> -> memref<1x8x2048xf32, #tpu.memory_space<vmem>>
    %dma_start3A_1487 = tpu.memref_squeeze %dma_start3A_1486 : memref<1x8x2048xf32, #tpu.memory_space<vmem>> -> memref<8x2048xf32, #tpu.memory_space<vmem>>
    %dma_start3A_1488 = arith.constant 0 : i32
    %dma_start3A_1489 = tpu.memref_slice %arg3[%add3A_1469, %dma_start3A_1488] : memref<6656x2048xf32, #tpu.memory_space<hbm>> -> memref<8x2048xf32, #tpu.memory_space<hbm>>
    %dma_start3A_1490 = arith.constant 0 : i32
    %dma_start3A_1491 = tpu.memref_slice %arg3[%add3A_1469, %dma_start3A_1490] : memref<6656x2048xf32, #tpu.memory_space<hbm>> -> memref<8x2048xf32, #tpu.memory_space<hbm>>
    %dma_start3A_1492 = arith.constant 0 : i32
    %dma_start3A_1493 = arith.constant 0 : i32
    %dma_start3A_1494 = tpu.memref_slice %arg4[%dma_start3A_1483, %dma_start3A_1492, %dma_start3A_1493] : memref<4x8x2048xf32, #tpu.memory_space<vmem>> -> memref<1x8x2048xf32, #tpu.memory_space<vmem>>
    %dma_start3A_1495 = tpu.memref_squeeze %dma_start3A_1494 : memref<1x8x2048xf32, #tpu.memory_space<vmem>> -> memref<8x2048xf32, #tpu.memory_space<vmem>>
    tpu.enqueue_dma source(%dma_start3A_1495 : memref<8x2048xf32, #tpu.memory_space<vmem>>) target(%dma_start3A_1491 : memref<8x2048xf32, #tpu.memory_space<hbm>>) target_semaphore(%arg10 : memref<!tpu.dma_semaphore, #tpu.memory_space<semaphore_mem>>)
    %dma_wait3A_1496 = arith.constant 1 : i32
    %dma_wait3A_1497 = arith.constant 0 : i32
    %dma_wait3A_1498 = arith.constant 0 : i32
    %dma_wait3A_1499 = tpu.memref_slice %arg4[%dma_wait3A_1496, %dma_wait3A_1497, %dma_wait3A_1498] : memref<4x8x2048xf32, #tpu.memory_space<vmem>> -> memref<1x8x2048xf32, #tpu.memory_space<vmem>>
    %dma_wait3A_1500 = tpu.memref_squeeze %dma_wait3A_1499 : memref<1x8x2048xf32, #tpu.memory_space<vmem>> -> memref<8x2048xf32, #tpu.memory_space<vmem>>
    %dma_wait3A_1501 = arith.constant 0 : i32
    %dma_wait3A_1502 = tpu.memref_slice %arg3[%add3A_1469, %dma_wait3A_1501] : memref<6656x2048xf32, #tpu.memory_space<hbm>> -> memref<8x2048xf32, #tpu.memory_space<hbm>>
    %dma_wait3A_1503 = arith.constant 0 : i32
    %dma_wait3A_1504 = tpu.memref_slice %arg3[%add3A_1469, %dma_wait3A_1503] : memref<6656x2048xf32, #tpu.memory_space<hbm>> -> memref<8x2048xf32, #tpu.memory_space<hbm>>
    %dma_wait3A_1505 = arith.constant 0 : i32
    %dma_wait3A_1506 = arith.constant 0 : i32
    %dma_wait3A_1507 = tpu.memref_slice %arg4[%dma_wait3A_1496, %dma_wait3A_1505, %dma_wait3A_1506] : memref<4x8x2048xf32, #tpu.memory_space<vmem>> -> memref<1x8x2048xf32, #tpu.memory_space<vmem>>
    %dma_wait3A_1508 = tpu.memref_squeeze %dma_wait3A_1507 : memref<1x8x2048xf32, #tpu.memory_space<vmem>> -> memref<8x2048xf32, #tpu.memory_space<vmem>>
    tpu.wait_dma2 semaphore(%arg10 : memref<!tpu.dma_semaphore, #tpu.memory_space<semaphore_mem>>) src(%dma_wait3A_1508 : memref<8x2048xf32, #tpu.memory_space<vmem>>) dst(%dma_wait3A_1504 : memref<8x2048xf32, #tpu.memory_space<hbm>>)
    return
  }
}

module attributes {stable_mosaic.version = 14 : i64} {
  func.func @_tc_copy_body(%arg0: i32, %arg1: memref<512x2048xf32, #tpu.memory_space<vmem>>, %arg2: memref<512x2048xf32, #tpu.memory_space<vmem>>) attributes {dimension_semantics = [#tpu.dimension_semantics<parallel>], iteration_bounds = array<i64: 19>, scalar_prefetch = 0 : i64, scratch_operands = 0 : i64, tpu.core_type = #tpu.core_type<tc>, window_params = [{transform_indices = @transform_0, window_bounds = array<i64: 512, 2048>}, {transform_indices = @transform_1, window_bounds = array<i64: 512, 2048>}]} {
    %get3A = arith.constant 0 : index
    %get3A_0 = arith.constant 0 : index
    %get3A_1 = vector.load %arg1[%get3A, %get3A_0] : memref<512x2048xf32, #tpu.memory_space<vmem>>, vector<512x2048xf32>
    %swap3A = arith.constant 0 : index
    %swap3A_2 = arith.constant 0 : index
    %swap3A_3 = vector.load %arg2[%swap3A, %swap3A_2] : memref<512x2048xf32, #tpu.memory_space<vmem>>, vector<512x2048xf32>
    tpu.vector_store %arg2[%swap3A, %swap3A_2], %get3A_1 {strides = array<i32>} : memref<512x2048xf32, #tpu.memory_space<vmem>>, vector<512x2048xf32>,
    return
  }
  func.func @transform_0(%arg0: i32) -> (i32, i32) {
    %c0_i32 = arith.constant 0 : i32
    %c0_i32_0 = arith.constant 0 : i32
    return %arg0, %c0_i32 : i32, i32
  }
  func.func @transform_1(%arg0: i32) -> (i32, i32) {
    %c0_i32 = arith.constant 0 : i32
    %c0_i32_0 = arith.constant 0 : i32
    return %arg0, %c0_i32 : i32, i32
  }
}

</mosaic_0001>

<sc_bundles>
// kernel: kernel.4.cloned.1.call-start
scs
__scs_entry_jumppad:
0x0: {  	(pc) =	sbr.rel $0x88, $3  }
0x1: {  	(tag) =	ssettag $0x0;
	lr =	simm.s32 $0x1  }
0x2: {  	[smem:$0x3FA0] =	sst lr;
	_ =	strace $0xD0000000  }
0x3: {  	_ = 	snop  }
0x4: {  	_ = 	snop  }
0x5: {  	_ = 	snop  }
0x6: {  	_ = 	snop  }
0x7: {  	_ = 	snop  }
__scs_overlays_trampoline_lowered:
0x8: {  	[smem:$0x3FAF] =	sst s0  }
0x9: {  	[smem:$0x3FB0] =	sst s1  }
0xa: {  	[smem:$0x3FB1] =	sst s2  }
0xb: {  	[smem:$0x3FB2] =	sst s3  }
0xc: {  	[smem:$0x3FB3] =	sst s4  }
0xd: {  	[smem:$0x3FB4] =	sst s5  }
0xe: {  	[smem:$0x3FB5] =	sst s6  }
0xf: {  	[smem:$0x3FB6] =	sst s7  }
0x10: {  	[smem:$0x3FB7] =	sst s8  }
0x11: {  	[smem:$0x3FB8] =	sst s9;
	s0 =	simm.s32 @!p0 $0x0  }
0x12: {  	s1 =	sld [smem:$0x3F9E];
	s0 =	simm.s32 @p0 $0x1  }
0x13: {  	[smem:$0x3FB9] =	sst s0;
	s0 =	simm.s32 @!p1 $0x0  }
0x14: {  	s2 =	sld [smem:$0x3F9D];
	s0 =	simm.s32 @p1 $0x1  }
0x15: {  	[smem:$0x3FBA] =	sst s0;
	s0 =	simm.s32 @!p2 $0x0  }
0x16: {  	s3 =	sld [smem:$0x3FDB];
	s0 =	simm.s32 @p2 $0x1  }
0x17: {  	s4 =	simm.s32 $0x1BF5;
	[smem:$0x3FBC] =	sst s0  }
0x18: {  	s0 =	sld [smem:$0x3F9F];
	_ =	swait.ge [sflag:s4], $0x0  }
0x19: {  	s7 =	sld [smem:$0x3FA0]  }
0x1a: {  	s8 =	sadd.s32 $0xFFFFE003, lr  }
0x1b: {  	s9 =	sadd.s32 $0xFFFFFEF7, lr;
	s5 =	simm.s32 $0xFFFFFFFF;
	p2 =	slt.u32 s8, $0xFFFFF086  }
0x1c: {  	p1 =	slt.u32 s9, $0xF7A;
	s5 =	simm.s32 @!p2 $0x0  }
0x1d: {  	s5 =	simm.s32 @p1 $0x1;
	p0 =	seq.s32 s7, s2  }
0x1e: {  	s7 =	smul.u32 @!p0 $0xF7A, s2;
	p2 =	seq.s32 @!p0 s5, $0x0  }
0x1f: {  	s9 =	smul.u32 $0xF7A, s1;
	s8 =	simm.s32 @!p0 $0x1BF5;
	p2 =	por !p2, p0  }
0x20: {  	[sflag:s8] =	ssyncset.s32 @!p0 $0xFFFFF086;
	s6 =	sadd.s32 @!p0 s3, s7;
	s7 =	simm.s32 @!p0 $0x108  }
0x21: {  	s3 =	sadd.s32 s3, s9;
	s6 =	sadd.s32 @!p0 $0x88, s6;
	s7 =	simm.s32 @p2 $0x1082  }
0x22: {  	[simem:s7], [sflag:s8] =	dma.local @!p0 [hbm:s6], $0xF7A  }
0x23: {  	s9 =	sor.u32 $0xD0000000, s2;
	s6 =	simm.s32 $0x108;
	_ =	swait.ge @!p0 [sflag:s8], $0x0  }
0x24: {  	s3 =	sadd.s32 $0x88, s3;
	s6 =	simm.s32 @!p1 $0x1082;
	[sflag:s4] =	ssyncset.s32 $0xFFFFF086  }
0x25: {  	[simem:s6], [sflag:s4] =	dma.local [hbm:s3], $0xF7A  }
0x26: {  	[smem:$0x3FA0] =	sst s1;
	(tag) =	ssettag s2;
	_ =	strace s9  }
0x27: {  	s1 =	sld [smem:$0x3FB0]  }
0x28: {  	s2 =	sld [smem:$0x3FB1]  }
0x29: {  	s4 =	sld [smem:$0x3FB3]  }
0x2a: {  	p0 =	seq.s32 s5, $0x0;
	s5 =	sld [smem:$0x3FB4]  }
0x2b: {  	s6 =	sld [smem:$0x3FB5]  }
0x2c: {  	s7 =	sld [smem:$0x3FB6]  }
0x2d: {  	s3 =	simm.s32 $0x108;
	s8 =	sld [smem:$0x3FB7]  }
0x2e: {  	s3 =	simm.s32 @!p0 $0x1082;
	s9 =	sld [smem:$0x3FB8]  }
0x2f: {  	lr =	sadd.s32 s0, s3;
	s0 =	sld [smem:$0x3FAF]  }
0x30: {  	s3 =	sld [smem:$0x3FB2]  }
0x31: {  	[smem:$0x3FBB] =	sst s10  }
0x32: {  	s10 =	sld [smem:$0x3FB9];
	_ =	sdelay $0x3  }
0x33: {  	p0 =	seq.s32 s10, $0x1;
	s10 =	sld [smem:$0x3FBB];
	_ =	sdelay $0x3  }
0x34: {  	[smem:$0x3FBB] =	sst s10  }
0x35: {  	s10 =	sld [smem:$0x3FBA];
	_ =	sdelay $0x3  }
0x36: {  	p1 =	seq.s32 s10, $0x1;
	s10 =	sld [smem:$0x3FBB];
	_ =	sdelay $0x3  }
0x37: {  	[smem:$0x3FBB] =	sst s10  }
0x38: {  	s10 =	sld [smem:$0x3FBC]  }
0x39: {  	_ = 	snop;
	(pc) =	sbr.ind lr, $3  }
0x3a: {  	_ = 	snop  }
0x3b: {  	_ = 	snop  }
0x3c: {  	p2 =	seq.s32 s10, $0x1;
	s10 =	sld [smem:$0x3FBB]  }
0x3d: {  	_ =	shalt  }
0x3e: {  	_ =	shalt  }
0x3f: {  	_ =	shalt  }
0x40: {  	_ =	shalt  }
0x41: {  	_ =	shalt  }
0x42: {  	_ =	shalt  }
0x43: {  	_ =	shalt  }
0x44: {  	_ =	shalt  }
0x45: {  	_ =	shalt  }
0x46: {  	_ =	shalt  }
0x47: {  	_ =	shalt  }
0x48: {  	_ =	shalt  }
0x49: {  	_ =	shalt  }
0x4a: {  	_ =	shalt  }
0x4b: {  	_ =	shalt  }
0x4c: {  	_ =	shalt  }
0x4d: {  	_ =	shalt  }
0x4e: {  	_ =	shalt  }
0x4f: {  	_ =	shalt  }
0x50: {  	_ =	shalt  }
0x51: {  	_ =	shalt  }
0x52: {  	_ =	shalt  }
0x53: {  	_ =	shalt  }
0x54: {  	_ =	shalt  }
0x55: {  	_ =	shalt  }
0x56: {  	_ =	shalt  }
0x57: {  	_ =	shalt  }
0x58: {  	_ =	shalt  }
0x59: {  	_ =	shalt  }
0x5a: {  	_ =	shalt  }
0x5b: {  	_ =	shalt  }
0x5c: {  	_ =	shalt  }
0x5d: {  	_ =	shalt  }
0x5e: {  	_ =	shalt  }
0x5f: {  	_ =	shalt  }
0x60: {  	_ =	shalt  }
0x61: {  	_ =	shalt  }
0x62: {  	_ =	shalt  }
0x63: {  	_ =	shalt  }
0x64: {  	_ =	shalt  }
0x65: {  	_ =	shalt  }
0x66: {  	_ =	shalt  }
0x67: {  	_ =	shalt  }
0x68: {  	_ =	shalt  }
0x69: {  	_ =	shalt  }
0x6a: {  	_ =	shalt  }
0x6b: {  	_ =	shalt  }
0x6c: {  	_ =	shalt  }
0x6d: {  	_ =	shalt  }
0x6e: {  	_ =	shalt  }
0x6f: {  	_ =	shalt  }
0x70: {  	_ =	shalt  }
0x71: {  	_ =	shalt  }
0x72: {  	_ =	shalt  }
0x73: {  	_ =	shalt  }
0x74: {  	_ =	shalt  }
0x75: {  	_ =	shalt  }
0x76: {  	_ =	shalt  }
0x77: {  	_ =	shalt  }
0x78: {  	_ =	shalt  }
0x79: {  	_ =	shalt  }
0x7a: {  	_ =	shalt  }
0x7b: {  	_ =	shalt  }
0x7c: {  	_ =	shalt  }
0x7d: {  	_ =	shalt  }
0x7e: {  	_ =	shalt  }
0x7f: {  	_ =	shalt  }
0x80: {  	_ =	shalt  }
0x81: {  	_ =	shalt  }
0x82: {  	_ =	shalt  }
0x83: {  	_ =	shalt  }
0x84: {  	_ =	shalt  }
0x85: {  	_ =	shalt  }
0x86: {  	_ =	shalt  }
0x87: {  	_ =	shalt  }
.Lfunc_end0:
.L_simem_size_0:
called_computation_lowered:
.L_overlay_start_0:
0x88: {  	s2 =	sld [smem:$0x3FD9]  }
0x89: {  	s3 =	sld [smem:$0x3FFE];
	_ =	sdelay $0x1  }
0x8a: {  	s1 =	srdreg.scid  }
0x8b: {  	s0 =	sand.u32 $0x1, s1  }
0x8c: {  	s15 =	sshll.u32 s0, $0xA;
	s2 =	sadd.s32 s3, s2  }
0x8d: {  	s2 =	sadd.s32 s2, s15  }
0x8e: {  	[smem:$0x3FC7] =	sst s2  }
0x8f: {  	_ = 	snop  }
0x90: {  	s2 =	sld [smem:$0x3FD0];
	_ =	sdelay $0x2  }
0x91: {  	s4 =	simm.s32 $0xA;
	s5 =	simm.s32 $0x10;
	s16 =	sld [smem:$0x3FC9]  }
0x92: {  	[smem:s5], [sflag:s4] =	dma.local [hbm:s2], $0x1  }
0x93: {  	_ =	swait.eq [sflag:s4], $0x1  }
0x94: {  	[sflag:s4] =	ssyncset.done $0x0  }
0x95: {  	[sflag:s4] =	ssyncadd.s32 $0xFFFFFFFF  }
0x96: {  	s17 =	sld [smem:$0x11];
	(tm) =	ssettm $0x1  }
0x97: {  	s18 =	sld [smem:$0x3FFB];
	_ =	sdelay $0x3  }
0x98: {  	_ =	strace s18  }
0x99: {  	s4 =	sld [smem:$0x3FFC];
	_ =	sdelay $0x3  }
0x9a: {  	_ =	strace s4  }
0x9b: {  	s4 =	sld [smem:$0x3FFD];
	_ =	sdelay $0x3  }
0x9c: {  	_ =	strace s4  }
0x9d: {  	_ =	strace $0x8FFFFFFF  }
0x9e: {  	s19 =	sld [smem:$0x3FDB];
	_ =	sdelay $0x1  }
0x9f: {  	s20 =	simm.s32 $_scs_section_size  }
0xa0: {  	s6 =	simm.s32 $_size__tile_overlayer_lowered;
	s7 =	simm.s32 $_tile_overlayer_lowered  }
0xa1: {  	s23 =	simm.s32 $0x1BFF;
	s22 =	sshll.u32 s7, $0x1;
	s4 =	sadd.s32 s20, s19  }
0xa2: {  	s8 =	simm.s32 $0x0;
	s21 =	sshll.u32 s6, $0x1;
	s6 =	sadd.s32 s22, s4  }
0xa3: {  	[timem:s8], [sflag:s23] =	dma.local [hbm:s6], s21  }
0xa4: {  	_ =	swait.ge [sflag:s23], s21  }
0xa5: {  	s5 =	ssub.s32 $0x0, s21;
	[sflag:s23] =	ssyncset.done $0x0  }
0xa6: {  	[sflag:s23] =	ssyncadd.s32 s5;
	_ =	sdelay $0x1  }
0xa7: {  	s24 =	simm.s32 $0x1B8B  }
0xa8: {  	_ =	swait.ge [sflag:s24], $0x1  }
0xa9: {  	[sflag:s24] =	ssyncset.done $0x0  }
0xaa: {  	s25 =	simm.s32 $0x1B8E;
	[sflag:s24] =	ssyncadd.s32 $0xFFFFFFFF  }
0xab: {  	s26 =	simm.s32 $execute0_lowered;
	[smem:$0x3FD2] =	sst s25  }
0xac: {  	s5 =	sshll.u32 s26, $0x1;
	_ =	strace $0x80000046;
	[dreg:$0x1] =	wrdreg $0xFFFFFFFF  }
0xad: {  	s28 =	simm.s32 $_size_execute0_lowered;
	s4 =	sadd.s32 s4, s5;
	[dreg:$0x0] =	wrdreg $0x0  }
0xae: {  	s5 =	sshll.u32 s28, $0x1;
	[dreg:$0x2] =	wrdreg s4  }
0xaf: {  	[dreg:$0x3] =	wrdreg s5  }
0xb0: {  	[dreg:$0x4] =	wrdreg $0xC0  }
0xb1: {  	_ =	task [dreg:s8], $0x5FFFF  }
0xb2: {  	[dreg:$0x1] =	wrdreg $0xFFFFFFFF  }
0xb3: {  	[dreg:$0x0] =	wrdreg $0x60  }
0xb4: {  	[dreg:$0x2] =	wrdreg s16  }
0xb5: {  	[dreg:$0x3] =	wrdreg s17  }
0xb6: {  	[dreg:$0x4] =	wrdreg $0x9  }
0xb7: {  	_ =	task.clear_ibuf [dreg:s8], $0x5FFFF;
	_ =	strace $0x90000046  }
0xb8: {  	s29 =	simm.s32 $0x9;
	_ =	strace $0x80000048  }
0xb9: {  	_ =	swait.ge [sflag:s29], $0x1  }
0xba: {  	[sflag:s29] =	ssyncadd.s32 $0xFFFFFFFF  }
0xbb: {  	_ =	strace $0x90000048  }
0xbc: {  	_ =	sfence  }
0xbd: {  	s30 =	sld [smem:$0x0];
	_ =	sdelay $0x2  }
0xbe: {  	s31 =	sshll.u32 s1, $0xD;
	s1 =	sshrl.u32 s1, $0x2  }
0xbf: {  	s3 =	sand.u32 $0x4000, s31;
	s1 =	sadd.s32 s1, s30  }
0xc0: {  	s0 =	sor.u32 s3, s0;
	s1 =	sshll.u32 s1, $0x11  }
0xc1: {  	s0 =	sor.u32 s1, s0  }
0xc2: {  	s0 =	sadd.s32 $0x8F2B, s0  }
0xc3: {  	[sflag:s0] =	ssyncadd.remote.s32 $0x1  }
0xc4: {  	_ =	sfence.sel $0xFFFF  }
0xc5: {  	[dreg:$0x0] =	wrdreg $0xFFFFFFFF;
	(pc) =	sbr.abs _section_cstart, $3  }
0xc6: {  	[dreg:$0x1] =	wrdreg $0xFFFFFFFF  }
0xc7: {  	_ =	task.clear_ibuf [dreg:s8], $0x2FFFF;
	_ =	strace $0x9FFFFFFF  }
0xc8: {  	(tm) =	ssettm $0x7FFFFFFF  }
0xc9: {  	_ =	shalt  }
tec
execute0_lowered:
.L_overlay_start_1:
0x0: {  	(tag) =	ssettag $0x1  }
0x1: {  	s0 =	srdreg.scid;
	s1 =	stileid.u32  }
0x2: {  	s3 =	sand.u32 $0x1, s0;
	s6 =	sshll.u32 s1, $0x1  }
0x3: {  	s0 =	sor.u32 s3, s6  }
0x4: {  	s4 =	smul.u32 $0x68000, s0  }
0x5: {  	s7 =	rddreg [dreg:$0x0];
	s0 =	smul.u32 $0xD000, s0  }
0x6: {  	s5 =	rddreg [dreg:$0x1]  }
0x7: {  	s2 =	simm.s32 $0x0;
	s4 =	sshrl.u32 s4, $0x3;
	s31 =	sadd.s32 s5, s0  }
0x8: {  	[smem:$0x7FF] =	sst s2;
	s1 =	sadd.s32 s7, s4;
	s12 =	sadd.s32 $0x800, s31  }
0x9: {  	_ =	strace $0x80000047;
	s6 =	sadd.s32 $0x260000, s1;
	[dreg:$0x8] =	wrdreg s12  }
0xa: {  	s8 =	sadd.s32 $0x260800, s1;
	[dreg:$0x3] =	wrdreg s6  }
0xb: {  	s9 =	sadd.s32 $0x261000, s1;
	[dreg:$0x4] =	wrdreg s8  }
0xc: {  	s10 =	sadd.s32 $0x261800, s1;
	[dreg:$0x5] =	wrdreg s9  }
0xd: {  	s11 =	sadd.s32 $0x262000, s1;
	[dreg:$0x6] =	wrdreg s10  }
0xe: {  	s4 =	sadd.s32 s5, s4;
	s13 =	sadd.s32 $0x262800, s1;
	[dreg:$0x7] =	wrdreg s11  }
0xf: {  	s14 =	sadd.s32 $0x1000, s4;
	[dreg:$0x9] =	wrdreg s13  }
0x10: {  	s15 =	sadd.s32 $0x263000, s1;
	[dreg:$0xa] =	wrdreg s14  }
0x11: {  	s16 =	sadd.s32 $0x1800, s4;
	[dreg:$0xb] =	wrdreg s15  }
0x12: {  	s17 =	sadd.s32 $0x263800, s1;
	[dreg:$0xc] =	wrdreg s16  }
0x13: {  	s18 =	sadd.s32 $0x2000, s4;
	[dreg:$0xd] =	wrdreg s17  }
0x14: {  	s19 =	sadd.s32 $0x264000, s1;
	[dreg:$0xe] =	wrdreg s18  }
0x15: {  	s20 =	sadd.s32 $0x2800, s4;
	[dreg:$0xf] =	wrdreg s19  }
0x16: {  	s21 =	sadd.s32 $0x264800, s1;
	[dreg:$0x10] =	wrdreg s20  }
0x17: {  	s22 =	sadd.s32 $0x3000, s4;
	[dreg:$0x11] =	wrdreg s21  }
0x18: {  	s23 =	sadd.s32 $0x265000, s1;
	[dreg:$0x12] =	wrdreg s22  }
0x19: {  	s24 =	sadd.s32 $0x3800, s4;
	[dreg:$0x13] =	wrdreg s23  }
0x1a: {  	s25 =	sadd.s32 $0x265800, s1;
	[dreg:$0x14] =	wrdreg s24  }
0x1b: {  	s26 =	sadd.s32 $0x4000, s4;
	[dreg:$0x15] =	wrdreg s25  }
0x1c: {  	s5 =	sadd.s32 $0x266000, s1;
	[dreg:$0x16] =	wrdreg s26  }
0x1d: {  	s7 =	sadd.s32 $0x266800, s1;
	[dreg:$0x17] =	wrdreg s5  }
0x1e: {  	p0 =	por $0x0, $0x0;
	s12 =	sadd.s32 $0x6000, s4;
	[dreg:$0x19] =	wrdreg s7  }
0x1f: {  	s3 =	ssub.s32 $0x2, s3;
	s6 =	sadd.s32 $0x4800, s4;
	[dreg:$0x1e] =	wrdreg s12  }
0x20: {  	s30 =	sadd.s32 $0x8000, s4;
	s8 =	sadd.s32 $0x5000, s4;
	[dreg:$0x18] =	wrdreg s6  }
0x21: {  	s29 =	sadd.s32 $0x26A000, s1;
	s9 =	sadd.s32 $0x267000, s1;
	[dreg:$0x1a] =	wrdreg s8  }
0x22: {  	s28 =	sadd.s32 $0x8800, s4;
	s10 =	sadd.s32 $0x5800, s4;
	[dreg:$0x1b] =	wrdreg s9  }
0x23: {  	s11 =	sadd.s32 $0x267800, s1;
	s13 =	sadd.s32 $0x268000, s1;
	[dreg:$0x1c] =	wrdreg s10  }
0x24: {  	s14 =	sadd.s32 $0x6800, s4;
	s15 =	sadd.s32 $0x268800, s1;
	[dreg:$0x1d] =	wrdreg s11  }
0x25: {  	s16 =	sadd.s32 $0x7000, s4;
	s17 =	sadd.s32 $0x269000, s1;
	[dreg:$0x1f] =	wrdreg s13  }
0x26: {  	s18 =	sshrl.u32 s3, $0x1;
	s21 =	sadd.s32 $0x269800, s1;
	[smem:$0x7F8] =	sst s14  }
0x27: {  	s19 =	sadd.s32 $0x7800, s4;
	s26 =	sadd.s32 $0x26A800, s1;
	[smem:$0x7F9] =	sst s15  }
0x28: {  	s25 =	sadd.s32 $0x9000, s4;
	s24 =	sadd.s32 $0x26B000, s1;
	[smem:$0x7FA] =	sst s16  }
0x29: {  	s23 =	sadd.s32 $0x9800, s4;
	s5 =	sadd.s32 $0xC000, s4;
	[smem:$0x7FB] =	sst s17  }
0x2a: {  	s12 =	simm.s32 $0xC000;
	s7 =	simm.s32 $0x5;
	[smem:$0x7FC] =	sst s19  }
0x2b: {  	s20 =	ssub.s32 s3, s18;
	[smem:$0x7FD] =	sst s21;
	s21 =	sadd.s32 $0x26B800, s1  }
0x2c: {  	s19 =	sadd.s32 $0xA000, s4;
	s17 =	sadd.s32 $0x26C000, s1;
	s22 =	smax.u32 s20, $0x1  }
0x2d: {  	s14 =	sadd.s32 $0xA800, s4;
	s13 =	sadd.s32 $0x26C800, s1;
	p1 =	sne.s32 s22, $0x1  }
.Ltmp0:
0x2e: {  	s11 =	sadd.s32 $0xB000, s4;
	s9 =	sadd.s32 $0xB800, s4;
	(pc) =	sbr.rel @!p1 .LBB2_3-.Ltmp0, $4  }
0x2f: {  	s3 =	sadd.s32 $0xC800, s4;
	s4 =	simm.s32 $0x4000;
	s15 =	simm.s32 $0x8000  }
0x30: {  	s10 =	simm.s32 $0x1;
	s8 =	simm.s32 $0x2;
	s6 =	simm.s32 $0x6  }
0x31: {  	s18 =	simm.s32 $0x4;
	s16 =	simm.s32 $0x8;
	s0 =	rddreg [dreg:$0x3]  }
0x32: {  	s20 =	simm.s32 $0x7;
	s1 =	sadd.s32 $0xFFFFFFFF, s22;
	s22 =	simm.s32 $0x3  }
0x33: {  	[smem:$0x7F7] =	sst s1  }
0x34: {  	[tilespmem:s2], [sflag:$0x1] =	stream.linear.gather [hbm4b:s0+s2], $0x4000, $0x38;
	[tilespmem:$0x10000] =	vst v63  }
0x35: {  	s1 =	rddreg [dreg:$0x4]  }
0x36: {  	[tilespmem:s4], [sflag:$0x2] =	stream.linear.gather [hbm4b:s1+s2], $0x4000, $0x38;
	[tilespmem:$0x10000] =	vst v63  }
0x37: {  	s0 =	rddreg [dreg:$0x5]  }
0x38: {  	[tilespmem:s15], [sflag:$0x3] =	stream.linear.gather [hbm4b:s0+s2], $0x4000, $0x38;
	[tilespmem:$0x10000] =	vst v63  }
0x39: {  	s1 =	rddreg [dreg:$0x6]  }
0x3a: {  	[tilespmem:s12], [sflag:$0x4] =	stream.linear.gather [hbm4b:s1+s2], $0x4000, $0x38;
	[tilespmem:$0x10000] =	vst v63  }
0x3b: {  	_ =	swait.ge [sflag:s10], $0x4000  }
0x3c: {  	[sflag:s10] =	ssyncset.done $0x0  }
0x3d: {  	[sflag:s10] =	ssyncadd.s32 $0xFFFFC000  }
0x3e: {  	[hbm4b:s31+s2] =	stream.linear.scatter [tilespmem:s2], [sflag:$0x5], $0x4000, $0x38;
	[tilespmem:$0x10000] =	vst v63  }
0x3f: {  	_ =	swait.ge [sflag:s7], $0x4000  }
0x40: {  	[sflag:s7] =	ssyncset.done $0x0  }
0x41: {  	s1 =	rddreg [dreg:$0x7];
	[sflag:s7] =	ssyncadd.s32 $0xFFFFC000  }
0x42: {  	[tilespmem:s2], [sflag:$0x1] =	stream.linear.gather [hbm4b:s1+s2], $0x4000, $0x38;
	[tilespmem:$0x10000] =	vst v63  }
0x43: {  	_ =	swait.ge [sflag:s8], $0x4000  }
0x44: {  	[sflag:s8] =	ssyncset.done $0x0  }
0x45: {  	s1 =	rddreg [dreg:$0x8];
	[sflag:s8] =	ssyncadd.s32 $0xFFFFC000  }
0x46: {  	[hbm4b:s1+s2] =	stream.linear.scatter [tilespmem:s4], [sflag:$0x6], $0x4000, $0x38;
	[tilespmem:$0x10000] =	vst v63  }
0x47: {  	_ =	swait.ge [sflag:s6], $0x4000  }
0x48: {  	[sflag:s6] =	ssyncset.done $0x0  }
0x49: {  	s1 =	rddreg [dreg:$0x9];
	[sflag:s6] =	ssyncadd.s32 $0xFFFFC000  }
0x4a: {  	[tilespmem:s4], [sflag:$0x2] =	stream.linear.gather [hbm4b:s1+s2], $0x4000, $0x38;
	[tilespmem:$0x10000] =	vst v63  }
0x4b: {  	_ =	swait.ge [sflag:s22], $0x4000  }
0x4c: {  	[sflag:s22] =	ssyncset.done $0x0  }
0x4d: {  	s1 =	rddreg [dreg:$0xa];
	[sflag:s22] =	ssyncadd.s32 $0xFFFFC000  }
0x4e: {  	[hbm4b:s1+s2] =	stream.linear.scatter [tilespmem:s15], [sflag:$0x7], $0x4000, $0x38;
	[tilespmem:$0x10000] =	vst v63  }
0x4f: {  	_ =	swait.ge [sflag:s20], $0x4000  }
0x50: {  	[sflag:s20] =	ssyncset.done $0x0  }
0x51: {  	s1 =	rddreg [dreg:$0xb];
	[sflag:s20] =	ssyncadd.s32 $0xFFFFC000  }
0x52: {  	[tilespmem:s15], [sflag:$0x3] =	stream.linear.gather [hbm4b:s1+s2], $0x4000, $0x38;
	[tilespmem:$0x10000] =	vst v63  }
0x53: {  	_ =	swait.ge [sflag:s18], $0x4000  }
0x54: {  	[sflag:s18] =	ssyncset.done $0x0  }
0x55: {  	s1 =	rddreg [dreg:$0xc];
	[sflag:s18] =	ssyncadd.s32 $0xFFFFC000  }
0x56: {  	[hbm4b:s1+s2] =	stream.linear.scatter [tilespmem:s12], [sflag:$0x8], $0x4000, $0x38;
	[tilespmem:$0x10000] =	vst v63  }
0x57: {  	_ =	swait.ge [sflag:s16], $0x4000  }
0x58: {  	[sflag:s16] =	ssyncset.done $0x0  }
0x59: {  	s1 =	rddreg [dreg:$0xd];
	[sflag:s16] =	ssyncadd.s32 $0xFFFFC000  }
0x5a: {  	[tilespmem:s12], [sflag:$0x4] =	stream.linear.gather [hbm4b:s1+s2], $0x4000, $0x38;
	[tilespmem:$0x10000] =	vst v63  }
0x5b: {  	_ =	swait.ge [sflag:s10], $0x4000  }
0x5c: {  	[sflag:s10] =	ssyncset.done $0x0  }
0x5d: {  	s1 =	rddreg [dreg:$0xe];
	[sflag:s10] =	ssyncadd.s32 $0xFFFFC000  }
0x5e: {  	[hbm4b:s1+s2] =	stream.linear.scatter [tilespmem:s2], [sflag:$0x5], $0x4000, $0x38;
	[tilespmem:$0x10000] =	vst v63  }
0x5f: {  	_ =	swait.ge [sflag:s7], $0x4000  }
0x60: {  	[sflag:s7] =	ssyncset.done $0x0  }
0x61: {  	s1 =	rddreg [dreg:$0xf];
	[sflag:s7] =	ssyncadd.s32 $0xFFFFC000  }
0x62: {  	[tilespmem:s2], [sflag:$0x1] =	stream.linear.gather [hbm4b:s1+s2], $0x4000, $0x38;
	[tilespmem:$0x10000] =	vst v63  }
0x63: {  	_ =	swait.ge [sflag:s8], $0x4000  }
0x64: {  	[sflag:s8] =	ssyncset.done $0x0  }
0x65: {  	s1 =	rddreg [dreg:$0x10];
	[sflag:s8] =	ssyncadd.s32 $0xFFFFC000  }
0x66: {  	[hbm4b:s1+s2] =	stream.linear.scatter [tilespmem:s4], [sflag:$0x6], $0x4000, $0x38;
	[tilespmem:$0x10000] =	vst v63  }
0x67: {  	_ =	swait.ge [sflag:s6], $0x4000  }
0x68: {  	[sflag:s6] =	ssyncset.done $0x0  }
0x69: {  	s1 =	rddreg [dreg:$0x11];
	[sflag:s6] =	ssyncadd.s32 $0xFFFFC000  }
0x6a: {  	[tilespmem:s4], [sflag:$0x2] =	stream.linear.gather [hbm4b:s1+s2], $0x4000, $0x38;
	[tilespmem:$0x10000] =	vst v63  }
0x6b: {  	_ =	swait.ge [sflag:s22], $0x4000  }
0x6c: {  	[sflag:s22] =	ssyncset.done $0x0  }
0x6d: {  	s1 =	rddreg [dreg:$0x12];
	[sflag:s22] =	ssyncadd.s32 $0xFFFFC000  }
0x6e: {  	[hbm4b:s1+s2] =	stream.linear.scatter [tilespmem:s15], [sflag:$0x7], $0x4000, $0x38;
	[tilespmem:$0x10000] =	vst v63  }
0x6f: {  	_ =	swait.ge [sflag:s20], $0x4000  }
0x70: {  	[sflag:s20] =	ssyncset.done $0x0  }
0x71: {  	s1 =	rddreg [dreg:$0x13];
	[sflag:s20] =	ssyncadd.s32 $0xFFFFC000  }
0x72: {  	[tilespmem:s15], [sflag:$0x3] =	stream.linear.gather [hbm4b:s1+s2], $0x4000, $0x38;
	[tilespmem:$0x10000] =	vst v63  }
0x73: {  	_ =	swait.ge [sflag:s18], $0x4000  }
0x74: {  	[sflag:s18] =	ssyncset.done $0x0  }
0x75: {  	s1 =	rddreg [dreg:$0x14];
	[sflag:s18] =	ssyncadd.s32 $0xFFFFC000  }
0x76: {  	[hbm4b:s1+s2] =	stream.linear.scatter [tilespmem:s12], [sflag:$0x8], $0x4000, $0x38;
	[tilespmem:$0x10000] =	vst v63  }
0x77: {  	_ =	swait.ge [sflag:s16], $0x4000  }
0x78: {  	[sflag:s16] =	ssyncset.done $0x0  }
0x79: {  	s1 =	rddreg [dreg:$0x15];
	[sflag:s16] =	ssyncadd.s32 $0xFFFFC000  }
0x7a: {  	[tilespmem:s12], [sflag:$0x4] =	stream.linear.gather [hbm4b:s1+s2], $0x4000, $0x38;
	[tilespmem:$0x10000] =	vst v63  }
0x7b: {  	_ =	swait.ge [sflag:s10], $0x4000  }
0x7c: {  	[sflag:s10] =	ssyncset.done $0x0  }
0x7d: {  	s1 =	rddreg [dreg:$0x16];
	[sflag:s10] =	ssyncadd.s32 $0xFFFFC000  }
0x7e: {  	[hbm4b:s1+s2] =	stream.linear.scatter [tilespmem:s2], [sflag:$0x5], $0x4000, $0x38;
	[tilespmem:$0x10000] =	vst v63  }
0x7f: {  	_ =	swait.ge [sflag:s7], $0x4000  }
0x80: {  	[sflag:s7] =	ssyncset.done $0x0  }
0x81: {  	s1 =	rddreg [dreg:$0x17];
	[sflag:s7] =	ssyncadd.s32 $0xFFFFC000  }
0x82: {  	[tilespmem:s2], [sflag:$0x1] =	stream.linear.gather [hbm4b:s1+s2], $0x4000, $0x38;
	[tilespmem:$0x10000] =	vst v63  }
0x83: {  	_ =	swait.ge [sflag:s8], $0x4000  }
0x84: {  	[sflag:s8] =	ssyncset.done $0x0  }
0x85: {  	s1 =	rddreg [dreg:$0x18];
	[sflag:s8] =	ssyncadd.s32 $0xFFFFC000  }
0x86: {  	[hbm4b:s1+s2] =	stream.linear.scatter [tilespmem:s4], [sflag:$0x6], $0x4000, $0x38;
	[tilespmem:$0x10000] =	vst v63  }
0x87: {  	_ =	swait.ge [sflag:s6], $0x4000  }
0x88: {  	[sflag:s6] =	ssyncset.done $0x0  }
0x89: {  	s1 =	rddreg [dreg:$0x19];
	[sflag:s6] =	ssyncadd.s32 $0xFFFFC000  }
0x8a: {  	[tilespmem:s4], [sflag:$0x2] =	stream.linear.gather [hbm4b:s1+s2], $0x4000, $0x38;
	[tilespmem:$0x10000] =	vst v63  }
0x8b: {  	_ =	swait.ge [sflag:s22], $0x4000  }
0x8c: {  	[sflag:s22] =	ssyncset.done $0x0  }
0x8d: {  	s1 =	rddreg [dreg:$0x1a];
	[sflag:s22] =	ssyncadd.s32 $0xFFFFC000  }
0x8e: {  	[hbm4b:s1+s2] =	stream.linear.scatter [tilespmem:s15], [sflag:$0x7], $0x4000, $0x38;
	[tilespmem:$0x10000] =	vst v63  }
0x8f: {  	_ =	swait.ge [sflag:s20], $0x4000  }
0x90: {  	[sflag:s20] =	ssyncset.done $0x0  }
0x91: {  	s1 =	rddreg [dreg:$0x1b];
	[sflag:s20] =	ssyncadd.s32 $0xFFFFC000  }
0x92: {  	[tilespmem:s15], [sflag:$0x3] =	stream.linear.gather [hbm4b:s1+s2], $0x4000, $0x38;
	[tilespmem:$0x10000] =	vst v63  }
0x93: {  	_ =	swait.ge [sflag:s18], $0x4000  }
0x94: {  	[sflag:s18] =	ssyncset.done $0x0  }
0x95: {  	s1 =	rddreg [dreg:$0x1c];
	[sflag:s18] =	ssyncadd.s32 $0xFFFFC000  }
0x96: {  	[hbm4b:s1+s2] =	stream.linear.scatter [tilespmem:s12], [sflag:$0x8], $0x4000, $0x38;
	[tilespmem:$0x10000] =	vst v63  }
0x97: {  	_ =	swait.ge [sflag:s16], $0x4000  }
0x98: {  	[sflag:s16] =	ssyncset.done $0x0  }
0x99: {  	s1 =	rddreg [dreg:$0x1d];
	[sflag:s16] =	ssyncadd.s32 $0xFFFFC000  }
0x9a: {  	[tilespmem:s12], [sflag:$0x4] =	stream.linear.gather [hbm4b:s1+s2], $0x4000, $0x38;
	[tilespmem:$0x10000] =	vst v63  }
0x9b: {  	_ =	swait.ge [sflag:s10], $0x4000  }
0x9c: {  	[sflag:s10] =	ssyncset.done $0x0  }
0x9d: {  	s1 =	rddreg [dreg:$0x1e];
	[sflag:s10] =	ssyncadd.s32 $0xFFFFC000  }
0x9e: {  	[hbm4b:s1+s2] =	stream.linear.scatter [tilespmem:s2], [sflag:$0x5], $0x4000, $0x38;
	[tilespmem:$0x10000] =	vst v63  }
0x9f: {  	_ =	swait.ge [sflag:s7], $0x4000  }
0xa0: {  	[sflag:s7] =	ssyncset.done $0x0  }
0xa1: {  	s1 =	rddreg [dreg:$0x1f];
	[sflag:s7] =	ssyncadd.s32 $0xFFFFC000  }
0xa2: {  	[tilespmem:s2], [sflag:$0x1] =	stream.linear.gather [hbm4b:s1+s2], $0x4000, $0x38;
	[tilespmem:$0x10000] =	vst v63  }
0xa3: {  	_ =	swait.ge [sflag:s8], $0x4000  }
0xa4: {  	s1 =	sld [smem:$0x7F8]  }
0xa5: {  	[sflag:s8] =	ssyncset.done $0x0  }
0xa6: {  	[sflag:s8] =	ssyncadd.s32 $0xFFFFC000  }
0xa7: {  	[hbm4b:s1+s2] =	stream.linear.scatter [tilespmem:s4], [sflag:$0x6], $0x4000, $0x38;
	[tilespmem:$0x10000] =	vst v63  }
0xa8: {  	_ =	swait.ge [sflag:s6], $0x4000  }
0xa9: {  	s1 =	sld [smem:$0x7F9]  }
0xaa: {  	[sflag:s6] =	ssyncset.done $0x0  }
0xab: {  	[sflag:s6] =	ssyncadd.s32 $0xFFFFC000  }
0xac: {  	[tilespmem:s4], [sflag:$0x2] =	stream.linear.gather [hbm4b:s1+s2], $0x4000, $0x38;
	[tilespmem:$0x10000] =	vst v63  }
0xad: {  	_ =	swait.ge [sflag:s22], $0x4000  }
0xae: {  	s1 =	sld [smem:$0x7FA]  }
0xaf: {  	[sflag:s22] =	ssyncset.done $0x0  }
0xb0: {  	[sflag:s22] =	ssyncadd.s32 $0xFFFFC000  }
0xb1: {  	[hbm4b:s1+s2] =	stream.linear.scatter [tilespmem:s15], [sflag:$0x7], $0x4000, $0x38;
	[tilespmem:$0x10000] =	vst v63  }
0xb2: {  	_ =	swait.ge [sflag:s20], $0x4000  }
0xb3: {  	s1 =	sld [smem:$0x7FB]  }
0xb4: {  	[sflag:s20] =	ssyncset.done $0x0  }
0xb5: {  	[sflag:s20] =	ssyncadd.s32 $0xFFFFC000  }
0xb6: {  	[tilespmem:s15], [sflag:$0x3] =	stream.linear.gather [hbm4b:s1+s2], $0x4000, $0x38;
	[tilespmem:$0x10000] =	vst v63  }
0xb7: {  	_ =	swait.ge [sflag:s18], $0x4000  }
0xb8: {  	s1 =	sld [smem:$0x7FC]  }
0xb9: {  	[sflag:s18] =	ssyncset.done $0x0  }
0xba: {  	[sflag:s18] =	ssyncadd.s32 $0xFFFFC000  }
0xbb: {  	[hbm4b:s1+s2] =	stream.linear.scatter [tilespmem:s12], [sflag:$0x8], $0x4000, $0x38;
	[tilespmem:$0x10000] =	vst v63  }
0xbc: {  	_ =	swait.ge [sflag:s16], $0x4000  }
0xbd: {  	s1 =	sld [smem:$0x7FD]  }
0xbe: {  	[sflag:s16] =	ssyncset.done $0x0  }
0xbf: {  	[sflag:s16] =	ssyncadd.s32 $0xFFFFC000  }
0xc0: {  	[tilespmem:s12], [sflag:$0x4] =	stream.linear.gather [hbm4b:s1+s2], $0x4000, $0x38;
	[tilespmem:$0x10000] =	vst v63  }
0xc1: {  	_ =	swait.ge [sflag:s10], $0x4000  }
0xc2: {  	[sflag:s10] =	ssyncset.done $0x0  }
0xc3: {  	[sflag:s10] =	ssyncadd.s32 $0xFFFFC000  }
0xc4: {  	[hbm4b:s30+s2] =	stream.linear.scatter [tilespmem:s2], [sflag:$0x5], $0x4000, $0x38;
	[tilespmem:$0x10000] =	vst v63  }
0xc5: {  	_ =	swait.ge [sflag:s7], $0x4000  }
0xc6: {  	[sflag:s7] =	ssyncset.done $0x0  }
0xc7: {  	[sflag:s7] =	ssyncadd.s32 $0xFFFFC000  }
0xc8: {  	[tilespmem:s2], [sflag:$0x1] =	stream.linear.gather [hbm4b:s29+s2], $0x4000, $0x38;
	[tilespmem:$0x10000] =	vst v63  }
0xc9: {  	_ =	swait.ge [sflag:s8], $0x4000  }
0xca: {  	[sflag:s8] =	ssyncset.done $0x0  }
0xcb: {  	[sflag:s8] =	ssyncadd.s32 $0xFFFFC000  }
0xcc: {  	[hbm4b:s28+s2] =	stream.linear.scatter [tilespmem:s4], [sflag:$0x6], $0x4000, $0x38;
	[tilespmem:$0x10000] =	vst v63  }
0xcd: {  	_ =	swait.ge [sflag:s6], $0x4000  }
0xce: {  	[sflag:s6] =	ssyncset.done $0x0  }
0xcf: {  	[sflag:s6] =	ssyncadd.s32 $0xFFFFC000  }
0xd0: {  	[tilespmem:s4], [sflag:$0x2] =	stream.linear.gather [hbm4b:s26+s2], $0x4000, $0x38;
	[tilespmem:$0x10000] =	vst v63  }
0xd1: {  	_ =	swait.ge [sflag:s22], $0x4000  }
0xd2: {  	[sflag:s22] =	ssyncset.done $0x0  }
0xd3: {  	[sflag:s22] =	ssyncadd.s32 $0xFFFFC000  }
0xd4: {  	[hbm4b:s25+s2] =	stream.linear.scatter [tilespmem:s15], [sflag:$0x7], $0x4000, $0x38;
	[tilespmem:$0x10000] =	vst v63  }
0xd5: {  	_ =	swait.ge [sflag:s20], $0x4000  }
0xd6: {  	[sflag:s20] =	ssyncset.done $0x0  }
0xd7: {  	[sflag:s20] =	ssyncadd.s32 $0xFFFFC000  }
0xd8: {  	[tilespmem:s15], [sflag:$0x3] =	stream.linear.gather [hbm4b:s24+s2], $0x4000, $0x38;
	[tilespmem:$0x10000] =	vst v63  }
0xd9: {  	_ =	swait.ge [sflag:s18], $0x4000  }
0xda: {  	[sflag:s18] =	ssyncset.done $0x0  }
0xdb: {  	[sflag:s18] =	ssyncadd.s32 $0xFFFFC000  }
0xdc: {  	[hbm4b:s23+s2] =	stream.linear.scatter [tilespmem:s12], [sflag:$0x8], $0x4000, $0x38;
	[tilespmem:$0x10000] =	vst v63  }
0xdd: {  	_ =	swait.ge [sflag:s16], $0x4000  }
0xde: {  	[sflag:s16] =	ssyncset.done $0x0  }
0xdf: {  	[sflag:s16] =	ssyncadd.s32 $0xFFFFC000  }
0xe0: {  	[tilespmem:s12], [sflag:$0x4] =	stream.linear.gather [hbm4b:s21+s2], $0x4000, $0x38;
	[tilespmem:$0x10000] =	vst v63  }
0xe1: {  	_ =	swait.ge [sflag:s10], $0x4000  }
0xe2: {  	[sflag:s10] =	ssyncset.done $0x0  }
0xe3: {  	[sflag:s10] =	ssyncadd.s32 $0xFFFFC000  }
0xe4: {  	[hbm4b:s19+s2] =	stream.linear.scatter [tilespmem:s2], [sflag:$0x5], $0x4000, $0x38;
	[tilespmem:$0x10000] =	vst v63  }
0xe5: {  	_ =	swait.ge [sflag:s7], $0x4000  }
0xe6: {  	[sflag:s7] =	ssyncset.done $0x0  }
0xe7: {  	[sflag:s7] =	ssyncadd.s32 $0xFFFFC000  }
0xe8: {  	[tilespmem:s2], [sflag:$0x1] =	stream.linear.gather [hbm4b:s17+s2], $0x4000, $0x38;
	[tilespmem:$0x10000] =	vst v63  }
0xe9: {  	_ =	swait.ge [sflag:s8], $0x4000  }
0xea: {  	[sflag:s8] =	ssyncset.done $0x0  }
0xeb: {  	[sflag:s8] =	ssyncadd.s32 $0xFFFFC000  }
0xec: {  	[hbm4b:s14+s2] =	stream.linear.scatter [tilespmem:s4], [sflag:$0x6], $0x4000, $0x38;
	[tilespmem:$0x10000] =	vst v63  }
0xed: {  	_ =	swait.ge [sflag:s6], $0x4000  }
0xee: {  	[sflag:s6] =	ssyncset.done $0x0  }
0xef: {  	[sflag:s6] =	ssyncadd.s32 $0xFFFFC000  }
0xf0: {  	[tilespmem:s4], [sflag:$0x2] =	stream.linear.gather [hbm4b:s13+s2], $0x4000, $0x38;
	[tilespmem:$0x10000] =	vst v63  }
0xf1: {  	_ =	swait.ge [sflag:s22], $0x4000  }
0xf2: {  	[sflag:s22] =	ssyncset.done $0x0  }
0xf3: {  	[sflag:s22] =	ssyncadd.s32 $0xFFFFC000  }
0xf4: {  	[hbm4b:s11+s2] =	stream.linear.scatter [tilespmem:s15], [sflag:$0x7], $0x4000, $0x38;
	[tilespmem:$0x10000] =	vst v63  }
0xf5: {  	_ =	swait.ge [sflag:s20], $0x4000  }
0xf6: {  	[sflag:s20] =	ssyncset.done $0x0  }
0xf7: {  	[sflag:s20] =	ssyncadd.s32 $0xFFFFC000  }
0xf8: {  	_ =	swait.ge [sflag:s18], $0x4000  }
0xf9: {  	[sflag:s18] =	ssyncset.done $0x0  }
0xfa: {  	[sflag:s18] =	ssyncadd.s32 $0xFFFFC000  }
0xfb: {  	[hbm4b:s9+s2] =	stream.linear.scatter [tilespmem:s12], [sflag:$0x8], $0x4000, $0x38;
	[tilespmem:$0x10000] =	vst v63  }
0xfc: {  	_ =	swait.ge [sflag:s16], $0x4000  }
0xfd: {  	[sflag:s16] =	ssyncset.done $0x0  }
0xfe: {  	[sflag:s16] =	ssyncadd.s32 $0xFFFFC000  }
0xff: {  	_ =	swait.ge [sflag:s10], $0x4000  }
0x100: {  	[sflag:s10] =	ssyncset.done $0x0  }
0x101: {  	[sflag:s10] =	ssyncadd.s32 $0xFFFFC000  }
0x102: {  	[hbm4b:s5+s2] =	stream.linear.scatter [tilespmem:s2], [sflag:$0x5], $0x4000, $0x38;
	[tilespmem:$0x10000] =	vst v63  }
0x103: {  	_ =	swait.ge [sflag:s7], $0x4000  }
0x104: {  	[sflag:s7] =	ssyncset.done $0x0  }
0x105: {  	[sflag:s7] =	ssyncadd.s32 $0xFFFFC000  }
0x106: {  	_ =	swait.ge [sflag:s8], $0x4000  }
0x107: {  	s1 =	sld [smem:$0x7F7];
	_ =	sdelay $0x2  }
0x108: {  	p1 =	sne.s32 s1, $0x1  }
.Ltmp1:
0x109: {  	[sflag:s8] =	ssyncset.done $0x0;
	(pc) =	sbr.rel @!p1 .LBB2_3-.Ltmp1, $4  }
0x10a: {  	[sflag:s8] =	ssyncadd.s32 $0xFFFFC000  }
0x10b: {  	[hbm4b:s3+s2] =	stream.linear.scatter [tilespmem:s4], [sflag:$0x6], $0x4000, $0x38;
	[tilespmem:$0x10000] =	vst v63  }
0x10c: {  	p0 =	por $0x1, $0x1;
	_ =	swait.ge [sflag:s6], $0x4000  }
0x10d: {  	s1 =	sadd.s32 $0xFFFFFFFF, s1;
	s0 =	rddreg [dreg:$0x3];
	[sflag:s6] =	ssyncset.done $0x0  }
.LBB2_2:
0x10e: {  	[sflag:s6] =	ssyncadd.s32 $0xFFFFC000;
	s16 =	simm.s32 $0x4000  }
0x10f: {  	s12 =	smov.u32 s31;
	s31 =	smov.u32 s30;
	s30 =	smov.u32 s29  }
0x110: {  	s29 =	smov.u32 s28;
	s28 =	smov.u32 s26;
	s26 =	smov.u32 s25  }
0x111: {  	s25 =	smov.u32 s24;
	s24 =	smov.u32 s23;
	s23 =	smov.u32 s21  }
0x112: {  	s21 =	smov.u32 s19;
	s19 =	smov.u32 s17;
	s17 =	smov.u32 s14  }
0x113: {  	s14 =	smov.u32 s13;
	s13 =	smov.u32 s11;
	s11 =	smov.u32 s9  }
0x114: {  	[tilespmem:s2], [sflag:$0x1] =	stream.linear.gather [hbm4b:s0+s2], $0x4000, $0x38;
	[tilespmem:$0x10000] =	vst v63  }
0x115: {  	s9 =	smov.u32 s5;
	s5 =	smov.u32 s3;
	s3 =	rddreg [dreg:$0x4]  }
0x116: {  	[tilespmem:s16], [sflag:$0x2] =	stream.linear.gather [hbm4b:s3+s2], $0x4000, $0x38;
	[tilespmem:$0x10000] =	vst v63  }
0x117: {  	s4 =	simm.s32 $0x8000;
	s0 =	rddreg [dreg:$0x5]  }
0x118: {  	[tilespmem:s4], [sflag:$0x3] =	stream.linear.gather [hbm4b:s0+s2], $0x4000, $0x38;
	[tilespmem:$0x10000] =	vst v63  }
0x119: {  	s15 =	simm.s32 $0xC000;
	s3 =	rddreg [dreg:$0x6]  }
0x11a: {  	[tilespmem:s15], [sflag:$0x4] =	stream.linear.gather [hbm4b:s3+s2], $0x4000, $0x38;
	[tilespmem:$0x10000] =	vst v63  }
0x11b: {  	s3 =	smov.u32 s5;
	s5 =	smov.u32 s9  }
0x11c: {  	s9 =	smov.u32 s11;
	s11 =	smov.u32 s13;
	s13 =	smov.u32 s14  }
0x11d: {  	s14 =	smov.u32 s17;
	s17 =	smov.u32 s19;
	s19 =	smov.u32 s21  }
0x11e: {  	s21 =	smov.u32 s23;
	s23 =	smov.u32 s24;
	s24 =	smov.u32 s25  }
0x11f: {  	s25 =	smov.u32 s26;
	s26 =	smov.u32 s28;
	_ =	swait.ge [sflag:s10], $0x4000  }
0x120: {  	s28 =	smov.u32 s29;
	s29 =	smov.u32 s30;
	[sflag:s10] =	ssyncset.done $0x0  }
0x121: {  	s30 =	smov.u32 s31;
	s31 =	smov.u32 s12;
	[sflag:s10] =	ssyncadd.s32 $0xFFFFC000  }
0x122: {  	[hbm4b:s31+s2] =	stream.linear.scatter [tilespmem:s2], [sflag:$0x5], $0x4000, $0x38;
	[tilespmem:$0x10000] =	vst v63  }
0x123: {  	_ =	swait.ge [sflag:s7], $0x4000  }
0x124: {  	[sflag:s7] =	ssyncset.done $0x0  }
0x125: {  	s0 =	rddreg [dreg:$0x7];
	[sflag:s7] =	ssyncadd.s32 $0xFFFFC000  }
0x126: {  	[tilespmem:s2], [sflag:$0x1] =	stream.linear.gather [hbm4b:s0+s2], $0x4000, $0x38;
	[tilespmem:$0x10000] =	vst v63  }
0x127: {  	_ =	swait.ge [sflag:s8], $0x4000  }
0x128: {  	[sflag:s8] =	ssyncset.done $0x0  }
0x129: {  	s4 =	simm.s32 $0x4000;
	s0 =	rddreg [dreg:$0x8];
	[sflag:s8] =	ssyncadd.s32 $0xFFFFC000  }
0x12a: {  	[hbm4b:s0+s2] =	stream.linear.scatter [tilespmem:s4], [sflag:$0x6], $0x4000, $0x38;
	[tilespmem:$0x10000] =	vst v63  }
0x12b: {  	_ =	swait.ge [sflag:s6], $0x4000  }
0x12c: {  	[sflag:s6] =	ssyncset.done $0x0  }
0x12d: {  	s0 =	rddreg [dreg:$0x9];
	[sflag:s6] =	ssyncadd.s32 $0xFFFFC000  }
0x12e: {  	[tilespmem:s4], [sflag:$0x2] =	stream.linear.gather [hbm4b:s0+s2], $0x4000, $0x38;
	[tilespmem:$0x10000] =	vst v63  }
0x12f: {  	_ =	swait.ge [sflag:s22], $0x4000  }
0x130: {  	[sflag:s22] =	ssyncset.done $0x0  }
0x131: {  	s15 =	simm.s32 $0x8000;
	s0 =	rddreg [dreg:$0xa];
	[sflag:s22] =	ssyncadd.s32 $0xFFFFC000  }
0x132: {  	[hbm4b:s0+s2] =	stream.linear.scatter [tilespmem:s15], [sflag:$0x7], $0x4000, $0x38;
	[tilespmem:$0x10000] =	vst v63  }
0x133: {  	_ =	swait.ge [sflag:s20], $0x4000  }
0x134: {  	[sflag:s20] =	ssyncset.done $0x0  }
0x135: {  	s0 =	rddreg [dreg:$0xb];
	[sflag:s20] =	ssyncadd.s32 $0xFFFFC000  }
0x136: {  	[tilespmem:s15], [sflag:$0x3] =	stream.linear.gather [hbm4b:s0+s2], $0x4000, $0x38;
	[tilespmem:$0x10000] =	vst v63  }
0x137: {  	_ =	swait.ge [sflag:s18], $0x4000  }
0x138: {  	s16 =	simm.s32 $0x8;
	[sflag:s18] =	ssyncset.done $0x0  }
0x139: {  	s12 =	simm.s32 $0xC000;
	s0 =	rddreg [dreg:$0xc];
	[sflag:s18] =	ssyncadd.s32 $0xFFFFC000  }
0x13a: {  	[hbm4b:s0+s2] =	stream.linear.scatter [tilespmem:s12], [sflag:$0x8], $0x4000, $0x38;
	[tilespmem:$0x10000] =	vst v63  }
0x13b: {  	_ =	swait.ge [sflag:s16], $0x4000  }
0x13c: {  	[sflag:s16] =	ssyncset.done $0x0  }
0x13d: {  	s0 =	rddreg [dreg:$0xd];
	[sflag:s16] =	ssyncadd.s32 $0xFFFFC000  }
0x13e: {  	[tilespmem:s12], [sflag:$0x4] =	stream.linear.gather [hbm4b:s0+s2], $0x4000, $0x38;
	[tilespmem:$0x10000] =	vst v63  }
0x13f: {  	_ =	swait.ge [sflag:s10], $0x4000  }
0x140: {  	[sflag:s10] =	ssyncset.done $0x0  }
0x141: {  	s0 =	rddreg [dreg:$0xe];
	[sflag:s10] =	ssyncadd.s32 $0xFFFFC000  }
0x142: {  	[hbm4b:s0+s2] =	stream.linear.scatter [tilespmem:s2], [sflag:$0x5], $0x4000, $0x38;
	[tilespmem:$0x10000] =	vst v63  }
0x143: {  	_ =	swait.ge [sflag:s7], $0x4000  }
0x144: {  	[sflag:s7] =	ssyncset.done $0x0  }
0x145: {  	s0 =	rddreg [dreg:$0xf];
	[sflag:s7] =	ssyncadd.s32 $0xFFFFC000  }
0x146: {  	[tilespmem:s2], [sflag:$0x1] =	stream.linear.gather [hbm4b:s0+s2], $0x4000, $0x38;
	[tilespmem:$0x10000] =	vst v63  }
0x147: {  	_ =	swait.ge [sflag:s8], $0x4000  }
0x148: {  	[sflag:s8] =	ssyncset.done $0x0  }
0x149: {  	s0 =	rddreg [dreg:$0x10];
	[sflag:s8] =	ssyncadd.s32 $0xFFFFC000  }
0x14a: {  	[hbm4b:s0+s2] =	stream.linear.scatter [tilespmem:s4], [sflag:$0x6], $0x4000, $0x38;
	[tilespmem:$0x10000] =	vst v63  }
0x14b: {  	_ =	swait.ge [sflag:s6], $0x4000  }
0x14c: {  	[sflag:s6] =	ssyncset.done $0x0  }
0x14d: {  	s0 =	rddreg [dreg:$0x11];
	[sflag:s6] =	ssyncadd.s32 $0xFFFFC000  }
0x14e: {  	[tilespmem:s4], [sflag:$0x2] =	stream.linear.gather [hbm4b:s0+s2], $0x4000, $0x38;
	[tilespmem:$0x10000] =	vst v63  }
0x14f: {  	_ =	swait.ge [sflag:s22], $0x4000  }
0x150: {  	[sflag:s22] =	ssyncset.done $0x0  }
0x151: {  	s0 =	rddreg [dreg:$0x12];
	[sflag:s22] =	ssyncadd.s32 $0xFFFFC000  }
0x152: {  	[hbm4b:s0+s2] =	stream.linear.scatter [tilespmem:s15], [sflag:$0x7], $0x4000, $0x38;
	[tilespmem:$0x10000] =	vst v63  }
0x153: {  	_ =	swait.ge [sflag:s20], $0x4000  }
0x154: {  	[sflag:s20] =	ssyncset.done $0x0  }
0x155: {  	s0 =	rddreg [dreg:$0x13];
	[sflag:s20] =	ssyncadd.s32 $0xFFFFC000  }
0x156: {  	[tilespmem:s15], [sflag:$0x3] =	stream.linear.gather [hbm4b:s0+s2], $0x4000, $0x38;
	[tilespmem:$0x10000] =	vst v63  }
0x157: {  	_ =	swait.ge [sflag:s18], $0x4000  }
0x158: {  	[sflag:s18] =	ssyncset.done $0x0  }
0x159: {  	s0 =	rddreg [dreg:$0x14];
	[sflag:s18] =	ssyncadd.s32 $0xFFFFC000  }
0x15a: {  	[hbm4b:s0+s2] =	stream.linear.scatter [tilespmem:s12], [sflag:$0x8], $0x4000, $0x38;
	[tilespmem:$0x10000] =	vst v63  }
0x15b: {  	_ =	swait.ge [sflag:s16], $0x4000  }
0x15c: {  	[sflag:s16] =	ssyncset.done $0x0  }
0x15d: {  	s0 =	rddreg [dreg:$0x15];
	[sflag:s16] =	ssyncadd.s32 $0xFFFFC000  }
0x15e: {  	[tilespmem:s12], [sflag:$0x4] =	stream.linear.gather [hbm4b:s0+s2], $0x4000, $0x38;
	[tilespmem:$0x10000] =	vst v63  }
0x15f: {  	_ =	swait.ge [sflag:s10], $0x4000  }
0x160: {  	[sflag:s10] =	ssyncset.done $0x0  }
0x161: {  	s0 =	rddreg [dreg:$0x16];
	[sflag:s10] =	ssyncadd.s32 $0xFFFFC000  }
0x162: {  	[hbm4b:s0+s2] =	stream.linear.scatter [tilespmem:s2], [sflag:$0x5], $0x4000, $0x38;
	[tilespmem:$0x10000] =	vst v63  }
0x163: {  	_ =	swait.ge [sflag:s7], $0x4000  }
0x164: {  	[sflag:s7] =	ssyncset.done $0x0  }
0x165: {  	s0 =	rddreg [dreg:$0x17];
	[sflag:s7] =	ssyncadd.s32 $0xFFFFC000  }
0x166: {  	[tilespmem:s2], [sflag:$0x1] =	stream.linear.gather [hbm4b:s0+s2], $0x4000, $0x38;
	[tilespmem:$0x10000] =	vst v63  }
0x167: {  	_ =	swait.ge [sflag:s8], $0x4000  }
0x168: {  	[sflag:s8] =	ssyncset.done $0x0  }
0x169: {  	s0 =	rddreg [dreg:$0x18];
	[sflag:s8] =	ssyncadd.s32 $0xFFFFC000  }
0x16a: {  	[hbm4b:s0+s2] =	stream.linear.scatter [tilespmem:s4], [sflag:$0x6], $0x4000, $0x38;
	[tilespmem:$0x10000] =	vst v63  }
0x16b: {  	_ =	swait.ge [sflag:s6], $0x4000  }
0x16c: {  	[sflag:s6] =	ssyncset.done $0x0  }
0x16d: {  	s0 =	rddreg [dreg:$0x19];
	[sflag:s6] =	ssyncadd.s32 $0xFFFFC000  }
0x16e: {  	[tilespmem:s4], [sflag:$0x2] =	stream.linear.gather [hbm4b:s0+s2], $0x4000, $0x38;
	[tilespmem:$0x10000] =	vst v63  }
0x16f: {  	_ =	swait.ge [sflag:s22], $0x4000  }
0x170: {  	[sflag:s22] =	ssyncset.done $0x0  }
0x171: {  	s0 =	rddreg [dreg:$0x1a];
	[sflag:s22] =	ssyncadd.s32 $0xFFFFC000  }
0x172: {  	[hbm4b:s0+s2] =	stream.linear.scatter [tilespmem:s15], [sflag:$0x7], $0x4000, $0x38;
	[tilespmem:$0x10000] =	vst v63  }
0x173: {  	_ =	swait.ge [sflag:s20], $0x4000  }
0x174: {  	[sflag:s20] =	ssyncset.done $0x0  }
0x175: {  	s0 =	rddreg [dreg:$0x1b];
	[sflag:s20] =	ssyncadd.s32 $0xFFFFC000  }
0x176: {  	[tilespmem:s15], [sflag:$0x3] =	stream.linear.gather [hbm4b:s0+s2], $0x4000, $0x38;
	[tilespmem:$0x10000] =	vst v63  }
0x177: {  	_ =	swait.ge [sflag:s18], $0x4000  }
0x178: {  	[sflag:s18] =	ssyncset.done $0x0  }
0x179: {  	s0 =	rddreg [dreg:$0x1c];
	[sflag:s18] =	ssyncadd.s32 $0xFFFFC000  }
0x17a: {  	[hbm4b:s0+s2] =	stream.linear.scatter [tilespmem:s12], [sflag:$0x8], $0x4000, $0x38;
	[tilespmem:$0x10000] =	vst v63  }
0x17b: {  	_ =	swait.ge [sflag:s16], $0x4000  }
0x17c: {  	[sflag:s16] =	ssyncset.done $0x0  }
0x17d: {  	s0 =	rddreg [dreg:$0x1d];
	[sflag:s16] =	ssyncadd.s32 $0xFFFFC000  }
0x17e: {  	[tilespmem:s12], [sflag:$0x4] =	stream.linear.gather [hbm4b:s0+s2], $0x4000, $0x38;
	[tilespmem:$0x10000] =	vst v63  }
0x17f: {  	_ =	swait.ge [sflag:s10], $0x4000  }
0x180: {  	[sflag:s10] =	ssyncset.done $0x0  }
0x181: {  	s0 =	rddreg [dreg:$0x1e];
	[sflag:s10] =	ssyncadd.s32 $0xFFFFC000  }
0x182: {  	[hbm4b:s0+s2] =	stream.linear.scatter [tilespmem:s2], [sflag:$0x5], $0x4000, $0x38;
	[tilespmem:$0x10000] =	vst v63  }
0x183: {  	_ =	swait.ge [sflag:s7], $0x4000  }
0x184: {  	[sflag:s7] =	ssyncset.done $0x0  }
0x185: {  	s0 =	rddreg [dreg:$0x1f];
	[sflag:s7] =	ssyncadd.s32 $0xFFFFC000  }
0x186: {  	[tilespmem:s2], [sflag:$0x1] =	stream.linear.gather [hbm4b:s0+s2], $0x4000, $0x38;
	[tilespmem:$0x10000] =	vst v63  }
0x187: {  	_ =	swait.ge [sflag:s8], $0x4000  }
0x188: {  	s0 =	sld [smem:$0x7F8]  }
0x189: {  	[sflag:s8] =	ssyncset.done $0x0  }
0x18a: {  	[sflag:s8] =	ssyncadd.s32 $0xFFFFC000  }
0x18b: {  	[hbm4b:s0+s2] =	stream.linear.scatter [tilespmem:s4], [sflag:$0x6], $0x4000, $0x38;
	[tilespmem:$0x10000] =	vst v63  }
0x18c: {  	_ =	swait.ge [sflag:s6], $0x4000  }
0x18d: {  	s0 =	sld [smem:$0x7F9]  }
0x18e: {  	[sflag:s6] =	ssyncset.done $0x0  }
0x18f: {  	[sflag:s6] =	ssyncadd.s32 $0xFFFFC000  }
0x190: {  	[tilespmem:s4], [sflag:$0x2] =	stream.linear.gather [hbm4b:s0+s2], $0x4000, $0x38;
	[tilespmem:$0x10000] =	vst v63  }
0x191: {  	_ =	swait.ge [sflag:s22], $0x4000  }
0x192: {  	s0 =	sld [smem:$0x7FA]  }
0x193: {  	[sflag:s22] =	ssyncset.done $0x0  }
0x194: {  	[sflag:s22] =	ssyncadd.s32 $0xFFFFC000  }
0x195: {  	[hbm4b:s0+s2] =	stream.linear.scatter [tilespmem:s15], [sflag:$0x7], $0x4000, $0x38;
	[tilespmem:$0x10000] =	vst v63  }
0x196: {  	_ =	swait.ge [sflag:s20], $0x4000  }
0x197: {  	s0 =	sld [smem:$0x7FB]  }
0x198: {  	[sflag:s20] =	ssyncset.done $0x0  }
0x199: {  	[sflag:s20] =	ssyncadd.s32 $0xFFFFC000  }
0x19a: {  	[tilespmem:s15], [sflag:$0x3] =	stream.linear.gather [hbm4b:s0+s2], $0x4000, $0x38;
	[tilespmem:$0x10000] =	vst v63  }
0x19b: {  	_ =	swait.ge [sflag:s18], $0x4000  }
0x19c: {  	s0 =	sld [smem:$0x7FC]  }
0x19d: {  	[sflag:s18] =	ssyncset.done $0x0  }
0x19e: {  	[sflag:s18] =	ssyncadd.s32 $0xFFFFC000  }
0x19f: {  	[hbm4b:s0+s2] =	stream.linear.scatter [tilespmem:s12], [sflag:$0x8], $0x4000, $0x38;
	[tilespmem:$0x10000] =	vst v63  }
0x1a0: {  	_ =	swait.ge [sflag:s16], $0x4000  }
0x1a1: {  	s0 =	sld [smem:$0x7FD]  }
0x1a2: {  	[sflag:s16] =	ssyncset.done $0x0  }
0x1a3: {  	[sflag:s16] =	ssyncadd.s32 $0xFFFFC000  }
0x1a4: {  	[tilespmem:s12], [sflag:$0x4] =	stream.linear.gather [hbm4b:s0+s2], $0x4000, $0x38;
	[tilespmem:$0x10000] =	vst v63  }
0x1a5: {  	_ =	swait.ge [sflag:s10], $0x4000  }
0x1a6: {  	[sflag:s10] =	ssyncset.done $0x0  }
0x1a7: {  	[sflag:s10] =	ssyncadd.s32 $0xFFFFC000  }
0x1a8: {  	[hbm4b:s30+s2] =	stream.linear.scatter [tilespmem:s2], [sflag:$0x5], $0x4000, $0x38;
	[tilespmem:$0x10000] =	vst v63  }
0x1a9: {  	_ =	swait.ge [sflag:s7], $0x4000  }
0x1aa: {  	[sflag:s7] =	ssyncset.done $0x0  }
0x1ab: {  	[sflag:s7] =	ssyncadd.s32 $0xFFFFC000  }
0x1ac: {  	[tilespmem:s2], [sflag:$0x1] =	stream.linear.gather [hbm4b:s29+s2], $0x4000, $0x38;
	[tilespmem:$0x10000] =	vst v63  }
0x1ad: {  	_ =	swait.ge [sflag:s8], $0x4000  }
0x1ae: {  	[sflag:s8] =	ssyncset.done $0x0  }
0x1af: {  	[sflag:s8] =	ssyncadd.s32 $0xFFFFC000  }
0x1b0: {  	[hbm4b:s28+s2] =	stream.linear.scatter [tilespmem:s4], [sflag:$0x6], $0x4000, $0x38;
	[tilespmem:$0x10000] =	vst v63  }
0x1b1: {  	_ =	swait.ge [sflag:s6], $0x4000  }
0x1b2: {  	[sflag:s6] =	ssyncset.done $0x0  }
0x1b3: {  	[sflag:s6] =	ssyncadd.s32 $0xFFFFC000  }
0x1b4: {  	[tilespmem:s4], [sflag:$0x2] =	stream.linear.gather [hbm4b:s26+s2], $0x4000, $0x38;
	[tilespmem:$0x10000] =	vst v63  }
0x1b5: {  	_ =	swait.ge [sflag:s22], $0x4000  }
0x1b6: {  	[sflag:s22] =	ssyncset.done $0x0  }
0x1b7: {  	[sflag:s22] =	ssyncadd.s32 $0xFFFFC000  }
0x1b8: {  	[hbm4b:s25+s2] =	stream.linear.scatter [tilespmem:s15], [sflag:$0x7], $0x4000, $0x38;
	[tilespmem:$0x10000] =	vst v63  }
0x1b9: {  	_ =	swait.ge [sflag:s20], $0x4000  }
0x1ba: {  	[sflag:s20] =	ssyncset.done $0x0  }
0x1bb: {  	[sflag:s20] =	ssyncadd.s32 $0xFFFFC000  }
0x1bc: {  	[tilespmem:s15], [sflag:$0x3] =	stream.linear.gather [hbm4b:s24+s2], $0x4000, $0x38;
	[tilespmem:$0x10000] =	vst v63  }
0x1bd: {  	_ =	swait.ge [sflag:s18], $0x4000  }
0x1be: {  	[sflag:s18] =	ssyncset.done $0x0  }
0x1bf: {  	[sflag:s18] =	ssyncadd.s32 $0xFFFFC000  }
0x1c0: {  	[hbm4b:s23+s2] =	stream.linear.scatter [tilespmem:s12], [sflag:$0x8], $0x4000, $0x38;
	[tilespmem:$0x10000] =	vst v63  }
0x1c1: {  	_ =	swait.ge [sflag:s16], $0x4000  }
0x1c2: {  	[sflag:s16] =	ssyncset.done $0x0  }
0x1c3: {  	[sflag:s16] =	ssyncadd.s32 $0xFFFFC000  }
0x1c4: {  	[tilespmem:s12], [sflag:$0x4] =	stream.linear.gather [hbm4b:s21+s2], $0x4000, $0x38;
	[tilespmem:$0x10000] =	vst v63  }
0x1c5: {  	_ =	swait.ge [sflag:s10], $0x4000  }
0x1c6: {  	[sflag:s10] =	ssyncset.done $0x0  }
0x1c7: {  	[sflag:s10] =	ssyncadd.s32 $0xFFFFC000  }
0x1c8: {  	[hbm4b:s19+s2] =	stream.linear.scatter [tilespmem:s2], [sflag:$0x5], $0x4000, $0x38;
	[tilespmem:$0x10000] =	vst v63  }
0x1c9: {  	_ =	swait.ge [sflag:s7], $0x4000  }
0x1ca: {  	[sflag:s7] =	ssyncset.done $0x0  }
0x1cb: {  	[sflag:s7] =	ssyncadd.s32 $0xFFFFC000  }
0x1cc: {  	[tilespmem:s2], [sflag:$0x1] =	stream.linear.gather [hbm4b:s17+s2], $0x4000, $0x38;
	[tilespmem:$0x10000] =	vst v63  }
0x1cd: {  	_ =	swait.ge [sflag:s8], $0x4000  }
0x1ce: {  	[sflag:s8] =	ssyncset.done $0x0  }
0x1cf: {  	[sflag:s8] =	ssyncadd.s32 $0xFFFFC000  }
0x1d0: {  	[hbm4b:s14+s2] =	stream.linear.scatter [tilespmem:s4], [sflag:$0x6], $0x4000, $0x38;
	[tilespmem:$0x10000] =	vst v63  }
0x1d1: {  	_ =	swait.ge [sflag:s6], $0x4000  }
0x1d2: {  	[sflag:s6] =	ssyncset.done $0x0  }
0x1d3: {  	[sflag:s6] =	ssyncadd.s32 $0xFFFFC000  }
0x1d4: {  	[tilespmem:s4], [sflag:$0x2] =	stream.linear.gather [hbm4b:s13+s2], $0x4000, $0x38;
	[tilespmem:$0x10000] =	vst v63  }
0x1d5: {  	_ =	swait.ge [sflag:s22], $0x4000  }
0x1d6: {  	[sflag:s22] =	ssyncset.done $0x0  }
0x1d7: {  	[sflag:s22] =	ssyncadd.s32 $0xFFFFC000  }
0x1d8: {  	[hbm4b:s11+s2] =	stream.linear.scatter [tilespmem:s15], [sflag:$0x7], $0x4000, $0x38;
	[tilespmem:$0x10000] =	vst v63  }
0x1d9: {  	_ =	swait.ge [sflag:s20], $0x4000  }
0x1da: {  	[sflag:s20] =	ssyncset.done $0x0  }
0x1db: {  	[sflag:s20] =	ssyncadd.s32 $0xFFFFC000  }
0x1dc: {  	_ =	swait.ge [sflag:s18], $0x4000  }
0x1dd: {  	[sflag:s18] =	ssyncset.done $0x0  }
0x1de: {  	[sflag:s18] =	ssyncadd.s32 $0xFFFFC000  }
0x1df: {  	[hbm4b:s9+s2] =	stream.linear.scatter [tilespmem:s12], [sflag:$0x8], $0x4000, $0x38;
	[tilespmem:$0x10000] =	vst v63  }
0x1e0: {  	_ =	swait.ge [sflag:s16], $0x4000  }
0x1e1: {  	[sflag:s16] =	ssyncset.done $0x0  }
0x1e2: {  	[sflag:s16] =	ssyncadd.s32 $0xFFFFC000  }
0x1e3: {  	_ =	swait.ge [sflag:s10], $0x4000  }
0x1e4: {  	[sflag:s10] =	ssyncset.done $0x0  }
0x1e5: {  	[sflag:s10] =	ssyncadd.s32 $0xFFFFC000  }
0x1e6: {  	[hbm4b:s5+s2] =	stream.linear.scatter [tilespmem:s2], [sflag:$0x5], $0x4000, $0x38;
	[tilespmem:$0x10000] =	vst v63  }
0x1e7: {  	_ =	swait.ge [sflag:s7], $0x4000  }
0x1e8: {  	[sflag:s7] =	ssyncset.done $0x0  }
0x1e9: {  	[sflag:s7] =	ssyncadd.s32 $0xFFFFC000  }
0x1ea: {  	p1 =	sne.s32 s1, $0x1;
	_ =	swait.ge [sflag:s8], $0x4000  }
.Ltmp2:
0x1eb: {  	[sflag:s8] =	ssyncset.done $0x0;
	(pc) =	sbr.rel @p1 .LBB2_2-.Ltmp2, $4  }
0x1ec: {  	[sflag:s8] =	ssyncadd.s32 $0xFFFFC000  }
0x1ed: {  	[hbm4b:s3+s2] =	stream.linear.scatter [tilespmem:s4], [sflag:$0x6], $0x4000, $0x38;
	[tilespmem:$0x10000] =	vst v63  }
0x1ee: {  	_ =	swait.ge [sflag:s6], $0x4000  }
0x1ef: {  	s1 =	sadd.s32 $0xFFFFFFFF, s1;
	s0 =	rddreg [dreg:$0x3];
	[sflag:s6] =	ssyncset.done $0x0  }
.LBB2_3:
0x1f0: {  	[sflag:s6] =	ssyncadd.s32 @p0 $0xFFFFC000  }
0x1f1: {  	[tilespmem:s2], [sflag:$0x1] =	stream.linear.gather [hbm4b:s0+s2], $0x4000, $0x38;
	[tilespmem:$0x10000] =	vst v63  }
0x1f2: {  	s1 =	rddreg [dreg:$0x4]  }
0x1f3: {  	[tilespmem:s4], [sflag:$0x2] =	stream.linear.gather [hbm4b:s1+s2], $0x4000, $0x38;
	[tilespmem:$0x10000] =	vst v63  }
0x1f4: {  	s0 =	rddreg [dreg:$0x5]  }
0x1f5: {  	[tilespmem:s15], [sflag:$0x3] =	stream.linear.gather [hbm4b:s0+s2], $0x4000, $0x38;
	[tilespmem:$0x10000] =	vst v63  }
0x1f6: {  	s1 =	rddreg [dreg:$0x6]  }
0x1f7: {  	[tilespmem:s12], [sflag:$0x4] =	stream.linear.gather [hbm4b:s1+s2], $0x4000, $0x38;
	[tilespmem:$0x10000] =	vst v63  }
0x1f8: {  	_ =	swait.ge [sflag:s10], $0x4000  }
0x1f9: {  	[sflag:s10] =	ssyncset.done $0x0  }
0x1fa: {  	[sflag:s10] =	ssyncadd.s32 $0xFFFFC000  }
0x1fb: {  	[hbm4b:s31+s2] =	stream.linear.scatter [tilespmem:s2], [sflag:$0x5], $0x4000, $0x38;
	[tilespmem:$0x10000] =	vst v63  }
0x1fc: {  	_ =	swait.ge [sflag:s7], $0x4000  }
0x1fd: {  	[sflag:s7] =	ssyncset.done $0x0  }
0x1fe: {  	s1 =	rddreg [dreg:$0x7];
	[sflag:s7] =	ssyncadd.s32 $0xFFFFC000  }
0x1ff: {  	[tilespmem:s2], [sflag:$0x1] =	stream.linear.gather [hbm4b:s1+s2], $0x4000, $0x38;
	[tilespmem:$0x10000] =	vst v63  }
0x200: {  	_ =	swait.ge [sflag:s8], $0x4000  }
0x201: {  	[sflag:s8] =	ssyncset.done $0x0  }
0x202: {  	s31 =	rddreg [dreg:$0x8];
	[sflag:s8] =	ssyncadd.s32 $0xFFFFC000  }
0x203: {  	[hbm4b:s31+s2] =	stream.linear.scatter [tilespmem:s4], [sflag:$0x6], $0x4000, $0x38;
	[tilespmem:$0x10000] =	vst v63  }
0x204: {  	_ =	swait.ge [sflag:s6], $0x4000  }
0x205: {  	[sflag:s6] =	ssyncset.done $0x0  }
0x206: {  	s1 =	rddreg [dreg:$0x9];
	[sflag:s6] =	ssyncadd.s32 $0xFFFFC000  }
0x207: {  	[tilespmem:s4], [sflag:$0x2] =	stream.linear.gather [hbm4b:s1+s2], $0x4000, $0x38;
	[tilespmem:$0x10000] =	vst v63  }
0x208: {  	_ =	swait.ge [sflag:s22], $0x4000  }
0x209: {  	[sflag:s22] =	ssyncset.done $0x0  }
0x20a: {  	s31 =	rddreg [dreg:$0xa];
	[sflag:s22] =	ssyncadd.s32 $0xFFFFC000  }
0x20b: {  	[hbm4b:s31+s2] =	stream.linear.scatter [tilespmem:s15], [sflag:$0x7], $0x4000, $0x38;
	[tilespmem:$0x10000] =	vst v63  }
0x20c: {  	_ =	swait.ge [sflag:s20], $0x4000  }
0x20d: {  	[sflag:s20] =	ssyncset.done $0x0  }
0x20e: {  	s1 =	rddreg [dreg:$0xb];
	[sflag:s20] =	ssyncadd.s32 $0xFFFFC000  }
0x20f: {  	[tilespmem:s15], [sflag:$0x3] =	stream.linear.gather [hbm4b:s1+s2], $0x4000, $0x38;
	[tilespmem:$0x10000] =	vst v63  }
0x210: {  	_ =	swait.ge [sflag:s18], $0x4000  }
0x211: {  	[sflag:s18] =	ssyncset.done $0x0  }
0x212: {  	s31 =	rddreg [dreg:$0xc];
	[sflag:s18] =	ssyncadd.s32 $0xFFFFC000  }
0x213: {  	[hbm4b:s31+s2] =	stream.linear.scatter [tilespmem:s12], [sflag:$0x8], $0x4000, $0x38;
	[tilespmem:$0x10000] =	vst v63  }
0x214: {  	_ =	swait.ge [sflag:s16], $0x4000  }
0x215: {  	[sflag:s16] =	ssyncset.done $0x0  }
0x216: {  	s1 =	rddreg [dreg:$0xd];
	[sflag:s16] =	ssyncadd.s32 $0xFFFFC000  }
0x217: {  	[tilespmem:s12], [sflag:$0x4] =	stream.linear.gather [hbm4b:s1+s2], $0x4000, $0x38;
	[tilespmem:$0x10000] =	vst v63  }
0x218: {  	_ =	swait.ge [sflag:s10], $0x4000  }
0x219: {  	[sflag:s10] =	ssyncset.done $0x0  }
0x21a: {  	s31 =	rddreg [dreg:$0xe];
	[sflag:s10] =	ssyncadd.s32 $0xFFFFC000  }
0x21b: {  	[hbm4b:s31+s2] =	stream.linear.scatter [tilespmem:s2], [sflag:$0x5], $0x4000, $0x38;
	[tilespmem:$0x10000] =	vst v63  }
0x21c: {  	_ =	swait.ge [sflag:s7], $0x4000  }
0x21d: {  	[sflag:s7] =	ssyncset.done $0x0  }
0x21e: {  	s1 =	rddreg [dreg:$0xf];
	[sflag:s7] =	ssyncadd.s32 $0xFFFFC000  }
0x21f: {  	[tilespmem:s2], [sflag:$0x1] =	stream.linear.gather [hbm4b:s1+s2], $0x4000, $0x38;
	[tilespmem:$0x10000] =	vst v63  }
0x220: {  	_ =	swait.ge [sflag:s8], $0x4000  }
0x221: {  	[sflag:s8] =	ssyncset.done $0x0  }
0x222: {  	s31 =	rddreg [dreg:$0x10];
	[sflag:s8] =	ssyncadd.s32 $0xFFFFC000  }
0x223: {  	[hbm4b:s31+s2] =	stream.linear.scatter [tilespmem:s4], [sflag:$0x6], $0x4000, $0x38;
	[tilespmem:$0x10000] =	vst v63  }
0x224: {  	_ =	swait.ge [sflag:s6], $0x4000  }
0x225: {  	[sflag:s6] =	ssyncset.done $0x0  }
0x226: {  	s1 =	rddreg [dreg:$0x11];
	[sflag:s6] =	ssyncadd.s32 $0xFFFFC000  }
0x227: {  	[tilespmem:s4], [sflag:$0x2] =	stream.linear.gather [hbm4b:s1+s2], $0x4000, $0x38;
	[tilespmem:$0x10000] =	vst v63  }
0x228: {  	_ =	swait.ge [sflag:s22], $0x4000  }
0x229: {  	[sflag:s22] =	ssyncset.done $0x0  }
0x22a: {  	s31 =	rddreg [dreg:$0x12];
	[sflag:s22] =	ssyncadd.s32 $0xFFFFC000  }
0x22b: {  	[hbm4b:s31+s2] =	stream.linear.scatter [tilespmem:s15], [sflag:$0x7], $0x4000, $0x38;
	[tilespmem:$0x10000] =	vst v63  }
0x22c: {  	_ =	swait.ge [sflag:s20], $0x4000  }
0x22d: {  	[sflag:s20] =	ssyncset.done $0x0  }
0x22e: {  	s1 =	rddreg [dreg:$0x13];
	[sflag:s20] =	ssyncadd.s32 $0xFFFFC000  }
0x22f: {  	[tilespmem:s15], [sflag:$0x3] =	stream.linear.gather [hbm4b:s1+s2], $0x4000, $0x38;
	[tilespmem:$0x10000] =	vst v63  }
0x230: {  	_ =	swait.ge [sflag:s18], $0x4000  }
0x231: {  	[sflag:s18] =	ssyncset.done $0x0  }
0x232: {  	s31 =	rddreg [dreg:$0x14];
	[sflag:s18] =	ssyncadd.s32 $0xFFFFC000  }
0x233: {  	[hbm4b:s31+s2] =	stream.linear.scatter [tilespmem:s12], [sflag:$0x8], $0x4000, $0x38;
	[tilespmem:$0x10000] =	vst v63  }
0x234: {  	_ =	swait.ge [sflag:s16], $0x4000  }
0x235: {  	[sflag:s16] =	ssyncset.done $0x0  }
0x236: {  	s1 =	rddreg [dreg:$0x15];
	[sflag:s16] =	ssyncadd.s32 $0xFFFFC000  }
0x237: {  	[tilespmem:s12], [sflag:$0x4] =	stream.linear.gather [hbm4b:s1+s2], $0x4000, $0x38;
	[tilespmem:$0x10000] =	vst v63  }
0x238: {  	_ =	swait.ge [sflag:s10], $0x4000  }
0x239: {  	[sflag:s10] =	ssyncset.done $0x0  }
0x23a: {  	s31 =	rddreg [dreg:$0x16];
	[sflag:s10] =	ssyncadd.s32 $0xFFFFC000  }
0x23b: {  	[hbm4b:s31+s2] =	stream.linear.scatter [tilespmem:s2], [sflag:$0x5], $0x4000, $0x38;
	[tilespmem:$0x10000] =	vst v63  }
0x23c: {  	_ =	swait.ge [sflag:s7], $0x4000  }
0x23d: {  	[sflag:s7] =	ssyncset.done $0x0  }
0x23e: {  	s1 =	rddreg [dreg:$0x17];
	[sflag:s7] =	ssyncadd.s32 $0xFFFFC000  }
0x23f: {  	[tilespmem:s2], [sflag:$0x1] =	stream.linear.gather [hbm4b:s1+s2], $0x4000, $0x38;
	[tilespmem:$0x10000] =	vst v63  }
0x240: {  	_ =	swait.ge [sflag:s8], $0x4000  }
0x241: {  	[sflag:s8] =	ssyncset.done $0x0  }
0x242: {  	s31 =	rddreg [dreg:$0x18];
	[sflag:s8] =	ssyncadd.s32 $0xFFFFC000  }
0x243: {  	[hbm4b:s31+s2] =	stream.linear.scatter [tilespmem:s4], [sflag:$0x6], $0x4000, $0x38;
	[tilespmem:$0x10000] =	vst v63  }
0x244: {  	_ =	swait.ge [sflag:s6], $0x4000  }
0x245: {  	[sflag:s6] =	ssyncset.done $0x0  }
0x246: {  	s1 =	rddreg [dreg:$0x19];
	[sflag:s6] =	ssyncadd.s32 $0xFFFFC000  }
0x247: {  	[tilespmem:s4], [sflag:$0x2] =	stream.linear.gather [hbm4b:s1+s2], $0x4000, $0x38;
	[tilespmem:$0x10000] =	vst v63  }
0x248: {  	_ =	swait.ge [sflag:s22], $0x4000  }
0x249: {  	[sflag:s22] =	ssyncset.done $0x0  }
0x24a: {  	s31 =	rddreg [dreg:$0x1a];
	[sflag:s22] =	ssyncadd.s32 $0xFFFFC000  }
0x24b: {  	[hbm4b:s31+s2] =	stream.linear.scatter [tilespmem:s15], [sflag:$0x7], $0x4000, $0x38;
	[tilespmem:$0x10000] =	vst v63  }
0x24c: {  	_ =	swait.ge [sflag:s20], $0x4000  }
0x24d: {  	[sflag:s20] =	ssyncset.done $0x0  }
0x24e: {  	s1 =	rddreg [dreg:$0x1b];
	[sflag:s20] =	ssyncadd.s32 $0xFFFFC000  }
0x24f: {  	[tilespmem:s15], [sflag:$0x3] =	stream.linear.gather [hbm4b:s1+s2], $0x4000, $0x38;
	[tilespmem:$0x10000] =	vst v63  }
0x250: {  	_ =	swait.ge [sflag:s18], $0x4000  }
0x251: {  	[sflag:s18] =	ssyncset.done $0x0  }
0x252: {  	s31 =	rddreg [dreg:$0x1c];
	[sflag:s18] =	ssyncadd.s32 $0xFFFFC000  }
0x253: {  	[hbm4b:s31+s2] =	stream.linear.scatter [tilespmem:s12], [sflag:$0x8], $0x4000, $0x38;
	[tilespmem:$0x10000] =	vst v63  }
0x254: {  	_ =	swait.ge [sflag:s16], $0x4000  }
0x255: {  	[sflag:s16] =	ssyncset.done $0x0  }
0x256: {  	s1 =	rddreg [dreg:$0x1d];
	[sflag:s16] =	ssyncadd.s32 $0xFFFFC000  }
0x257: {  	[tilespmem:s12], [sflag:$0x4] =	stream.linear.gather [hbm4b:s1+s2], $0x4000, $0x38;
	[tilespmem:$0x10000] =	vst v63  }
0x258: {  	_ =	swait.ge [sflag:s10], $0x4000  }
0x259: {  	[sflag:s10] =	ssyncset.done $0x0  }
0x25a: {  	s31 =	rddreg [dreg:$0x1e];
	[sflag:s10] =	ssyncadd.s32 $0xFFFFC000  }
0x25b: {  	[hbm4b:s31+s2] =	stream.linear.scatter [tilespmem:s2], [sflag:$0x5], $0x4000, $0x38;
	[tilespmem:$0x10000] =	vst v63  }
0x25c: {  	_ =	swait.ge [sflag:s7], $0x4000  }
0x25d: {  	[sflag:s7] =	ssyncset.done $0x0  }
0x25e: {  	s1 =	rddreg [dreg:$0x1f];
	[sflag:s7] =	ssyncadd.s32 $0xFFFFC000  }
0x25f: {  	[tilespmem:s2], [sflag:$0x1] =	stream.linear.gather [hbm4b:s1+s2], $0x4000, $0x38;
	[tilespmem:$0x10000] =	vst v63  }
0x260: {  	_ =	swait.ge [sflag:s8], $0x4000  }
0x261: {  	s31 =	sld [smem:$0x7F8]  }
0x262: {  	[sflag:s8] =	ssyncset.done $0x0  }
0x263: {  	[sflag:s8] =	ssyncadd.s32 $0xFFFFC000  }
0x264: {  	[hbm4b:s31+s2] =	stream.linear.scatter [tilespmem:s4], [sflag:$0x6], $0x4000, $0x38;
	[tilespmem:$0x10000] =	vst v63  }
0x265: {  	_ =	swait.ge [sflag:s6], $0x4000  }
0x266: {  	s1 =	sld [smem:$0x7F9]  }
0x267: {  	[sflag:s6] =	ssyncset.done $0x0  }
0x268: {  	[sflag:s6] =	ssyncadd.s32 $0xFFFFC000  }
0x269: {  	[tilespmem:s4], [sflag:$0x2] =	stream.linear.gather [hbm4b:s1+s2], $0x4000, $0x38;
	[tilespmem:$0x10000] =	vst v63  }
0x26a: {  	_ =	swait.ge [sflag:s22], $0x4000  }
0x26b: {  	s31 =	sld [smem:$0x7FA]  }
0x26c: {  	[sflag:s22] =	ssyncset.done $0x0  }
0x26d: {  	[sflag:s22] =	ssyncadd.s32 $0xFFFFC000  }
0x26e: {  	[hbm4b:s31+s2] =	stream.linear.scatter [tilespmem:s15], [sflag:$0x7], $0x4000, $0x38;
	[tilespmem:$0x10000] =	vst v63  }
0x26f: {  	_ =	swait.ge [sflag:s20], $0x4000  }
0x270: {  	s1 =	sld [smem:$0x7FB]  }
0x271: {  	[sflag:s20] =	ssyncset.done $0x0  }
0x272: {  	[sflag:s20] =	ssyncadd.s32 $0xFFFFC000  }
0x273: {  	[tilespmem:s15], [sflag:$0x3] =	stream.linear.gather [hbm4b:s1+s2], $0x4000, $0x38;
	[tilespmem:$0x10000] =	vst v63  }
0x274: {  	_ =	swait.ge [sflag:s18], $0x4000  }
0x275: {  	s31 =	sld [smem:$0x7FC]  }
0x276: {  	[sflag:s18] =	ssyncset.done $0x0  }
0x277: {  	[sflag:s18] =	ssyncadd.s32 $0xFFFFC000  }
0x278: {  	[hbm4b:s31+s2] =	stream.linear.scatter [tilespmem:s12], [sflag:$0x8], $0x4000, $0x38;
	[tilespmem:$0x10000] =	vst v63  }
0x279: {  	_ =	swait.ge [sflag:s16], $0x4000  }
0x27a: {  	s1 =	sld [smem:$0x7FD]  }
0x27b: {  	[sflag:s16] =	ssyncset.done $0x0  }
0x27c: {  	[sflag:s16] =	ssyncadd.s32 $0xFFFFC000  }
0x27d: {  	[tilespmem:s12], [sflag:$0x4] =	stream.linear.gather [hbm4b:s1+s2], $0x4000, $0x38;
	[tilespmem:$0x10000] =	vst v63  }
0x27e: {  	_ =	swait.ge [sflag:s10], $0x4000  }
0x27f: {  	[sflag:s10] =	ssyncset.done $0x0  }
0x280: {  	[sflag:s10] =	ssyncadd.s32 $0xFFFFC000  }
0x281: {  	[hbm4b:s30+s2] =	stream.linear.scatter [tilespmem:s2], [sflag:$0x5], $0x4000, $0x38;
	[tilespmem:$0x10000] =	vst v63  }
0x282: {  	_ =	swait.ge [sflag:s7], $0x4000  }
0x283: {  	[sflag:s7] =	ssyncset.done $0x0  }
0x284: {  	[sflag:s7] =	ssyncadd.s32 $0xFFFFC000  }
0x285: {  	[tilespmem:s2], [sflag:$0x1] =	stream.linear.gather [hbm4b:s29+s2], $0x4000, $0x38;
	[tilespmem:$0x10000] =	vst v63  }
0x286: {  	_ =	swait.ge [sflag:s8], $0x4000  }
0x287: {  	[sflag:s8] =	ssyncset.done $0x0  }
0x288: {  	[sflag:s8] =	ssyncadd.s32 $0xFFFFC000  }
0x289: {  	[hbm4b:s28+s2] =	stream.linear.scatter [tilespmem:s4], [sflag:$0x6], $0x4000, $0x38;
	[tilespmem:$0x10000] =	vst v63  }
0x28a: {  	_ =	swait.ge [sflag:s6], $0x4000  }
0x28b: {  	[sflag:s6] =	ssyncset.done $0x0  }
0x28c: {  	[sflag:s6] =	ssyncadd.s32 $0xFFFFC000  }
0x28d: {  	[tilespmem:s4], [sflag:$0x2] =	stream.linear.gather [hbm4b:s26+s2], $0x4000, $0x38;
	[tilespmem:$0x10000] =	vst v63  }
0x28e: {  	_ =	swait.ge [sflag:s22], $0x4000  }
0x28f: {  	[sflag:s22] =	ssyncset.done $0x0  }
0x290: {  	[sflag:s22] =	ssyncadd.s32 $0xFFFFC000  }
0x291: {  	[hbm4b:s25+s2] =	stream.linear.scatter [tilespmem:s15], [sflag:$0x7], $0x4000, $0x38;
	[tilespmem:$0x10000] =	vst v63  }
0x292: {  	_ =	swait.ge [sflag:s20], $0x4000  }
0x293: {  	[sflag:s20] =	ssyncset.done $0x0  }
0x294: {  	[sflag:s20] =	ssyncadd.s32 $0xFFFFC000  }
0x295: {  	[tilespmem:s15], [sflag:$0x3] =	stream.linear.gather [hbm4b:s24+s2], $0x4000, $0x38;
	[tilespmem:$0x10000] =	vst v63  }
0x296: {  	_ =	swait.ge [sflag:s18], $0x4000  }
0x297: {  	[sflag:s18] =	ssyncset.done $0x0  }
0x298: {  	[sflag:s18] =	ssyncadd.s32 $0xFFFFC000  }
0x299: {  	[hbm4b:s23+s2] =	stream.linear.scatter [tilespmem:s12], [sflag:$0x8], $0x4000, $0x38;
	[tilespmem:$0x10000] =	vst v63  }
0x29a: {  	_ =	swait.ge [sflag:s16], $0x4000  }
0x29b: {  	[sflag:s16] =	ssyncset.done $0x0  }
0x29c: {  	[sflag:s16] =	ssyncadd.s32 $0xFFFFC000  }
0x29d: {  	[tilespmem:s12], [sflag:$0x4] =	stream.linear.gather [hbm4b:s21+s2], $0x4000, $0x38;
	[tilespmem:$0x10000] =	vst v63  }
0x29e: {  	_ =	swait.ge [sflag:s10], $0x4000  }
0x29f: {  	[sflag:s10] =	ssyncset.done $0x0  }
0x2a0: {  	[sflag:s10] =	ssyncadd.s32 $0xFFFFC000  }
0x2a1: {  	[hbm4b:s19+s2] =	stream.linear.scatter [tilespmem:s2], [sflag:$0x5], $0x4000, $0x38;
	[tilespmem:$0x10000] =	vst v63  }
0x2a2: {  	_ =	swait.ge [sflag:s7], $0x4000  }
0x2a3: {  	[sflag:s7] =	ssyncset.done $0x0  }
0x2a4: {  	[sflag:s7] =	ssyncadd.s32 $0xFFFFC000  }
0x2a5: {  	[tilespmem:s2], [sflag:$0x1] =	stream.linear.gather [hbm4b:s17+s2], $0x4000, $0x38;
	[tilespmem:$0x10000] =	vst v63  }
0x2a6: {  	_ =	swait.ge [sflag:s8], $0x4000  }
0x2a7: {  	[sflag:s8] =	ssyncset.done $0x0  }
0x2a8: {  	[sflag:s8] =	ssyncadd.s32 $0xFFFFC000  }
0x2a9: {  	[hbm4b:s14+s2] =	stream.linear.scatter [tilespmem:s4], [sflag:$0x6], $0x4000, $0x38;
	[tilespmem:$0x10000] =	vst v63  }
0x2aa: {  	_ =	swait.ge [sflag:s6], $0x4000  }
0x2ab: {  	[sflag:s6] =	ssyncset.done $0x0  }
0x2ac: {  	[sflag:s6] =	ssyncadd.s32 $0xFFFFC000  }
0x2ad: {  	[tilespmem:s4], [sflag:$0x2] =	stream.linear.gather [hbm4b:s13+s2], $0x4000, $0x38;
	[tilespmem:$0x10000] =	vst v63  }
0x2ae: {  	_ =	swait.ge [sflag:s22], $0x4000  }
0x2af: {  	[sflag:s22] =	ssyncset.done $0x0  }
0x2b0: {  	[sflag:s22] =	ssyncadd.s32 $0xFFFFC000  }
0x2b1: {  	[hbm4b:s11+s2] =	stream.linear.scatter [tilespmem:s15], [sflag:$0x7], $0x4000, $0x38;
	[tilespmem:$0x10000] =	vst v63  }
0x2b2: {  	_ =	swait.ge [sflag:s20], $0x4000  }
0x2b3: {  	[sflag:s20] =	ssyncset.done $0x0  }
0x2b4: {  	[sflag:s20] =	ssyncadd.s32 $0xFFFFC000  }
0x2b5: {  	_ =	swait.ge [sflag:s18], $0x4000  }
0x2b6: {  	[sflag:s18] =	ssyncset.done $0x0  }
0x2b7: {  	[sflag:s18] =	ssyncadd.s32 $0xFFFFC000  }
0x2b8: {  	[hbm4b:s9+s2] =	stream.linear.scatter [tilespmem:s12], [sflag:$0x8], $0x4000, $0x38;
	[tilespmem:$0x10000] =	vst v63  }
0x2b9: {  	_ =	swait.ge [sflag:s16], $0x4000  }
0x2ba: {  	[sflag:s16] =	ssyncset.done $0x0  }
0x2bb: {  	[sflag:s16] =	ssyncadd.s32 $0xFFFFC000  }
0x2bc: {  	_ =	swait.ge [sflag:s10], $0x4000  }
0x2bd: {  	[sflag:s10] =	ssyncset.done $0x0  }
0x2be: {  	[sflag:s10] =	ssyncadd.s32 $0xFFFFC000  }
0x2bf: {  	[hbm4b:s5+s2] =	stream.linear.scatter [tilespmem:s2], [sflag:$0x5], $0x4000, $0x38;
	[tilespmem:$0x10000] =	vst v63  }
0x2c0: {  	_ =	swait.ge [sflag:s7], $0x4000  }
0x2c1: {  	[sflag:s7] =	ssyncset.done $0x0  }
0x2c2: {  	[sflag:s7] =	ssyncadd.s32 $0xFFFFC000  }
0x2c3: {  	_ =	swait.ge [sflag:s8], $0x4000  }
0x2c4: {  	[sflag:s8] =	ssyncset.done $0x0  }
0x2c5: {  	[sflag:s8] =	ssyncadd.s32 $0xFFFFC000  }
0x2c6: {  	[hbm4b:s3+s2] =	stream.linear.scatter [tilespmem:s4], [sflag:$0x6], $0x4000, $0x38;
	[tilespmem:$0x10000] =	vst v63  }
0x2c7: {  	_ =	swait.ge [sflag:s6], $0x4000  }
0x2c8: {  	[sflag:s6] =	ssyncset.done $0x0  }
0x2c9: {  	[sflag:s6] =	ssyncadd.s32 $0xFFFFC000  }
0x2ca: {  	_ =	sfence.sel $0x180000  }
0x2cb: {  	[bflag:$0x0] =	sbarrier.arrive $0xFFFF  }
0x2cc: {  	_ =	strace $0x90000047  }
0x2cd: {  	s31 =	stileid.u32;
	[bflag:$0x2] =	sbarrier.arrive $0xFFFF  }
0x2ce: {  	p0 =	sne.s32 s31, $0x0;
	s0 =	rddreg [dreg:$0x2]  }
0x2cf: {  	s0 =	sadd.s32 @!p0 $0x100000, s0  }
0x2d0: {  	[sflag:s0] =	ssyncadd.tile.s32 @!p0 $0x1;
	_ =	shalt  }
.Lfunc_end2:
_tile_overlayer_lowered:
.L_overlay_start_2:
0x2d1: {  	(tag) =	ssettag $0x2  }
0x2d2: {  	s0 =	rddreg [dreg:$0x0];
	s2 =	stileid.u32  }
0x2d3: {  	s1 =	rddreg [dreg:$0x1];
	p0 =	sne.s32 s2, $0x0  }
0x2d4: {  	s3 =	rddreg [dreg:$0x2];
	[bflag:$0x3] =	sbarrier.arrive $0xFFFF;
	s2 =	simm.s32 @!p0 $0x1C09  }
0x2d5: {  	[timem:s3], [sflag:s2] =	dma.local @!p0 [hbm:s0], s1  }
0x2d6: {  	s0 =	simm.s32 @!p0 $0x9  }
0x2d7: {  	_ =	swait.ge @!p0 [sflag:s0], s1  }
0x2d8: {  	s1 =	ssub.s32 @!p0 $0x0, s1;
	[sflag:s0] =	ssyncset.done @!p0 $0x0  }
0x2d9: {  	[sflag:s0] =	ssyncadd.s32 @!p0 s1  }
0x2da: {  	[bflag:$0x3] =	sbarrier.arrive $0xFFFF  }
0x2db: {  	_ =	shalt  }

</sc_bundles>
